<compile_context>
chip_gen: v7x
topology: tpu7x:2x2x1
jax: 0.10.2.dev20260603
libtpu: 0.0.44.dev20260713+nightly
codegen_flags: <defaults>
</compile_context>

<pallas_src>
import functools

import jax
import jax.numpy as jnp
from jax import lax
from jax.experimental import pallas as pl
from jax.experimental.pallas import tpu as pltpu
from jax.experimental.pallas import tpu_sc as plsc

_F32 = jnp.float32
NC = 2
NS = 16
NW = NC * NS


def _sc_mesh():
    return plsc.VectorSubcoreMesh(
        core_axis_name="c", subcore_axis_name="s", num_cores=NC,
        num_subcores=NS)


def _fill_1d(ref, n, value):
    v = jnp.full((16,), value, _F32)

    def body(i, carry):
        ref[pl.ds(i * 16, 16)] = v
        return carry

    lax.fori_loop(0, n // 16, body, 0)


def _sc_degree(src, npad):
    e = src.shape[0]
    epw = e // NW
    ch = 2000
    assert epw % ch == 0
    stripe = npad // NS

    @functools.partial(
        pl.kernel,
        out_type=jax.ShapeDtypeStruct((NC, npad), _F32),
        mesh=_sc_mesh(),
        scratch_types=[
            pltpu.VMEM((ch,), _F32),
            pltpu.VMEM((ch,), jnp.int32),
            pltpu.VMEM((ch,), jnp.int32),
            pltpu.VMEM((stripe,), _F32),
            pltpu.VMEM_SHARED((npad,), _F32),
            pltpu.SemaphoreType.DMA,
            pltpu.SemaphoreType.DMA,
        ],
    )
    def k(src_hbm, out_hbm, ones_v, idx0_v, idx1_v, zero_v, acc_sp,
          sem0, sem1):
        c = lax.axis_index("c")
        s = lax.axis_index("s")
        idx = (idx0_v, idx1_v)
        sems = (sem0, sem1)
        nit = epw // ch
        _fill_1d(ones_v, ch, 1.0)
        _fill_1d(zero_v, stripe, 0.0)
        base = (c * NS + s) * epw
        for b in range(2):
            pltpu.async_copy(src_hbm.at[pl.ds(base + b * ch, ch)], idx[b],
                             sems[b])
        pltpu.sync_copy(zero_v, acc_sp.at[pl.ds(s * stripe, stripe)])
        plsc.subcore_barrier()

        def it(kk, carry):
            for b in range(2):
                kc = kk * 2 + b

                @pl.when(kc < nit)
                def _():
                    pltpu.make_async_copy(
                        src_hbm.at[pl.ds(0, ch)], idx[b], sems[b]).wait()
                    pltpu.sync_copy(ones_v, acc_sp.at[idx[b]], add=True)

                    @pl.when(kc + 2 < nit)
                    def _():
                        pltpu.async_copy(
                            src_hbm.at[pl.ds(base + (kc + 2) * ch, ch)],
                            idx[b], sems[b])

            return carry

        lax.fori_loop(0, -(-nit // 2), it, 0)
        plsc.subcore_barrier()
        pltpu.sync_copy(acc_sp.at[pl.ds(s * stripe, stripe)],
                        out_hbm.at[c, pl.ds(s * stripe, stripe)])

    return k(src)


def _sc_accum_rows(zs, src, dst, npad):
    n, h = zs.shape
    e = src.shape[0]
    epw = e // NW
    ch = 80
    nit = epw // ch
    assert epw % ch == 0 and ch % 8 == 0
    stripe = npad // NS
    assert stripe % ch == 0 and stripe % 128 == 0
    ngrp = -(-nit // 8)

    @functools.partial(
        pl.kernel,
        out_type=jax.ShapeDtypeStruct((NC, npad, h), _F32),
        mesh=_sc_mesh(),
        scratch_types=(
            [pltpu.VMEM((ch, h), _F32)] * 4
            + [pltpu.VMEM((ch,), jnp.int32)] * 8
            + [pltpu.VMEM((ch,), jnp.int32)] * 8
            + [pltpu.VMEM_SHARED((npad, h), _F32)]
            + [pltpu.SemaphoreType.DMA] * 4
            + [pltpu.SemaphoreType.DMA] * 4
            + [pltpu.SemaphoreType.DMA] * 8
        ),
    )
    def k(zs_hbm, src_hbm, dst_hbm, out_hbm, *refs):
        rows = refs[0:4]
        sidx = refs[4:12]
        didx = refs[12:20]
        acc_sp = refs[20]
        gsem = refs[21:25]
        ssem = refs[25:29]
        isem = refs[29:37]
        c = lax.axis_index("c")
        s = lax.axis_index("s")

        zv = jnp.zeros((16,), _F32)

        def zf(i, carry):
            for j in range(h // 16):
                rows[0][i, pl.ds(j * 16, 16)] = zv
            return carry

        lax.fori_loop(0, ch, zf, 0)

        def zc(j, carry):
            pltpu.sync_copy(rows[0],
                            acc_sp.at[pl.ds(s * stripe + j * ch, ch)])
            return carry

        lax.fori_loop(0, stripe // ch, zc, 0)
        plsc.subcore_barrier()
        base = (c * NS + s) * epw

        def idx_load(kc, ib):
            e0 = base + kc * ch
            pltpu.async_copy(src_hbm.at[pl.ds(e0, ch)], sidx[ib], isem[ib])
            pltpu.async_copy(dst_hbm.at[pl.ds(e0, ch)], didx[ib], isem[ib])

        def idx_wait(ib):
            pltpu.make_async_copy(
                src_hbm.at[pl.ds(0, ch)], sidx[ib], isem[ib]).wait()
            pltpu.make_async_copy(
                dst_hbm.at[pl.ds(0, ch)], didx[ib], isem[ib]).wait()

        def scat_wait(b):
            pltpu.make_async_copy(
                rows[b], acc_sp.at[didx[b]], ssem[b]).wait()

        for b in range(8):
            idx_load(b, b)
        for b in range(4):
            idx_wait(b)
            pltpu.async_copy(zs_hbm.at[sidx[b]], rows[b], gsem[b])

        def it(kk, carry):
            for b8 in range(8):
                kc = kk * 8 + b8
                b = b8 % 4
                i = b8

                @pl.when(kc < nit)
                def _():
                    pltpu.make_async_copy(
                        zs_hbm.at[sidx[i]], rows[b], gsem[b]).wait()
                    pltpu.async_copy(rows[b], acc_sp.at[didx[i]], ssem[b],
                                     add=True)

                    @pl.when(kc + 4 < nit)
                    def _():
                        i2 = (b8 + 4) % 8
                        idx_wait(i2)
                        scat_wait(b)

                        @pl.when(kc + 8 < nit)
                        def _():
                            idx_load(kc + 8, i)

                        pltpu.async_copy(zs_hbm.at[sidx[i2]], rows[b],
                                         gsem[b])

            return carry

        lax.fori_loop(0, ngrp, it, 0)
        for b in range(4):
            last = nit - 4 + b
            if last >= 0:
                scat_wait(last % 4)
        plsc.subcore_barrier()

        def co(j, carry):
            r0 = s * stripe + j * 128
            pltpu.sync_copy(acc_sp.at[pl.ds(r0, 128)],
                            out_hbm.at[c, pl.ds(r0, 128)])
            return carry

        lax.fori_loop(0, stripe // 128, co, 0)

    return k(zs, src, dst)


def _sc_scalar_final(tbl, src, dst, y0p, dinvp, npad):
    n = tbl.shape[0]
    e = src.shape[0]
    epw = e // NS
    ch = 2000
    nit = epw // ch
    assert epw % ch == 0
    stripe = npad // NS
    stripe2 = npad // NW
    assert stripe2 % 16 == 0

    @functools.partial(
        pl.kernel,
        out_type=jax.ShapeDtypeStruct((npad,), _F32),
        mesh=_sc_mesh(),
        scratch_types=[
            pltpu.VMEM((ch,), _F32),
            pltpu.VMEM((ch,), _F32),
            pltpu.VMEM((ch,), jnp.int32),
            pltpu.VMEM((ch,), jnp.int32),
            pltpu.VMEM((ch,), jnp.int32),
            pltpu.VMEM((ch,), jnp.int32),
            pltpu.VMEM((ch,), jnp.int32),
            pltpu.VMEM((ch,), jnp.int32),
            pltpu.VMEM((ch,), jnp.int32),
            pltpu.VMEM((ch,), jnp.int32),
            pltpu.VMEM((stripe,), _F32),
            pltpu.VMEM((stripe2,), _F32),
            pltpu.VMEM((stripe2,), _F32),
            pltpu.VMEM((stripe2,), _F32),
            pltpu.VMEM_SHARED((npad,), _F32),
            pltpu.VMEM_SHARED((n,), _F32),
            pltpu.SemaphoreType.DMA,
            pltpu.SemaphoreType.DMA,
            pltpu.SemaphoreType.DMA,
            pltpu.SemaphoreType.DMA,
            pltpu.SemaphoreType.DMA,
            pltpu.SemaphoreType.DMA,
        ],
    )
    def k(tbl_hbm, src_hbm, dst_hbm, y0_hbm, dinv_hbm, out_hbm, vals0_v,
          vals1_v, si0_v, si1_v, si2_v, si3_v, di0_v, di1_v, di2_v, di3_v,
          zero_v, y0_v, dinv_v, out_v, acc_sp, tbl_sp, sem0, sem1,
          is0, is1, is2, is3):
        c = lax.axis_index("c")
        s = lax.axis_index("s")
        vals = (vals0_v, vals1_v)
        sidx = (si0_v, si1_v, si2_v, si3_v)
        didx = (di0_v, di1_v, di2_v, di3_v)
        sems = (sem0, sem1)
        isems = (is0, is1, is2, is3)
        _fill_1d(zero_v, stripe, 0.0)
        pltpu.sync_copy(zero_v, acc_sp.at[pl.ds(s * stripe, stripe)])

        @pl.when(s == 0)
        def _():
            pltpu.sync_copy(tbl_hbm, tbl_sp)

        plsc.subcore_barrier()
        base = s * epw

        def idx_load(kc, b):
            e0 = base + kc * ch
            pltpu.async_copy(src_hbm.at[pl.ds(e0, ch)], sidx[b], isems[b])
            pltpu.async_copy(dst_hbm.at[pl.ds(e0, ch)], didx[b], isems[b])

        def idx_wait(b):
            pltpu.make_async_copy(
                src_hbm.at[pl.ds(0, ch)], sidx[b], isems[b]).wait()
            pltpu.make_async_copy(
                dst_hbm.at[pl.ds(0, ch)], didx[b], isems[b]).wait()

        for b in range(4):
            idx_load(b, b)
        for b in range(2):
            idx_wait(b)
            pltpu.async_copy(tbl_sp.at[sidx[b]], vals[b], sems[b])

        def it(kk, carry):
            for b4 in range(4):
                kc = kk * 4 + b4
                b = b4 % 2

                @pl.when(kc < nit)
                def _():
                    pltpu.make_async_copy(
                        tbl_sp.at[sidx[b4]], vals[b], sems[b]).wait()
                    pltpu.sync_copy(vals[b], acc_sp.at[didx[b4]], add=True)

                    @pl.when(kc + 2 < nit)
                    def _():
                        b2 = (b4 + 2) % 4
                        idx_wait(b2)

                        @pl.when(kc + 4 < nit)
                        def _():
                            idx_load(kc + 4, b4)

                        pltpu.async_copy(tbl_sp.at[sidx[b2]], vals[b],
                                         sems[b])

            return carry

        lax.fori_loop(0, -(-nit // 4), it, 0)
        plsc.subcore_barrier()
        g0 = (c * NS + s) * stripe2
        pltpu.sync_copy(acc_sp.at[pl.ds(g0, stripe2)],
                        zero_v.at[pl.ds(0, stripe2)])
        pltpu.sync_copy(y0_hbm.at[pl.ds(g0, stripe2)], y0_v)
        pltpu.sync_copy(dinv_hbm.at[pl.ds(g0, stripe2)], dinv_v)

        def sg(i, carry):
            sl = pl.ds(i * 16, 16)
            t = y0_v[sl] - dinv_v[sl] * zero_v[sl]
            out_v[sl] = 1.0 / (1.0 + jnp.exp(-t))
            return carry

        lax.fori_loop(0, stripe2 // 16, sg, 0)
        pltpu.sync_copy(out_v, out_hbm.at[pl.ds(g0, stripe2)])

    return k(tbl, src, dst, y0p, dinvp)


def _tc_pre(x, deg2, w1):
    n, d = x.shape
    h = w1.shape[1]

    def body(x_ref, deg2_ref, w1_ref, dinv_ref, zs_ref):
        deg = deg2_ref[0, 0:n] + deg2_ref[1, 0:n]
        dinv = jnp.where(deg > 0, lax.rsqrt(jnp.maximum(deg, 1e-12)), 0.0)
        dinv_ref[...] = dinv
        zs_ref[...] = dinv[:, None] * jnp.dot(
            x_ref[...], w1_ref[...], preferred_element_type=_F32)

    return pl.pallas_call(
        body,
        out_shape=(
            jax.ShapeDtypeStruct((n,), _F32),
            jax.ShapeDtypeStruct((n, h), _F32),
        ),
    )(x, deg2, w1)


def _tc_mid(x, w0a, b1, acc2, dinv, w0b, w1b, b2):
    n, h = x.shape[0], w0a.shape[1]

    def body(x_ref, w0a_ref, b1_ref, acc2_ref, dinv_ref, w0b_ref, w1b_ref,
             b2_ref, y0_ref, y1s_ref):
        acc = acc2_ref[0, 0:n, :] + acc2_ref[1, 0:n, :]
        dinv = dinv_ref[...]
        av = (jnp.dot(x_ref[...], w0a_ref[...], preferred_element_type=_F32)
              + b1_ref[...][None, :])
        hv = jnp.maximum(av - dinv[:, None] * acc, 0.0)
        y0 = jnp.dot(hv, w0b_ref[...], preferred_element_type=_F32)[:, 0]
        y1 = jnp.dot(hv, w1b_ref[...], preferred_element_type=_F32)[:, 0]
        y0_ref[...] = y0 + b2_ref[0]
        y1s_ref[...] = dinv * y1

    return pl.pallas_call(
        body,
        out_shape=(
            jax.ShapeDtypeStruct((n,), _F32),
            jax.ShapeDtypeStruct((n,), _F32),
        ),
    )(x, w0a, b1, acc2, dinv, w0b, w1b, b2)


def kernel(x, edge_index, W0a, W1a, b1, W0b, W1b, b2):
    n, d = x.shape
    src = edge_index[0]
    dst = edge_index[1]
    npad = -(-n // 2048) * 2048

    deg2 = _sc_degree(src, npad)
    dinv, zs = _tc_pre(x, deg2, W1a)
    acc2 = _sc_accum_rows(zs, src, dst, npad)
    y0, y1s = _tc_mid(x, W0a, b1, acc2, dinv, W0b, W1b, b2)
    y0p = jnp.pad(y0, (0, npad - n))
    dinvp = jnp.pad(dinv, (0, npad - n))
    out = _sc_scalar_final(y1s, src, dst, y0p, dinvp, npad)
    return out[0:n].reshape(n, 1)

# --- scband reference (transcript-rebuilt; emitter-appended) ---
"""Pipeline reference for scband-gcn-46428596470141 (READ-ONLY COPY).

The authoritative reference and input builder live on the scoring server;
editing this copy changes nothing except your own understanding.
"""

import jax, jax.numpy as jnp
import numpy as np

N = 10000
E = 320000
D = 128
H = 128
LAMB_MAX = 2.0


def setup_inputs(seed: int = 0) -> dict:
    key = jax.random.key(seed)
    ks = jax.random.split(key, 8)
    x = jax.random.normal(ks[0], (N, D), dtype=jnp.float32)
    edge_index = jax.random.randint(ks[1], (2, E), 0, N, dtype=jnp.int32)
    # ChebConv(K=2) layer 1: two linear weights [in, out] + bias
    W0a = jax.random.normal(ks[2], (D, H), dtype=jnp.float32) * (1.0 / np.sqrt(D))
    W1a = jax.random.normal(ks[3], (D, H), dtype=jnp.float32) * (1.0 / np.sqrt(D))
    b1 = jnp.zeros((H,), dtype=jnp.float32)
    # ChebConv(K=2) layer 2: hidden -> 1
    W0b = jax.random.normal(ks[4], (H, 1), dtype=jnp.float32) * (1.0 / np.sqrt(H))
    W1b = jax.random.normal(ks[5], (H, 1), dtype=jnp.float32) * (1.0 / np.sqrt(H))
    b2 = jnp.zeros((1,), dtype=jnp.float32)
    return {"x": x, "edge_index": edge_index, "W0a": W0a, "W1a": W1a, "b1": b1,
            "W0b": W0b, "W1b": W1b, "b2": b2}


def _cheb_layer(x, src, dst, W0, W1, b):
    # PyG ChebConv with K=2, normalization='sym', given lambda_max:
    # L = I - D^{-1/2} A D^{-1/2};  L_hat = (2/lambda_max) L - I
    # Tx_0 = x; Tx_1 = L_hat @ x; out = Tx_0 @ W0 + Tx_1 @ W1 + b
    n = x.shape[0]
    ones_e = jnp.ones((src.shape[0],), dtype=x.dtype)
    deg = jnp.zeros((n,), dtype=x.dtype).at[src].add(ones_e)
    dinv = jnp.where(deg > 0, jax.lax.rsqrt(jnp.maximum(deg, 1e-12)), 0.0)
    w = -(dinv[src] * dinv[dst]) * (2.0 / LAMB_MAX)  # scaled off-diagonal of L_hat
    diag = (2.0 / LAMB_MAX) - 1.0                    # scaled diagonal of L_hat
    # gather + scatter-add message passing (aggregated at dst)
    Tx1 = jnp.zeros_like(x).at[dst].add(w[:, None] * x[src]) + diag * x
    return x @ W0 + Tx1 @ W1 + b


def reference(x, edge_index, W0a, W1a, b1, W0b, W1b, b2):
    src = edge_index[0]
    dst = edge_index[1]
    h = jax.nn.relu(_cheb_layer(x, src, dst, W0a, W1a, b1))
    out = jax.nn.sigmoid(_cheb_layer(h, src, dst, W0b, W1b, b2))
    return out

if __name__ == "__main__":
    import jax
    _d = setup_inputs()
    print(jax.jit(kernel)(*tuple(_d.values())))

</pallas_src>

<mosaic_0001>
#map = affine_map<(d0, d1) -> (0)>
#map1 = affine_map<(d0, d1) -> (0, 0)>
module attributes {stable_mosaic.version = 14 : i64} {
  func.func @k(%arg0: i32, %arg1: i32, %arg2: memref<320000xi32, #tpu.memory_space<hbm>>, %arg3: memref<2x10240xf32, #tpu.memory_space<hbm>>, %arg4: memref<2000xf32, #tpu.memory_space<vmem>>, %arg5: memref<2000xi32, #tpu.memory_space<vmem>>, %arg6: memref<2000xi32, #tpu.memory_space<vmem>>, %arg7: memref<640xf32, #tpu.memory_space<vmem>>, %arg8: memref<10240xf32, #tpu.memory_space<vmem_shared>>, %arg9: memref<!tpu.dma_semaphore, #tpu.memory_space<semaphore_mem>>, %arg10: memref<!tpu.dma_semaphore, #tpu.memory_space<semaphore_mem>>) attributes {dimension_semantics = [#tpu.dimension_semantics<core_parallel>, #tpu.dimension_semantics<subcore_parallel>], iteration_bounds = array<i64: 2, 16>, scalar_prefetch = 0 : i64, scratch_operands = 7 : i64, tpu.core_type = #tpu.core_type<sc_vector_subcore>, window_params = [{transform_indices = #map}, {transform_indices = #map1}]} {
    %broadcast_in_dim3A = arith.constant 1.000000e+00 : f32
    %broadcast_in_dim3A_0 = vector.broadcast %broadcast_in_dim3A : f32 to vector<16xf32>
    %scan3A = arith.constant 0 : i32
    %scan3A_1 = arith.constant 0 : i32
    %scan3A_2 = arith.constant 125 : i32
    %scan3A_3 = arith.addi %scan3A_1, %scan3A_2 : i32
    %scan3A_4 = arith.constant 1 : i32
    scf.for %scan3A_37 = %scan3A_1 to %scan3A_3 step %scan3A_4  : i32 {
      %mul3A_38 = arith.constant 16 : i32
      %mul3A_39 = arith.muli %scan3A_37, %mul3A_38 : i32
      %swap3A = arith.index_cast %mul3A_39 : i32 to index
      %swap3A_40 = tpu.vector_load %arg4[%swap3A] {strides = array<i32>} : memref<2000xf32, #tpu.memory_space<vmem>>, vector<16xf32>,
      %swap3A_41 = vector.shape_cast %swap3A_40 : vector<16xf32> to vector<16xf32>
      %swap3A_42 = vector.shape_cast %broadcast_in_dim3A_0 : vector<16xf32> to vector<16xf32>
      tpu.vector_store %arg4[%swap3A], %swap3A_42 {strides = array<i32>} : memref<2000xf32, #tpu.memory_space<vmem>>, vector<16xf32>,
    }
    %scan3A_5 = arith.constant 125 : i32
    %broadcast_in_dim3A_6 = arith.constant 0.000000e+00 : f32
    %broadcast_in_dim3A_7 = vector.broadcast %broadcast_in_dim3A_6 : f32 to vector<16xf32>
    %scan3A_8 = arith.constant 0 : i32
    %scan3A_9 = arith.constant 0 : i32
    %scan3A_10 = arith.constant 40 : i32
    %scan3A_11 = arith.addi %scan3A_9, %scan3A_10 : i32
    %scan3A_12 = arith.constant 1 : i32
    scf.for %scan3A_37 = %scan3A_9 to %scan3A_11 step %scan3A_12  : i32 {
      %mul3A_38 = arith.constant 16 : i32
      %mul3A_39 = arith.muli %scan3A_37, %mul3A_38 : i32
      %swap3A = arith.index_cast %mul3A_39 : i32 to index
      %swap3A_40 = tpu.vector_load %arg7[%swap3A] {strides = array<i32>} : memref<640xf32, #tpu.memory_space<vmem>>, vector<16xf32>,
      %swap3A_41 = vector.shape_cast %swap3A_40 : vector<16xf32> to vector<16xf32>
      %swap3A_42 = vector.shape_cast %broadcast_in_dim3A_7 : vector<16xf32> to vector<16xf32>
      tpu.vector_store %arg7[%swap3A], %swap3A_42 {strides = array<i32>} : memref<640xf32, #tpu.memory_space<vmem>>, vector<16xf32>,
    }
    %scan3A_13 = arith.constant 40 : i32
    %mul3A = arith.constant 16 : i32
    %mul3A_14 = arith.muli %arg0, %mul3A : i32
    %add3A = arith.addi %mul3A_14, %arg1 : i32
    %mul3A_15 = arith.constant 10000 : i32
    %mul3A_16 = arith.muli %add3A, %mul3A_15 : i32
    %add3A_17 = arith.constant 0 : i32
    %add3A_18 = arith.addi %mul3A_16, %add3A_17 : i32
    %dma_start3A = tpu.memref_slice %arg2[%add3A_18] : memref<320000xi32, #tpu.memory_space<hbm>> -> memref<2000xi32, #tpu.memory_space<hbm>>
    %dma_start3A_19 = tpu.memref_slice %arg2[%add3A_18] : memref<320000xi32, #tpu.memory_space<hbm>> -> memref<2000xi32, #tpu.memory_space<hbm>>
    tpu.enqueue_dma source(%dma_start3A_19 : memref<2000xi32, #tpu.memory_space<hbm>>) target(%arg5 : memref<2000xi32, #tpu.memory_space<vmem>>) target_semaphore(%arg9 : memref<!tpu.dma_semaphore, #tpu.memory_space<semaphore_mem>>)
    %add3A_20 = arith.constant 2000 : i32
    %add3A_21 = arith.addi %mul3A_16, %add3A_20 : i32
    %dma_start3A_22 = tpu.memref_slice %arg2[%add3A_21] : memref<320000xi32, #tpu.memory_space<hbm>> -> memref<2000xi32, #tpu.memory_space<hbm>>
    %dma_start3A_23 = tpu.memref_slice %arg2[%add3A_21] : memref<320000xi32, #tpu.memory_space<hbm>> -> memref<2000xi32, #tpu.memory_space<hbm>>
    tpu.enqueue_dma source(%dma_start3A_23 : memref<2000xi32, #tpu.memory_space<hbm>>) target(%arg6 : memref<2000xi32, #tpu.memory_space<vmem>>) target_semaphore(%arg10 : memref<!tpu.dma_semaphore, #tpu.memory_space<semaphore_mem>>)
    %mul3A_24 = arith.constant 640 : i32
    %mul3A_25 = arith.muli %arg1, %mul3A_24 : i32
    "tpu.region"() ({
      %run_scoped3A = tpu.sem_alloc : memref<!tpu.dma_semaphore, #tpu.memory_space<semaphore_mem>>
      %dma_start3A_37 = tpu.memref_slice %arg8[%mul3A_25] : memref<10240xf32, #tpu.memory_space<vmem_shared>> -> memref<640xf32, #tpu.memory_space<vmem_shared>>
      %dma_start3A_38 = tpu.memref_slice %arg8[%mul3A_25] : memref<10240xf32, #tpu.memory_space<vmem_shared>> -> memref<640xf32, #tpu.memory_space<vmem_shared>>
      tpu.enqueue_dma source(%arg7 : memref<640xf32, #tpu.memory_space<vmem>>) target(%dma_start3A_38 : memref<640xf32, #tpu.memory_space<vmem_shared>>) target_semaphore(%run_scoped3A : memref<!tpu.dma_semaphore, #tpu.memory_space<semaphore_mem>>)
      %dma_wait3A = tpu.memref_slice %arg8[%mul3A_25] : memref<10240xf32, #tpu.memory_space<vmem_shared>> -> memref<640xf32, #tpu.memory_space<vmem_shared>>
      %dma_wait3A_39 = tpu.memref_slice %arg8[%mul3A_25] : memref<10240xf32, #tpu.memory_space<vmem_shared>> -> memref<640xf32, #tpu.memory_space<vmem_shared>>
      tpu.wait_dma2 semaphore(%run_scoped3A : memref<!tpu.dma_semaphore, #tpu.memory_space<semaphore_mem>>) src(%arg7 : memref<640xf32, #tpu.memory_space<vmem>>) dst(%dma_wait3A_39 : memref<640xf32, #tpu.memory_space<vmem_shared>>)
      tpu.yield
    }) : () -> ()
    %barrier3A = arith.constant 0 : index
    tpu.barrier barrier_id(%barrier3A)
    %scan3A_26 = arith.constant 0 : i32
    %scan3A_27 = arith.constant 0 : i32
    %scan3A_28 = arith.constant 3 : i32
    %scan3A_29 = arith.addi %scan3A_27, %scan3A_28 : i32
    %scan3A_30 = arith.constant 1 : i32
    scf.for %scan3A_37 = %scan3A_27 to %scan3A_29 step %scan3A_30  : i32 {
      %mul3A_38 = arith.constant 2 : i32
      %mul3A_39 = arith.muli %scan3A_37, %mul3A_38 : i32
      %add3A_40 = arith.constant 0 : i32
      %add3A_41 = arith.addi %mul3A_39, %add3A_40 : i32
      %lt3A = arith.constant 5 : i32
      %lt3A_42 = arith.cmpi slt, %add3A_41, %lt3A : i32
      %convert_element_type3A = arith.extui %lt3A_42 : i1 to i32
      %cond3A = arith.constant 0 : i32
      %cond3A_43 = arith.cmpi ne, %convert_element_type3A, %cond3A : i32
      scf.if %cond3A_43 {
        %dma_wait3A = arith.constant 0 : i32
        %dma_wait3A_53 = tpu.memref_slice %arg2[%dma_wait3A] : memref<320000xi32, #tpu.memory_space<hbm>> -> memref<2000xi32, #tpu.memory_space<hbm>>
        %dma_wait3A_54 = arith.constant 0 : i32
        %dma_wait3A_55 = tpu.memref_slice %arg2[%dma_wait3A_54] : memref<320000xi32, #tpu.memory_space<hbm>> -> memref<2000xi32, #tpu.memory_space<hbm>>
        tpu.wait_dma2 semaphore(%arg9 : memref<!tpu.dma_semaphore, #tpu.memory_space<semaphore_mem>>) src(%dma_wait3A_55 : memref<2000xi32, #tpu.memory_space<hbm>>) dst(%arg5 : memref<2000xi32, #tpu.memory_space<vmem>>)
        "tpu.region"() ({
          %run_scoped3A = tpu.sem_alloc : memref<!tpu.dma_semaphore, #tpu.memory_space<semaphore_mem>>
          %dma_start3A_63 = arith.constant 0 : i32
          %dma_start3A_64 = tpu.memref_slice %arg8[%dma_start3A_63] : memref<10240xf32, #tpu.memory_space<vmem_shared>> -> memref<10240xf32, #tpu.memory_space<vmem_shared>>
          tpu.enqueue_indirect_dma source(%arg4 : memref<2000xf32, #tpu.memory_space<vmem>>) target(%dma_start3A_64 : memref<10240xf32, #tpu.memory_space<vmem_shared>>) offsets(%arg5 : memref<2000xi32, #tpu.memory_space<vmem>>) semaphore(%run_scoped3A : memref<!tpu.dma_semaphore, #tpu.memory_space<semaphore_mem>>) {add = true}
          %dma_wait3A_65 = arith.constant 0 : i32
          %dma_wait3A_66 = tpu.memref_slice %arg8[%dma_wait3A_65] : memref<10240xf32, #tpu.memory_space<vmem_shared>> -> memref<10240xf32, #tpu.memory_space<vmem_shared>>
          tpu.wait_indirect_dma semaphore(%run_scoped3A : memref<!tpu.dma_semaphore, #tpu.memory_space<semaphore_mem>>) src(%arg4 : memref<2000xf32, #tpu.memory_space<vmem>>) dst(%dma_wait3A_66 : memref<10240xf32, #tpu.memory_space<vmem_shared>>)
          tpu.yield
        }) : () -> ()
        %add3A_56 = arith.constant 2 : i32
        %add3A_57 = arith.addi %add3A_41, %add3A_56 : i32
        %lt3A_58 = arith.constant 5 : i32
        %lt3A_59 = arith.cmpi slt, %add3A_57, %lt3A_58 : i32
        %convert_element_type3A_60 = arith.extui %lt3A_59 : i1 to i32
        %cond3A_61 = arith.constant 0 : i32
        %cond3A_62 = arith.cmpi ne, %convert_element_type3A_60, %cond3A_61 : i32
        scf.if %cond3A_62 {
          %add3A_63 = arith.constant 2 : i32
          %add3A_64 = arith.addi %add3A_41, %add3A_63 : i32
          %mul3A_65 = arith.constant 2000 : i32
          %mul3A_66 = arith.muli %add3A_64, %mul3A_65 : i32
          %add3A_67 = arith.addi %mul3A_16, %mul3A_66 : i32
          %dma_start3A_68 = tpu.memref_slice %arg2[%add3A_67] : memref<320000xi32, #tpu.memory_space<hbm>> -> memref<2000xi32, #tpu.memory_space<hbm>>
          %dma_start3A_69 = tpu.memref_slice %arg2[%add3A_67] : memref<320000xi32, #tpu.memory_space<hbm>> -> memref<2000xi32, #tpu.memory_space<hbm>>
          tpu.enqueue_dma source(%dma_start3A_69 : memref<2000xi32, #tpu.memory_space<hbm>>) target(%arg5 : memref<2000xi32, #tpu.memory_space<vmem>>) target_semaphore(%arg9 : memref<!tpu.dma_semaphore, #tpu.memory_space<semaphore_mem>>)
        } else {
        }
      } else {
      }
      %mul3A_44 = arith.constant 2 : i32
      %mul3A_45 = arith.muli %scan3A_37, %mul3A_44 : i32
      %add3A_46 = arith.constant 1 : i32
      %add3A_47 = arith.addi %mul3A_45, %add3A_46 : i32
      %lt3A_48 = arith.constant 5 : i32
      %lt3A_49 = arith.cmpi slt, %add3A_47, %lt3A_48 : i32
      %convert_element_type3A_50 = arith.extui %lt3A_49 : i1 to i32
      %cond3A_51 = arith.constant 0 : i32
      %cond3A_52 = arith.cmpi ne, %convert_element_type3A_50, %cond3A_51 : i32
      scf.if %cond3A_52 {
        %dma_wait3A = arith.constant 0 : i32
        %dma_wait3A_53 = tpu.memref_slice %arg2[%dma_wait3A] : memref<320000xi32, #tpu.memory_space<hbm>> -> memref<2000xi32, #tpu.memory_space<hbm>>
        %dma_wait3A_54 = arith.constant 0 : i32
        %dma_wait3A_55 = tpu.memref_slice %arg2[%dma_wait3A_54] : memref<320000xi32, #tpu.memory_space<hbm>> -> memref<2000xi32, #tpu.memory_space<hbm>>
        tpu.wait_dma2 semaphore(%arg10 : memref<!tpu.dma_semaphore, #tpu.memory_space<semaphore_mem>>) src(%dma_wait3A_55 : memref<2000xi32, #tpu.memory_space<hbm>>) dst(%arg6 : memref<2000xi32, #tpu.memory_space<vmem>>)
        "tpu.region"() ({
          %run_scoped3A = tpu.sem_alloc : memref<!tpu.dma_semaphore, #tpu.memory_space<semaphore_mem>>
          %dma_start3A_63 = arith.constant 0 : i32
          %dma_start3A_64 = tpu.memref_slice %arg8[%dma_start3A_63] : memref<10240xf32, #tpu.memory_space<vmem_shared>> -> memref<10240xf32, #tpu.memory_space<vmem_shared>>
          tpu.enqueue_indirect_dma source(%arg4 : memref<2000xf32, #tpu.memory_space<vmem>>) target(%dma_start3A_64 : memref<10240xf32, #tpu.memory_space<vmem_shared>>) offsets(%arg6 : memref<2000xi32, #tpu.memory_space<vmem>>) semaphore(%run_scoped3A : memref<!tpu.dma_semaphore, #tpu.memory_space<semaphore_mem>>) {add = true}
          %dma_wait3A_65 = arith.constant 0 : i32
          %dma_wait3A_66 = tpu.memref_slice %arg8[%dma_wait3A_65] : memref<10240xf32, #tpu.memory_space<vmem_shared>> -> memref<10240xf32, #tpu.memory_space<vmem_shared>>
          tpu.wait_indirect_dma semaphore(%run_scoped3A : memref<!tpu.dma_semaphore, #tpu.memory_space<semaphore_mem>>) src(%arg4 : memref<2000xf32, #tpu.memory_space<vmem>>) dst(%dma_wait3A_66 : memref<10240xf32, #tpu.memory_space<vmem_shared>>)
          tpu.yield
        }) : () -> ()
        %add3A_56 = arith.constant 2 : i32
        %add3A_57 = arith.addi %add3A_47, %add3A_56 : i32
        %lt3A_58 = arith.constant 5 : i32
        %lt3A_59 = arith.cmpi slt, %add3A_57, %lt3A_58 : i32
        %convert_element_type3A_60 = arith.extui %lt3A_59 : i1 to i32
        %cond3A_61 = arith.constant 0 : i32
        %cond3A_62 = arith.cmpi ne, %convert_element_type3A_60, %cond3A_61 : i32
        scf.if %cond3A_62 {
          %add3A_63 = arith.constant 2 : i32
          %add3A_64 = arith.addi %add3A_47, %add3A_63 : i32
          %mul3A_65 = arith.constant 2000 : i32
          %mul3A_66 = arith.muli %add3A_64, %mul3A_65 : i32
          %add3A_67 = arith.addi %mul3A_16, %mul3A_66 : i32
          %dma_start3A_68 = tpu.memref_slice %arg2[%add3A_67] : memref<320000xi32, #tpu.memory_space<hbm>> -> memref<2000xi32, #tpu.memory_space<hbm>>
          %dma_start3A_69 = tpu.memref_slice %arg2[%add3A_67] : memref<320000xi32, #tpu.memory_space<hbm>> -> memref<2000xi32, #tpu.memory_space<hbm>>
          tpu.enqueue_dma source(%dma_start3A_69 : memref<2000xi32, #tpu.memory_space<hbm>>) target(%arg6 : memref<2000xi32, #tpu.memory_space<vmem>>) target_semaphore(%arg10 : memref<!tpu.dma_semaphore, #tpu.memory_space<semaphore_mem>>)
        } else {
        }
      } else {
      }
    }
    %scan3A_31 = arith.constant 3 : i32
    %barrier3A_32 = arith.constant 0 : index
    tpu.barrier barrier_id(%barrier3A_32)
    %mul3A_33 = arith.constant 640 : i32
    %mul3A_34 = arith.muli %arg1, %mul3A_33 : i32
    %mul3A_35 = arith.constant 640 : i32
    %mul3A_36 = arith.muli %arg1, %mul3A_35 : i32
    "tpu.region"() ({
      %run_scoped3A = tpu.sem_alloc : memref<!tpu.dma_semaphore, #tpu.memory_space<semaphore_mem>>
      %dma_start3A_37 = tpu.memref_slice %arg3[%arg0, %mul3A_36] : memref<2x10240xf32, #tpu.memory_space<hbm>> -> memref<1x640xf32, #tpu.memory_space<hbm>>
      %dma_start3A_38 = tpu.memref_squeeze %dma_start3A_37 : memref<1x640xf32, #tpu.memory_space<hbm>> -> memref<640xf32, #tpu.memory_space<hbm>>
      %dma_start3A_39 = tpu.memref_slice %arg8[%mul3A_34] : memref<10240xf32, #tpu.memory_space<vmem_shared>> -> memref<640xf32, #tpu.memory_space<vmem_shared>>
      tpu.enqueue_dma source(%dma_start3A_39 : memref<640xf32, #tpu.memory_space<vmem_shared>>) target(%dma_start3A_38 : memref<640xf32, #tpu.memory_space<hbm>>) target_semaphore(%run_scoped3A : memref<!tpu.dma_semaphore, #tpu.memory_space<semaphore_mem>>)
      %dma_wait3A = tpu.memref_slice %arg3[%arg0, %mul3A_36] : memref<2x10240xf32, #tpu.memory_space<hbm>> -> memref<1x640xf32, #tpu.memory_space<hbm>>
      %dma_wait3A_40 = tpu.memref_squeeze %dma_wait3A : memref<1x640xf32, #tpu.memory_space<hbm>> -> memref<640xf32, #tpu.memory_space<hbm>>
      %dma_wait3A_41 = tpu.memref_slice %arg8[%mul3A_34] : memref<10240xf32, #tpu.memory_space<vmem_shared>> -> memref<640xf32, #tpu.memory_space<vmem_shared>>
      tpu.wait_dma2 semaphore(%run_scoped3A : memref<!tpu.dma_semaphore, #tpu.memory_space<semaphore_mem>>) src(%dma_wait3A_41 : memref<640xf32, #tpu.memory_space<vmem_shared>>) dst(%dma_wait3A_40 : memref<640xf32, #tpu.memory_space<hbm>>)
      tpu.yield
    }) : () -> ()
    return
  }
}

#map = affine_map<(d0, d1) -> (0)>
module attributes {stable_mosaic.version = 14 : i64} {
  func.func @k(%arg0: i32, %arg1: i32, %arg2: memref<10000xf32, #tpu.memory_space<hbm>>, %arg3: memref<320000xi32, #tpu.memory_space<hbm>>, %arg4: memref<320000xi32, #tpu.memory_space<hbm>>, %arg5: memref<10240xf32, #tpu.memory_space<hbm>>, %arg6: memref<10240xf32, #tpu.memory_space<hbm>>, %arg7: memref<10240xf32, #tpu.memory_space<hbm>>, %arg8: memref<2000xf32, #tpu.memory_space<vmem>>, %arg9: memref<2000xf32, #tpu.memory_space<vmem>>, %arg10: memref<2000xi32, #tpu.memory_space<vmem>>, %arg11: memref<2000xi32, #tpu.memory_space<vmem>>, %arg12: memref<2000xi32, #tpu.memory_space<vmem>>, %arg13: memref<2000xi32, #tpu.memory_space<vmem>>, %arg14: memref<2000xi32, #tpu.memory_space<vmem>>, %arg15: memref<2000xi32, #tpu.memory_space<vmem>>, %arg16: memref<2000xi32, #tpu.memory_space<vmem>>, %arg17: memref<2000xi32, #tpu.memory_space<vmem>>, %arg18: memref<640xf32, #tpu.memory_space<vmem>>, %arg19: memref<320xf32, #tpu.memory_space<vmem>>, %arg20: memref<320xf32, #tpu.memory_space<vmem>>, %arg21: memref<320xf32, #tpu.memory_space<vmem>>, %arg22: memref<10240xf32, #tpu.memory_space<vmem_shared>>, %arg23: memref<10000xf32, #tpu.memory_space<vmem_shared>>, %arg24: memref<!tpu.dma_semaphore, #tpu.memory_space<semaphore_mem>>, %arg25: memref<!tpu.dma_semaphore, #tpu.memory_space<semaphore_mem>>, %arg26: memref<!tpu.dma_semaphore, #tpu.memory_space<semaphore_mem>>, %arg27: memref<!tpu.dma_semaphore, #tpu.memory_space<semaphore_mem>>, %arg28: memref<!tpu.dma_semaphore, #tpu.memory_space<semaphore_mem>>, %arg29: memref<!tpu.dma_semaphore, #tpu.memory_space<semaphore_mem>>) attributes {dimension_semantics = [#tpu.dimension_semantics<core_parallel>, #tpu.dimension_semantics<subcore_parallel>], iteration_bounds = array<i64: 2, 16>, scalar_prefetch = 0 : i64, scratch_operands = 22 : i64, tpu.core_type = #tpu.core_type<sc_vector_subcore>, window_params = [{transform_indices = #map}, {transform_indices = #map}, {transform_indices = #map}, {transform_indices = #map}, {transform_indices = #map}, {transform_indices = #map}]} {
    %broadcast_in_dim3A = arith.constant 0.000000e+00 : f32
    %broadcast_in_dim3A_0 = vector.broadcast %broadcast_in_dim3A : f32 to vector<16xf32>
    %scan3A = arith.constant 0 : i32
    %scan3A_1 = arith.constant 0 : i32
    %scan3A_2 = arith.constant 40 : i32
    %scan3A_3 = arith.addi %scan3A_1, %scan3A_2 : i32
    %scan3A_4 = arith.constant 1 : i32
    scf.for %scan3A_70 = %scan3A_1 to %scan3A_3 step %scan3A_4  : i32 {
      %mul3A_71 = arith.constant 16 : i32
      %mul3A_72 = arith.muli %scan3A_70, %mul3A_71 : i32
      %swap3A = arith.index_cast %mul3A_72 : i32 to index
      %swap3A_73 = tpu.vector_load %arg18[%swap3A] {strides = array<i32>} : memref<640xf32, #tpu.memory_space<vmem>>, vector<16xf32>,
      %swap3A_74 = vector.shape_cast %swap3A_73 : vector<16xf32> to vector<16xf32>
      %swap3A_75 = vector.shape_cast %broadcast_in_dim3A_0 : vector<16xf32> to vector<16xf32>
      tpu.vector_store %arg18[%swap3A], %swap3A_75 {strides = array<i32>} : memref<640xf32, #tpu.memory_space<vmem>>, vector<16xf32>,
    }
    %scan3A_5 = arith.constant 40 : i32
    %mul3A = arith.constant 640 : i32
    %mul3A_6 = arith.muli %arg1, %mul3A : i32
    "tpu.region"() ({
      %run_scoped3A = tpu.sem_alloc : memref<!tpu.dma_semaphore, #tpu.memory_space<semaphore_mem>>
      %dma_start3A_70 = tpu.memref_slice %arg22[%mul3A_6] : memref<10240xf32, #tpu.memory_space<vmem_shared>> -> memref<640xf32, #tpu.memory_space<vmem_shared>>
      %dma_start3A_71 = tpu.memref_slice %arg22[%mul3A_6] : memref<10240xf32, #tpu.memory_space<vmem_shared>> -> memref<640xf32, #tpu.memory_space<vmem_shared>>
      tpu.enqueue_dma source(%arg18 : memref<640xf32, #tpu.memory_space<vmem>>) target(%dma_start3A_71 : memref<640xf32, #tpu.memory_space<vmem_shared>>) target_semaphore(%run_scoped3A : memref<!tpu.dma_semaphore, #tpu.memory_space<semaphore_mem>>)
      %dma_wait3A_72 = tpu.memref_slice %arg22[%mul3A_6] : memref<10240xf32, #tpu.memory_space<vmem_shared>> -> memref<640xf32, #tpu.memory_space<vmem_shared>>
      %dma_wait3A_73 = tpu.memref_slice %arg22[%mul3A_6] : memref<10240xf32, #tpu.memory_space<vmem_shared>> -> memref<640xf32, #tpu.memory_space<vmem_shared>>
      tpu.wait_dma2 semaphore(%run_scoped3A : memref<!tpu.dma_semaphore, #tpu.memory_space<semaphore_mem>>) src(%arg18 : memref<640xf32, #tpu.memory_space<vmem>>) dst(%dma_wait3A_73 : memref<640xf32, #tpu.memory_space<vmem_shared>>)
      tpu.yield
    }) : () -> ()
    %eq3A = arith.constant 0 : i32
    %eq3A_7 = arith.cmpi eq, %arg1, %eq3A : i32
    %convert_element_type3A = arith.extui %eq3A_7 : i1 to i32
    %cond3A = arith.constant 0 : i32
    %cond3A_8 = arith.cmpi ne, %convert_element_type3A, %cond3A : i32
    scf.if %cond3A_8 {
      "tpu.region"() ({
        %run_scoped3A = tpu.sem_alloc : memref<!tpu.dma_semaphore, #tpu.memory_space<semaphore_mem>>
        tpu.enqueue_dma source(%arg2 : memref<10000xf32, #tpu.memory_space<hbm>>) target(%arg23 : memref<10000xf32, #tpu.memory_space<vmem_shared>>) target_semaphore(%run_scoped3A : memref<!tpu.dma_semaphore, #tpu.memory_space<semaphore_mem>>)
        tpu.wait_dma2 semaphore(%run_scoped3A : memref<!tpu.dma_semaphore, #tpu.memory_space<semaphore_mem>>) src(%arg2 : memref<10000xf32, #tpu.memory_space<hbm>>) dst(%arg23 : memref<10000xf32, #tpu.memory_space<vmem_shared>>)
        tpu.yield
      }) : () -> ()
    } else {
    }
    %barrier3A = arith.constant 0 : index
    tpu.barrier barrier_id(%barrier3A)
    %mul3A_9 = arith.constant 20000 : i32
    %mul3A_10 = arith.muli %arg1, %mul3A_9 : i32
    %add3A = arith.constant 0 : i32
    %add3A_11 = arith.addi %mul3A_10, %add3A : i32
    %dma_start3A = tpu.memref_slice %arg3[%add3A_11] : memref<320000xi32, #tpu.memory_space<hbm>> -> memref<2000xi32, #tpu.memory_space<hbm>>
    %dma_start3A_12 = tpu.memref_slice %arg3[%add3A_11] : memref<320000xi32, #tpu.memory_space<hbm>> -> memref<2000xi32, #tpu.memory_space<hbm>>
    tpu.enqueue_dma source(%dma_start3A_12 : memref<2000xi32, #tpu.memory_space<hbm>>) target(%arg10 : memref<2000xi32, #tpu.memory_space<vmem>>) target_semaphore(%arg26 : memref<!tpu.dma_semaphore, #tpu.memory_space<semaphore_mem>>)
    %dma_start3A_13 = tpu.memref_slice %arg4[%add3A_11] : memref<320000xi32, #tpu.memory_space<hbm>> -> memref<2000xi32, #tpu.memory_space<hbm>>
    %dma_start3A_14 = tpu.memref_slice %arg4[%add3A_11] : memref<320000xi32, #tpu.memory_space<hbm>> -> memref<2000xi32, #tpu.memory_space<hbm>>
    tpu.enqueue_dma source(%dma_start3A_14 : memref<2000xi32, #tpu.memory_space<hbm>>) target(%arg14 : memref<2000xi32, #tpu.memory_space<vmem>>) target_semaphore(%arg26 : memref<!tpu.dma_semaphore, #tpu.memory_space<semaphore_mem>>)
    %add3A_15 = arith.constant 2000 : i32
    %add3A_16 = arith.addi %mul3A_10, %add3A_15 : i32
    %dma_start3A_17 = tpu.memref_slice %arg3[%add3A_16] : memref<320000xi32, #tpu.memory_space<hbm>> -> memref<2000xi32, #tpu.memory_space<hbm>>
    %dma_start3A_18 = tpu.memref_slice %arg3[%add3A_16] : memref<320000xi32, #tpu.memory_space<hbm>> -> memref<2000xi32, #tpu.memory_space<hbm>>
    tpu.enqueue_dma source(%dma_start3A_18 : memref<2000xi32, #tpu.memory_space<hbm>>) target(%arg11 : memref<2000xi32, #tpu.memory_space<vmem>>) target_semaphore(%arg27 : memref<!tpu.dma_semaphore, #tpu.memory_space<semaphore_mem>>)
    %dma_start3A_19 = tpu.memref_slice %arg4[%add3A_16] : memref<320000xi32, #tpu.memory_space<hbm>> -> memref<2000xi32, #tpu.memory_space<hbm>>
    %dma_start3A_20 = tpu.memref_slice %arg4[%add3A_16] : memref<320000xi32, #tpu.memory_space<hbm>> -> memref<2000xi32, #tpu.memory_space<hbm>>
    tpu.enqueue_dma source(%dma_start3A_20 : memref<2000xi32, #tpu.memory_space<hbm>>) target(%arg15 : memref<2000xi32, #tpu.memory_space<vmem>>) target_semaphore(%arg27 : memref<!tpu.dma_semaphore, #tpu.memory_space<semaphore_mem>>)
    %add3A_21 = arith.constant 4000 : i32
    %add3A_22 = arith.addi %mul3A_10, %add3A_21 : i32
    %dma_start3A_23 = tpu.memref_slice %arg3[%add3A_22] : memref<320000xi32, #tpu.memory_space<hbm>> -> memref<2000xi32, #tpu.memory_space<hbm>>
    %dma_start3A_24 = tpu.memref_slice %arg3[%add3A_22] : memref<320000xi32, #tpu.memory_space<hbm>> -> memref<2000xi32, #tpu.memory_space<hbm>>
    tpu.enqueue_dma source(%dma_start3A_24 : memref<2000xi32, #tpu.memory_space<hbm>>) target(%arg12 : memref<2000xi32, #tpu.memory_space<vmem>>) target_semaphore(%arg28 : memref<!tpu.dma_semaphore, #tpu.memory_space<semaphore_mem>>)
    %dma_start3A_25 = tpu.memref_slice %arg4[%add3A_22] : memref<320000xi32, #tpu.memory_space<hbm>> -> memref<2000xi32, #tpu.memory_space<hbm>>
    %dma_start3A_26 = tpu.memref_slice %arg4[%add3A_22] : memref<320000xi32, #tpu.memory_space<hbm>> -> memref<2000xi32, #tpu.memory_space<hbm>>
    tpu.enqueue_dma source(%dma_start3A_26 : memref<2000xi32, #tpu.memory_space<hbm>>) target(%arg16 : memref<2000xi32, #tpu.memory_space<vmem>>) target_semaphore(%arg28 : memref<!tpu.dma_semaphore, #tpu.memory_space<semaphore_mem>>)
    %add3A_27 = arith.constant 6000 : i32
    %add3A_28 = arith.addi %mul3A_10, %add3A_27 : i32
    %dma_start3A_29 = tpu.memref_slice %arg3[%add3A_28] : memref<320000xi32, #tpu.memory_space<hbm>> -> memref<2000xi32, #tpu.memory_space<hbm>>
    %dma_start3A_30 = tpu.memref_slice %arg3[%add3A_28] : memref<320000xi32, #tpu.memory_space<hbm>> -> memref<2000xi32, #tpu.memory_space<hbm>>
    tpu.enqueue_dma source(%dma_start3A_30 : memref<2000xi32, #tpu.memory_space<hbm>>) target(%arg13 : memref<2000xi32, #tpu.memory_space<vmem>>) target_semaphore(%arg29 : memref<!tpu.dma_semaphore, #tpu.memory_space<semaphore_mem>>)
    %dma_start3A_31 = tpu.memref_slice %arg4[%add3A_28] : memref<320000xi32, #tpu.memory_space<hbm>> -> memref<2000xi32, #tpu.memory_space<hbm>>
    %dma_start3A_32 = tpu.memref_slice %arg4[%add3A_28] : memref<320000xi32, #tpu.memory_space<hbm>> -> memref<2000xi32, #tpu.memory_space<hbm>>
    tpu.enqueue_dma source(%dma_start3A_32 : memref<2000xi32, #tpu.memory_space<hbm>>) target(%arg17 : memref<2000xi32, #tpu.memory_space<vmem>>) target_semaphore(%arg29 : memref<!tpu.dma_semaphore, #tpu.memory_space<semaphore_mem>>)
    %dma_wait3A = arith.constant 0 : i32
    %dma_wait3A_33 = tpu.memref_slice %arg3[%dma_wait3A] : memref<320000xi32, #tpu.memory_space<hbm>> -> memref<2000xi32, #tpu.memory_space<hbm>>
    %dma_wait3A_34 = arith.constant 0 : i32
    %dma_wait3A_35 = tpu.memref_slice %arg3[%dma_wait3A_34] : memref<320000xi32, #tpu.memory_space<hbm>> -> memref<2000xi32, #tpu.memory_space<hbm>>
    tpu.wait_dma2 semaphore(%arg26 : memref<!tpu.dma_semaphore, #tpu.memory_space<semaphore_mem>>) src(%dma_wait3A_35 : memref<2000xi32, #tpu.memory_space<hbm>>) dst(%arg10 : memref<2000xi32, #tpu.memory_space<vmem>>)
    %dma_wait3A_36 = arith.constant 0 : i32
    %dma_wait3A_37 = tpu.memref_slice %arg4[%dma_wait3A_36] : memref<320000xi32, #tpu.memory_space<hbm>> -> memref<2000xi32, #tpu.memory_space<hbm>>
    %dma_wait3A_38 = arith.constant 0 : i32
    %dma_wait3A_39 = tpu.memref_slice %arg4[%dma_wait3A_38] : memref<320000xi32, #tpu.memory_space<hbm>> -> memref<2000xi32, #tpu.memory_space<hbm>>
    tpu.wait_dma2 semaphore(%arg26 : memref<!tpu.dma_semaphore, #tpu.memory_space<semaphore_mem>>) src(%dma_wait3A_39 : memref<2000xi32, #tpu.memory_space<hbm>>) dst(%arg14 : memref<2000xi32, #tpu.memory_space<vmem>>)
    %dma_start3A_40 = arith.constant 0 : i32
    %dma_start3A_41 = tpu.memref_slice %arg23[%dma_start3A_40] : memref<10000xf32, #tpu.memory_space<vmem_shared>> -> memref<10000xf32, #tpu.memory_space<vmem_shared>>
    tpu.enqueue_indirect_dma source(%dma_start3A_41 : memref<10000xf32, #tpu.memory_space<vmem_shared>>) target(%arg8 : memref<2000xf32, #tpu.memory_space<vmem>>) offsets(%arg10 : memref<2000xi32, #tpu.memory_space<vmem>>) semaphore(%arg24 : memref<!tpu.dma_semaphore, #tpu.memory_space<semaphore_mem>>)
    %dma_wait3A_42 = arith.constant 0 : i32
    %dma_wait3A_43 = tpu.memref_slice %arg3[%dma_wait3A_42] : memref<320000xi32, #tpu.memory_space<hbm>> -> memref<2000xi32, #tpu.memory_space<hbm>>
    %dma_wait3A_44 = arith.constant 0 : i32
    %dma_wait3A_45 = tpu.memref_slice %arg3[%dma_wait3A_44] : memref<320000xi32, #tpu.memory_space<hbm>> -> memref<2000xi32, #tpu.memory_space<hbm>>
    tpu.wait_dma2 semaphore(%arg27 : memref<!tpu.dma_semaphore, #tpu.memory_space<semaphore_mem>>) src(%dma_wait3A_45 : memref<2000xi32, #tpu.memory_space<hbm>>) dst(%arg11 : memref<2000xi32, #tpu.memory_space<vmem>>)
    %dma_wait3A_46 = arith.constant 0 : i32
    %dma_wait3A_47 = tpu.memref_slice %arg4[%dma_wait3A_46] : memref<320000xi32, #tpu.memory_space<hbm>> -> memref<2000xi32, #tpu.memory_space<hbm>>
    %dma_wait3A_48 = arith.constant 0 : i32
    %dma_wait3A_49 = tpu.memref_slice %arg4[%dma_wait3A_48] : memref<320000xi32, #tpu.memory_space<hbm>> -> memref<2000xi32, #tpu.memory_space<hbm>>
    tpu.wait_dma2 semaphore(%arg27 : memref<!tpu.dma_semaphore, #tpu.memory_space<semaphore_mem>>) src(%dma_wait3A_49 : memref<2000xi32, #tpu.memory_space<hbm>>) dst(%arg15 : memref<2000xi32, #tpu.memory_space<vmem>>)
    %dma_start3A_50 = arith.constant 0 : i32
    %dma_start3A_51 = tpu.memref_slice %arg23[%dma_start3A_50] : memref<10000xf32, #tpu.memory_space<vmem_shared>> -> memref<10000xf32, #tpu.memory_space<vmem_shared>>
    tpu.enqueue_indirect_dma source(%dma_start3A_51 : memref<10000xf32, #tpu.memory_space<vmem_shared>>) target(%arg9 : memref<2000xf32, #tpu.memory_space<vmem>>) offsets(%arg11 : memref<2000xi32, #tpu.memory_space<vmem>>) semaphore(%arg25 : memref<!tpu.dma_semaphore, #tpu.memory_space<semaphore_mem>>)
    %scan3A_52 = arith.constant 0 : i32
    %scan3A_53 = arith.constant 0 : i32
    %scan3A_54 = arith.constant 3 : i32
    %scan3A_55 = arith.addi %scan3A_53, %scan3A_54 : i32
    %scan3A_56 = arith.constant 1 : i32
    scf.for %scan3A_70 = %scan3A_53 to %scan3A_55 step %scan3A_56  : i32 {
      %mul3A_71 = arith.constant 4 : i32
      %mul3A_72 = arith.muli %scan3A_70, %mul3A_71 : i32
      %add3A_73 = arith.constant 0 : i32
      %add3A_74 = arith.addi %mul3A_72, %add3A_73 : i32
      %lt3A = arith.constant 10 : i32
      %lt3A_75 = arith.cmpi slt, %add3A_74, %lt3A : i32
      %convert_element_type3A_76 = arith.extui %lt3A_75 : i1 to i32
      %cond3A_77 = arith.constant 0 : i32
      %cond3A_78 = arith.cmpi ne, %convert_element_type3A_76, %cond3A_77 : i32
      scf.if %cond3A_78 {
        %dma_wait3A_106 = arith.constant 0 : i32
        %dma_wait3A_107 = tpu.memref_slice %arg23[%dma_wait3A_106] : memref<10000xf32, #tpu.memory_space<vmem_shared>> -> memref<10000xf32, #tpu.memory_space<vmem_shared>>
        tpu.wait_indirect_dma semaphore(%arg24 : memref<!tpu.dma_semaphore, #tpu.memory_space<semaphore_mem>>) src(%dma_wait3A_107 : memref<10000xf32, #tpu.memory_space<vmem_shared>>) dst(%arg8 : memref<2000xf32, #tpu.memory_space<vmem>>)
        "tpu.region"() ({
          %run_scoped3A = tpu.sem_alloc : memref<!tpu.dma_semaphore, #tpu.memory_space<semaphore_mem>>
          %dma_start3A_115 = arith.constant 0 : i32
          %dma_start3A_116 = tpu.memref_slice %arg22[%dma_start3A_115] : memref<10240xf32, #tpu.memory_space<vmem_shared>> -> memref<10240xf32, #tpu.memory_space<vmem_shared>>
          tpu.enqueue_indirect_dma source(%arg8 : memref<2000xf32, #tpu.memory_space<vmem>>) target(%dma_start3A_116 : memref<10240xf32, #tpu.memory_space<vmem_shared>>) offsets(%arg14 : memref<2000xi32, #tpu.memory_space<vmem>>) semaphore(%run_scoped3A : memref<!tpu.dma_semaphore, #tpu.memory_space<semaphore_mem>>) {add = true}
          %dma_wait3A_117 = arith.constant 0 : i32
          %dma_wait3A_118 = tpu.memref_slice %arg22[%dma_wait3A_117] : memref<10240xf32, #tpu.memory_space<vmem_shared>> -> memref<10240xf32, #tpu.memory_space<vmem_shared>>
          tpu.wait_indirect_dma semaphore(%run_scoped3A : memref<!tpu.dma_semaphore, #tpu.memory_space<semaphore_mem>>) src(%arg8 : memref<2000xf32, #tpu.memory_space<vmem>>) dst(%dma_wait3A_118 : memref<10240xf32, #tpu.memory_space<vmem_shared>>)
          tpu.yield
        }) : () -> ()
        %add3A_108 = arith.constant 2 : i32
        %add3A_109 = arith.addi %add3A_74, %add3A_108 : i32
        %lt3A_110 = arith.constant 10 : i32
        %lt3A_111 = arith.cmpi slt, %add3A_109, %lt3A_110 : i32
        %convert_element_type3A_112 = arith.extui %lt3A_111 : i1 to i32
        %cond3A_113 = arith.constant 0 : i32
        %cond3A_114 = arith.cmpi ne, %convert_element_type3A_112, %cond3A_113 : i32
        scf.if %cond3A_114 {
          %dma_wait3A_115 = arith.constant 0 : i32
          %dma_wait3A_116 = tpu.memref_slice %arg3[%dma_wait3A_115] : memref<320000xi32, #tpu.memory_space<hbm>> -> memref<2000xi32, #tpu.memory_space<hbm>>
          %dma_wait3A_117 = arith.constant 0 : i32
          %dma_wait3A_118 = tpu.memref_slice %arg3[%dma_wait3A_117] : memref<320000xi32, #tpu.memory_space<hbm>> -> memref<2000xi32, #tpu.memory_space<hbm>>
          tpu.wait_dma2 semaphore(%arg28 : memref<!tpu.dma_semaphore, #tpu.memory_space<semaphore_mem>>) src(%dma_wait3A_118 : memref<2000xi32, #tpu.memory_space<hbm>>) dst(%arg12 : memref<2000xi32, #tpu.memory_space<vmem>>)
          %dma_wait3A_119 = arith.constant 0 : i32
          %dma_wait3A_120 = tpu.memref_slice %arg4[%dma_wait3A_119] : memref<320000xi32, #tpu.memory_space<hbm>> -> memref<2000xi32, #tpu.memory_space<hbm>>
          %dma_wait3A_121 = arith.constant 0 : i32
          %dma_wait3A_122 = tpu.memref_slice %arg4[%dma_wait3A_121] : memref<320000xi32, #tpu.memory_space<hbm>> -> memref<2000xi32, #tpu.memory_space<hbm>>
          tpu.wait_dma2 semaphore(%arg28 : memref<!tpu.dma_semaphore, #tpu.memory_space<semaphore_mem>>) src(%dma_wait3A_122 : memref<2000xi32, #tpu.memory_space<hbm>>) dst(%arg16 : memref<2000xi32, #tpu.memory_space<vmem>>)
          %add3A_123 = arith.constant 4 : i32
          %add3A_124 = arith.addi %add3A_74, %add3A_123 : i32
          %lt3A_125 = arith.constant 10 : i32
          %lt3A_126 = arith.cmpi slt, %add3A_124, %lt3A_125 : i32
          %convert_element_type3A_127 = arith.extui %lt3A_126 : i1 to i32
          %cond3A_128 = arith.constant 0 : i32
          %cond3A_129 = arith.cmpi ne, %convert_element_type3A_127, %cond3A_128 : i32
          scf.if %cond3A_129 {
            %add3A_132 = arith.constant 4 : i32
            %add3A_133 = arith.addi %add3A_74, %add3A_132 : i32
            %mul3A_134 = arith.constant 2000 : i32
            %mul3A_135 = arith.muli %add3A_133, %mul3A_134 : i32
            %add3A_136 = arith.addi %mul3A_10, %mul3A_135 : i32
            %dma_start3A_137 = tpu.memref_slice %arg3[%add3A_136] : memref<320000xi32, #tpu.memory_space<hbm>> -> memref<2000xi32, #tpu.memory_space<hbm>>
            %dma_start3A_138 = tpu.memref_slice %arg3[%add3A_136] : memref<320000xi32, #tpu.memory_space<hbm>> -> memref<2000xi32, #tpu.memory_space<hbm>>
            tpu.enqueue_dma source(%dma_start3A_138 : memref<2000xi32, #tpu.memory_space<hbm>>) target(%arg10 : memref<2000xi32, #tpu.memory_space<vmem>>) target_semaphore(%arg26 : memref<!tpu.dma_semaphore, #tpu.memory_space<semaphore_mem>>)
            %dma_start3A_139 = tpu.memref_slice %arg4[%add3A_136] : memref<320000xi32, #tpu.memory_space<hbm>> -> memref<2000xi32, #tpu.memory_space<hbm>>
            %dma_start3A_140 = tpu.memref_slice %arg4[%add3A_136] : memref<320000xi32, #tpu.memory_space<hbm>> -> memref<2000xi32, #tpu.memory_space<hbm>>
            tpu.enqueue_dma source(%dma_start3A_140 : memref<2000xi32, #tpu.memory_space<hbm>>) target(%arg14 : memref<2000xi32, #tpu.memory_space<vmem>>) target_semaphore(%arg26 : memref<!tpu.dma_semaphore, #tpu.memory_space<semaphore_mem>>)
          } else {
          }
          %dma_start3A_130 = arith.constant 0 : i32
          %dma_start3A_131 = tpu.memref_slice %arg23[%dma_start3A_130] : memref<10000xf32, #tpu.memory_space<vmem_shared>> -> memref<10000xf32, #tpu.memory_space<vmem_shared>>
          tpu.enqueue_indirect_dma source(%dma_start3A_131 : memref<10000xf32, #tpu.memory_space<vmem_shared>>) target(%arg8 : memref<2000xf32, #tpu.memory_space<vmem>>) offsets(%arg12 : memref<2000xi32, #tpu.memory_space<vmem>>) semaphore(%arg24 : memref<!tpu.dma_semaphore, #tpu.memory_space<semaphore_mem>>)
        } else {
        }
      } else {
      }
      %mul3A_79 = arith.constant 4 : i32
      %mul3A_80 = arith.muli %scan3A_70, %mul3A_79 : i32
      %add3A_81 = arith.constant 1 : i32
      %add3A_82 = arith.addi %mul3A_80, %add3A_81 : i32
      %lt3A_83 = arith.constant 10 : i32
      %lt3A_84 = arith.cmpi slt, %add3A_82, %lt3A_83 : i32
      %convert_element_type3A_85 = arith.extui %lt3A_84 : i1 to i32
      %cond3A_86 = arith.constant 0 : i32
      %cond3A_87 = arith.cmpi ne, %convert_element_type3A_85, %cond3A_86 : i32
      scf.if %cond3A_87 {
        %dma_wait3A_106 = arith.constant 0 : i32
        %dma_wait3A_107 = tpu.memref_slice %arg23[%dma_wait3A_106] : memref<10000xf32, #tpu.memory_space<vmem_shared>> -> memref<10000xf32, #tpu.memory_space<vmem_shared>>
        tpu.wait_indirect_dma semaphore(%arg25 : memref<!tpu.dma_semaphore, #tpu.memory_space<semaphore_mem>>) src(%dma_wait3A_107 : memref<10000xf32, #tpu.memory_space<vmem_shared>>) dst(%arg9 : memref<2000xf32, #tpu.memory_space<vmem>>)
        "tpu.region"() ({
          %run_scoped3A = tpu.sem_alloc : memref<!tpu.dma_semaphore, #tpu.memory_space<semaphore_mem>>
          %dma_start3A_115 = arith.constant 0 : i32
          %dma_start3A_116 = tpu.memref_slice %arg22[%dma_start3A_115] : memref<10240xf32, #tpu.memory_space<vmem_shared>> -> memref<10240xf32, #tpu.memory_space<vmem_shared>>
          tpu.enqueue_indirect_dma source(%arg9 : memref<2000xf32, #tpu.memory_space<vmem>>) target(%dma_start3A_116 : memref<10240xf32, #tpu.memory_space<vmem_shared>>) offsets(%arg15 : memref<2000xi32, #tpu.memory_space<vmem>>) semaphore(%run_scoped3A : memref<!tpu.dma_semaphore, #tpu.memory_space<semaphore_mem>>) {add = true}
          %dma_wait3A_117 = arith.constant 0 : i32
          %dma_wait3A_118 = tpu.memref_slice %arg22[%dma_wait3A_117] : memref<10240xf32, #tpu.memory_space<vmem_shared>> -> memref<10240xf32, #tpu.memory_space<vmem_shared>>
          tpu.wait_indirect_dma semaphore(%run_scoped3A : memref<!tpu.dma_semaphore, #tpu.memory_space<semaphore_mem>>) src(%arg9 : memref<2000xf32, #tpu.memory_space<vmem>>) dst(%dma_wait3A_118 : memref<10240xf32, #tpu.memory_space<vmem_shared>>)
          tpu.yield
        }) : () -> ()
        %add3A_108 = arith.constant 2 : i32
        %add3A_109 = arith.addi %add3A_82, %add3A_108 : i32
        %lt3A_110 = arith.constant 10 : i32
        %lt3A_111 = arith.cmpi slt, %add3A_109, %lt3A_110 : i32
        %convert_element_type3A_112 = arith.extui %lt3A_111 : i1 to i32
        %cond3A_113 = arith.constant 0 : i32
        %cond3A_114 = arith.cmpi ne, %convert_element_type3A_112, %cond3A_113 : i32
        scf.if %cond3A_114 {
          %dma_wait3A_115 = arith.constant 0 : i32
          %dma_wait3A_116 = tpu.memref_slice %arg3[%dma_wait3A_115] : memref<320000xi32, #tpu.memory_space<hbm>> -> memref<2000xi32, #tpu.memory_space<hbm>>
          %dma_wait3A_117 = arith.constant 0 : i32
          %dma_wait3A_118 = tpu.memref_slice %arg3[%dma_wait3A_117] : memref<320000xi32, #tpu.memory_space<hbm>> -> memref<2000xi32, #tpu.memory_space<hbm>>
          tpu.wait_dma2 semaphore(%arg29 : memref<!tpu.dma_semaphore, #tpu.memory_space<semaphore_mem>>) src(%dma_wait3A_118 : memref<2000xi32, #tpu.memory_space<hbm>>) dst(%arg13 : memref<2000xi32, #tpu.memory_space<vmem>>)
          %dma_wait3A_119 = arith.constant 0 : i32
          %dma_wait3A_120 = tpu.memref_slice %arg4[%dma_wait3A_119] : memref<320000xi32, #tpu.memory_space<hbm>> -> memref<2000xi32, #tpu.memory_space<hbm>>
          %dma_wait3A_121 = arith.constant 0 : i32
          %dma_wait3A_122 = tpu.memref_slice %arg4[%dma_wait3A_121] : memref<320000xi32, #tpu.memory_space<hbm>> -> memref<2000xi32, #tpu.memory_space<hbm>>
          tpu.wait_dma2 semaphore(%arg29 : memref<!tpu.dma_semaphore, #tpu.memory_space<semaphore_mem>>) src(%dma_wait3A_122 : memref<2000xi32, #tpu.memory_space<hbm>>) dst(%arg17 : memref<2000xi32, #tpu.memory_space<vmem>>)
          %add3A_123 = arith.constant 4 : i32
          %add3A_124 = arith.addi %add3A_82, %add3A_123 : i32
          %lt3A_125 = arith.constant 10 : i32
          %lt3A_126 = arith.cmpi slt, %add3A_124, %lt3A_125 : i32
          %convert_element_type3A_127 = arith.extui %lt3A_126 : i1 to i32
          %cond3A_128 = arith.constant 0 : i32
          %cond3A_129 = arith.cmpi ne, %convert_element_type3A_127, %cond3A_128 : i32
          scf.if %cond3A_129 {
            %add3A_132 = arith.constant 4 : i32
            %add3A_133 = arith.addi %add3A_82, %add3A_132 : i32
            %mul3A_134 = arith.constant 2000 : i32
            %mul3A_135 = arith.muli %add3A_133, %mul3A_134 : i32
            %add3A_136 = arith.addi %mul3A_10, %mul3A_135 : i32
            %dma_start3A_137 = tpu.memref_slice %arg3[%add3A_136] : memref<320000xi32, #tpu.memory_space<hbm>> -> memref<2000xi32, #tpu.memory_space<hbm>>
            %dma_start3A_138 = tpu.memref_slice %arg3[%add3A_136] : memref<320000xi32, #tpu.memory_space<hbm>> -> memref<2000xi32, #tpu.memory_space<hbm>>
            tpu.enqueue_dma source(%dma_start3A_138 : memref<2000xi32, #tpu.memory_space<hbm>>) target(%arg11 : memref<2000xi32, #tpu.memory_space<vmem>>) target_semaphore(%arg27 : memref<!tpu.dma_semaphore, #tpu.memory_space<semaphore_mem>>)
            %dma_start3A_139 = tpu.memref_slice %arg4[%add3A_136] : memref<320000xi32, #tpu.memory_space<hbm>> -> memref<2000xi32, #tpu.memory_space<hbm>>
            %dma_start3A_140 = tpu.memref_slice %arg4[%add3A_136] : memref<320000xi32, #tpu.memory_space<hbm>> -> memref<2000xi32, #tpu.memory_space<hbm>>
            tpu.enqueue_dma source(%dma_start3A_140 : memref<2000xi32, #tpu.memory_space<hbm>>) target(%arg15 : memref<2000xi32, #tpu.memory_space<vmem>>) target_semaphore(%arg27 : memref<!tpu.dma_semaphore, #tpu.memory_space<semaphore_mem>>)
          } else {
          }
          %dma_start3A_130 = arith.constant 0 : i32
          %dma_start3A_131 = tpu.memref_slice %arg23[%dma_start3A_130] : memref<10000xf32, #tpu.memory_space<vmem_shared>> -> memref<10000xf32, #tpu.memory_space<vmem_shared>>
          tpu.enqueue_indirect_dma source(%dma_start3A_131 : memref<10000xf32, #tpu.memory_space<vmem_shared>>) target(%arg9 : memref<2000xf32, #tpu.memory_space<vmem>>) offsets(%arg13 : memref<2000xi32, #tpu.memory_space<vmem>>) semaphore(%arg25 : memref<!tpu.dma_semaphore, #tpu.memory_space<semaphore_mem>>)
        } else {
        }
      } else {
      }
      %mul3A_88 = arith.constant 4 : i32
      %mul3A_89 = arith.muli %scan3A_70, %mul3A_88 : i32
      %add3A_90 = arith.constant 2 : i32
      %add3A_91 = arith.addi %mul3A_89, %add3A_90 : i32
      %lt3A_92 = arith.constant 10 : i32
      %lt3A_93 = arith.cmpi slt, %add3A_91, %lt3A_92 : i32
      %convert_element_type3A_94 = arith.extui %lt3A_93 : i1 to i32
      %cond3A_95 = arith.constant 0 : i32
      %cond3A_96 = arith.cmpi ne, %convert_element_type3A_94, %cond3A_95 : i32
      scf.if %cond3A_96 {
        %dma_wait3A_106 = arith.constant 0 : i32
        %dma_wait3A_107 = tpu.memref_slice %arg23[%dma_wait3A_106] : memref<10000xf32, #tpu.memory_space<vmem_shared>> -> memref<10000xf32, #tpu.memory_space<vmem_shared>>
        tpu.wait_indirect_dma semaphore(%arg24 : memref<!tpu.dma_semaphore, #tpu.memory_space<semaphore_mem>>) src(%dma_wait3A_107 : memref<10000xf32, #tpu.memory_space<vmem_shared>>) dst(%arg8 : memref<2000xf32, #tpu.memory_space<vmem>>)
        "tpu.region"() ({
          %run_scoped3A = tpu.sem_alloc : memref<!tpu.dma_semaphore, #tpu.memory_space<semaphore_mem>>
          %dma_start3A_115 = arith.constant 0 : i32
          %dma_start3A_116 = tpu.memref_slice %arg22[%dma_start3A_115] : memref<10240xf32, #tpu.memory_space<vmem_shared>> -> memref<10240xf32, #tpu.memory_space<vmem_shared>>
          tpu.enqueue_indirect_dma source(%arg8 : memref<2000xf32, #tpu.memory_space<vmem>>) target(%dma_start3A_116 : memref<10240xf32, #tpu.memory_space<vmem_shared>>) offsets(%arg16 : memref<2000xi32, #tpu.memory_space<vmem>>) semaphore(%run_scoped3A : memref<!tpu.dma_semaphore, #tpu.memory_space<semaphore_mem>>) {add = true}
          %dma_wait3A_117 = arith.constant 0 : i32
          %dma_wait3A_118 = tpu.memref_slice %arg22[%dma_wait3A_117] : memref<10240xf32, #tpu.memory_space<vmem_shared>> -> memref<10240xf32, #tpu.memory_space<vmem_shared>>
          tpu.wait_indirect_dma semaphore(%run_scoped3A : memref<!tpu.dma_semaphore, #tpu.memory_space<semaphore_mem>>) src(%arg8 : memref<2000xf32, #tpu.memory_space<vmem>>) dst(%dma_wait3A_118 : memref<10240xf32, #tpu.memory_space<vmem_shared>>)
          tpu.yield
        }) : () -> ()
        %add3A_108 = arith.constant 2 : i32
        %add3A_109 = arith.addi %add3A_91, %add3A_108 : i32
        %lt3A_110 = arith.constant 10 : i32
        %lt3A_111 = arith.cmpi slt, %add3A_109, %lt3A_110 : i32
        %convert_element_type3A_112 = arith.extui %lt3A_111 : i1 to i32
        %cond3A_113 = arith.constant 0 : i32
        %cond3A_114 = arith.cmpi ne, %convert_element_type3A_112, %cond3A_113 : i32
        scf.if %cond3A_114 {
          %dma_wait3A_115 = arith.constant 0 : i32
          %dma_wait3A_116 = tpu.memref_slice %arg3[%dma_wait3A_115] : memref<320000xi32, #tpu.memory_space<hbm>> -> memref<2000xi32, #tpu.memory_space<hbm>>
          %dma_wait3A_117 = arith.constant 0 : i32
          %dma_wait3A_118 = tpu.memref_slice %arg3[%dma_wait3A_117] : memref<320000xi32, #tpu.memory_space<hbm>> -> memref<2000xi32, #tpu.memory_space<hbm>>
          tpu.wait_dma2 semaphore(%arg26 : memref<!tpu.dma_semaphore, #tpu.memory_space<semaphore_mem>>) src(%dma_wait3A_118 : memref<2000xi32, #tpu.memory_space<hbm>>) dst(%arg10 : memref<2000xi32, #tpu.memory_space<vmem>>)
          %dma_wait3A_119 = arith.constant 0 : i32
          %dma_wait3A_120 = tpu.memref_slice %arg4[%dma_wait3A_119] : memref<320000xi32, #tpu.memory_space<hbm>> -> memref<2000xi32, #tpu.memory_space<hbm>>
          %dma_wait3A_121 = arith.constant 0 : i32
          %dma_wait3A_122 = tpu.memref_slice %arg4[%dma_wait3A_121] : memref<320000xi32, #tpu.memory_space<hbm>> -> memref<2000xi32, #tpu.memory_space<hbm>>
          tpu.wait_dma2 semaphore(%arg26 : memref<!tpu.dma_semaphore, #tpu.memory_space<semaphore_mem>>) src(%dma_wait3A_122 : memref<2000xi32, #tpu.memory_space<hbm>>) dst(%arg14 : memref<2000xi32, #tpu.memory_space<vmem>>)
          %add3A_123 = arith.constant 4 : i32
          %add3A_124 = arith.addi %add3A_91, %add3A_123 : i32
          %lt3A_125 = arith.constant 10 : i32
          %lt3A_126 = arith.cmpi slt, %add3A_124, %lt3A_125 : i32
          %convert_element_type3A_127 = arith.extui %lt3A_126 : i1 to i32
          %cond3A_128 = arith.constant 0 : i32
          %cond3A_129 = arith.cmpi ne, %convert_element_type3A_127, %cond3A_128 : i32
          scf.if %cond3A_129 {
            %add3A_132 = arith.constant 4 : i32
            %add3A_133 = arith.addi %add3A_91, %add3A_132 : i32
            %mul3A_134 = arith.constant 2000 : i32
            %mul3A_135 = arith.muli %add3A_133, %mul3A_134 : i32
            %add3A_136 = arith.addi %mul3A_10, %mul3A_135 : i32
            %dma_start3A_137 = tpu.memref_slice %arg3[%add3A_136] : memref<320000xi32, #tpu.memory_space<hbm>> -> memref<2000xi32, #tpu.memory_space<hbm>>
            %dma_start3A_138 = tpu.memref_slice %arg3[%add3A_136] : memref<320000xi32, #tpu.memory_space<hbm>> -> memref<2000xi32, #tpu.memory_space<hbm>>
            tpu.enqueue_dma source(%dma_start3A_138 : memref<2000xi32, #tpu.memory_space<hbm>>) target(%arg12 : memref<2000xi32, #tpu.memory_space<vmem>>) target_semaphore(%arg28 : memref<!tpu.dma_semaphore, #tpu.memory_space<semaphore_mem>>)
            %dma_start3A_139 = tpu.memref_slice %arg4[%add3A_136] : memref<320000xi32, #tpu.memory_space<hbm>> -> memref<2000xi32, #tpu.memory_space<hbm>>
            %dma_start3A_140 = tpu.memref_slice %arg4[%add3A_136] : memref<320000xi32, #tpu.memory_space<hbm>> -> memref<2000xi32, #tpu.memory_space<hbm>>
            tpu.enqueue_dma source(%dma_start3A_140 : memref<2000xi32, #tpu.memory_space<hbm>>) target(%arg16 : memref<2000xi32, #tpu.memory_space<vmem>>) target_semaphore(%arg28 : memref<!tpu.dma_semaphore, #tpu.memory_space<semaphore_mem>>)
          } else {
          }
          %dma_start3A_130 = arith.constant 0 : i32
          %dma_start3A_131 = tpu.memref_slice %arg23[%dma_start3A_130] : memref<10000xf32, #tpu.memory_space<vmem_shared>> -> memref<10000xf32, #tpu.memory_space<vmem_shared>>
          tpu.enqueue_indirect_dma source(%dma_start3A_131 : memref<10000xf32, #tpu.memory_space<vmem_shared>>) target(%arg8 : memref<2000xf32, #tpu.memory_space<vmem>>) offsets(%arg10 : memref<2000xi32, #tpu.memory_space<vmem>>) semaphore(%arg24 : memref<!tpu.dma_semaphore, #tpu.memory_space<semaphore_mem>>)
        } else {
        }
      } else {
      }
      %mul3A_97 = arith.constant 4 : i32
      %mul3A_98 = arith.muli %scan3A_70, %mul3A_97 : i32
      %add3A_99 = arith.constant 3 : i32
      %add3A_100 = arith.addi %mul3A_98, %add3A_99 : i32
      %lt3A_101 = arith.constant 10 : i32
      %lt3A_102 = arith.cmpi slt, %add3A_100, %lt3A_101 : i32
      %convert_element_type3A_103 = arith.extui %lt3A_102 : i1 to i32
      %cond3A_104 = arith.constant 0 : i32
      %cond3A_105 = arith.cmpi ne, %convert_element_type3A_103, %cond3A_104 : i32
      scf.if %cond3A_105 {
        %dma_wait3A_106 = arith.constant 0 : i32
        %dma_wait3A_107 = tpu.memref_slice %arg23[%dma_wait3A_106] : memref<10000xf32, #tpu.memory_space<vmem_shared>> -> memref<10000xf32, #tpu.memory_space<vmem_shared>>
        tpu.wait_indirect_dma semaphore(%arg25 : memref<!tpu.dma_semaphore, #tpu.memory_space<semaphore_mem>>) src(%dma_wait3A_107 : memref<10000xf32, #tpu.memory_space<vmem_shared>>) dst(%arg9 : memref<2000xf32, #tpu.memory_space<vmem>>)
        "tpu.region"() ({
          %run_scoped3A = tpu.sem_alloc : memref<!tpu.dma_semaphore, #tpu.memory_space<semaphore_mem>>
          %dma_start3A_115 = arith.constant 0 : i32
          %dma_start3A_116 = tpu.memref_slice %arg22[%dma_start3A_115] : memref<10240xf32, #tpu.memory_space<vmem_shared>> -> memref<10240xf32, #tpu.memory_space<vmem_shared>>
          tpu.enqueue_indirect_dma source(%arg9 : memref<2000xf32, #tpu.memory_space<vmem>>) target(%dma_start3A_116 : memref<10240xf32, #tpu.memory_space<vmem_shared>>) offsets(%arg17 : memref<2000xi32, #tpu.memory_space<vmem>>) semaphore(%run_scoped3A : memref<!tpu.dma_semaphore, #tpu.memory_space<semaphore_mem>>) {add = true}
          %dma_wait3A_117 = arith.constant 0 : i32
          %dma_wait3A_118 = tpu.memref_slice %arg22[%dma_wait3A_117] : memref<10240xf32, #tpu.memory_space<vmem_shared>> -> memref<10240xf32, #tpu.memory_space<vmem_shared>>
          tpu.wait_indirect_dma semaphore(%run_scoped3A : memref<!tpu.dma_semaphore, #tpu.memory_space<semaphore_mem>>) src(%arg9 : memref<2000xf32, #tpu.memory_space<vmem>>) dst(%dma_wait3A_118 : memref<10240xf32, #tpu.memory_space<vmem_shared>>)
          tpu.yield
        }) : () -> ()
        %add3A_108 = arith.constant 2 : i32
        %add3A_109 = arith.addi %add3A_100, %add3A_108 : i32
        %lt3A_110 = arith.constant 10 : i32
        %lt3A_111 = arith.cmpi slt, %add3A_109, %lt3A_110 : i32
        %convert_element_type3A_112 = arith.extui %lt3A_111 : i1 to i32
        %cond3A_113 = arith.constant 0 : i32
        %cond3A_114 = arith.cmpi ne, %convert_element_type3A_112, %cond3A_113 : i32
        scf.if %cond3A_114 {
          %dma_wait3A_115 = arith.constant 0 : i32
          %dma_wait3A_116 = tpu.memref_slice %arg3[%dma_wait3A_115] : memref<320000xi32, #tpu.memory_space<hbm>> -> memref<2000xi32, #tpu.memory_space<hbm>>
          %dma_wait3A_117 = arith.constant 0 : i32
          %dma_wait3A_118 = tpu.memref_slice %arg3[%dma_wait3A_117] : memref<320000xi32, #tpu.memory_space<hbm>> -> memref<2000xi32, #tpu.memory_space<hbm>>
          tpu.wait_dma2 semaphore(%arg27 : memref<!tpu.dma_semaphore, #tpu.memory_space<semaphore_mem>>) src(%dma_wait3A_118 : memref<2000xi32, #tpu.memory_space<hbm>>) dst(%arg11 : memref<2000xi32, #tpu.memory_space<vmem>>)
          %dma_wait3A_119 = arith.constant 0 : i32
          %dma_wait3A_120 = tpu.memref_slice %arg4[%dma_wait3A_119] : memref<320000xi32, #tpu.memory_space<hbm>> -> memref<2000xi32, #tpu.memory_space<hbm>>
          %dma_wait3A_121 = arith.constant 0 : i32
          %dma_wait3A_122 = tpu.memref_slice %arg4[%dma_wait3A_121] : memref<320000xi32, #tpu.memory_space<hbm>> -> memref<2000xi32, #tpu.memory_space<hbm>>
          tpu.wait_dma2 semaphore(%arg27 : memref<!tpu.dma_semaphore, #tpu.memory_space<semaphore_mem>>) src(%dma_wait3A_122 : memref<2000xi32, #tpu.memory_space<hbm>>) dst(%arg15 : memref<2000xi32, #tpu.memory_space<vmem>>)
          %add3A_123 = arith.constant 4 : i32
          %add3A_124 = arith.addi %add3A_100, %add3A_123 : i32
          %lt3A_125 = arith.constant 10 : i32
          %lt3A_126 = arith.cmpi slt, %add3A_124, %lt3A_125 : i32
          %convert_element_type3A_127 = arith.extui %lt3A_126 : i1 to i32
          %cond3A_128 = arith.constant 0 : i32
          %cond3A_129 = arith.cmpi ne, %convert_element_type3A_127, %cond3A_128 : i32
          scf.if %cond3A_129 {
            %add3A_132 = arith.constant 4 : i32
            %add3A_133 = arith.addi %add3A_100, %add3A_132 : i32
            %mul3A_134 = arith.constant 2000 : i32
            %mul3A_135 = arith.muli %add3A_133, %mul3A_134 : i32
            %add3A_136 = arith.addi %mul3A_10, %mul3A_135 : i32
            %dma_start3A_137 = tpu.memref_slice %arg3[%add3A_136] : memref<320000xi32, #tpu.memory_space<hbm>> -> memref<2000xi32, #tpu.memory_space<hbm>>
            %dma_start3A_138 = tpu.memref_slice %arg3[%add3A_136] : memref<320000xi32, #tpu.memory_space<hbm>> -> memref<2000xi32, #tpu.memory_space<hbm>>
            tpu.enqueue_dma source(%dma_start3A_138 : memref<2000xi32, #tpu.memory_space<hbm>>) target(%arg13 : memref<2000xi32, #tpu.memory_space<vmem>>) target_semaphore(%arg29 : memref<!tpu.dma_semaphore, #tpu.memory_space<semaphore_mem>>)
            %dma_start3A_139 = tpu.memref_slice %arg4[%add3A_136] : memref<320000xi32, #tpu.memory_space<hbm>> -> memref<2000xi32, #tpu.memory_space<hbm>>
            %dma_start3A_140 = tpu.memref_slice %arg4[%add3A_136] : memref<320000xi32, #tpu.memory_space<hbm>> -> memref<2000xi32, #tpu.memory_space<hbm>>
            tpu.enqueue_dma source(%dma_start3A_140 : memref<2000xi32, #tpu.memory_space<hbm>>) target(%arg17 : memref<2000xi32, #tpu.memory_space<vmem>>) target_semaphore(%arg29 : memref<!tpu.dma_semaphore, #tpu.memory_space<semaphore_mem>>)
          } else {
          }
          %dma_start3A_130 = arith.constant 0 : i32
          %dma_start3A_131 = tpu.memref_slice %arg23[%dma_start3A_130] : memref<10000xf32, #tpu.memory_space<vmem_shared>> -> memref<10000xf32, #tpu.memory_space<vmem_shared>>
          tpu.enqueue_indirect_dma source(%dma_start3A_131 : memref<10000xf32, #tpu.memory_space<vmem_shared>>) target(%arg9 : memref<2000xf32, #tpu.memory_space<vmem>>) offsets(%arg11 : memref<2000xi32, #tpu.memory_space<vmem>>) semaphore(%arg25 : memref<!tpu.dma_semaphore, #tpu.memory_space<semaphore_mem>>)
        } else {
        }
      } else {
      }
    }
    %scan3A_57 = arith.constant 3 : i32
    %barrier3A_58 = arith.constant 0 : index
    tpu.barrier barrier_id(%barrier3A_58)
    %mul3A_59 = arith.constant 16 : i32
    %mul3A_60 = arith.muli %arg0, %mul3A_59 : i32
    %add3A_61 = arith.addi %mul3A_60, %arg1 : i32
    %mul3A_62 = arith.constant 320 : i32
    %mul3A_63 = arith.muli %add3A_61, %mul3A_62 : i32
    "tpu.region"() ({
      %run_scoped3A = tpu.sem_alloc : memref<!tpu.dma_semaphore, #tpu.memory_space<semaphore_mem>>
      %dma_start3A_70 = arith.constant 0 : i32
      %dma_start3A_71 = tpu.memref_slice %arg18[%dma_start3A_70] : memref<640xf32, #tpu.memory_space<vmem>> -> memref<320xf32, #tpu.memory_space<vmem>>
      %dma_start3A_72 = tpu.memref_slice %arg22[%mul3A_63] : memref<10240xf32, #tpu.memory_space<vmem_shared>> -> memref<320xf32, #tpu.memory_space<vmem_shared>>
      %dma_start3A_73 = arith.constant 0 : i32
      %dma_start3A_74 = tpu.memref_slice %arg18[%dma_start3A_73] : memref<640xf32, #tpu.memory_space<vmem>> -> memref<320xf32, #tpu.memory_space<vmem>>
      %dma_start3A_75 = tpu.memref_slice %arg22[%mul3A_63] : memref<10240xf32, #tpu.memory_space<vmem_shared>> -> memref<320xf32, #tpu.memory_space<vmem_shared>>
      tpu.enqueue_dma source(%dma_start3A_75 : memref<320xf32, #tpu.memory_space<vmem_shared>>) target(%dma_start3A_74 : memref<320xf32, #tpu.memory_space<vmem>>) target_semaphore(%run_scoped3A : memref<!tpu.dma_semaphore, #tpu.memory_space<semaphore_mem>>)
      %dma_wait3A_76 = arith.constant 0 : i32
      %dma_wait3A_77 = tpu.memref_slice %arg18[%dma_wait3A_76] : memref<640xf32, #tpu.memory_space<vmem>> -> memref<320xf32, #tpu.memory_space<vmem>>
      %dma_wait3A_78 = tpu.memref_slice %arg22[%mul3A_63] : memref<10240xf32, #tpu.memory_space<vmem_shared>> -> memref<320xf32, #tpu.memory_space<vmem_shared>>
      %dma_wait3A_79 = arith.constant 0 : i32
      %dma_wait3A_80 = tpu.memref_slice %arg18[%dma_wait3A_79] : memref<640xf32, #tpu.memory_space<vmem>> -> memref<320xf32, #tpu.memory_space<vmem>>
      %dma_wait3A_81 = tpu.memref_slice %arg22[%mul3A_63] : memref<10240xf32, #tpu.memory_space<vmem_shared>> -> memref<320xf32, #tpu.memory_space<vmem_shared>>
      tpu.wait_dma2 semaphore(%run_scoped3A : memref<!tpu.dma_semaphore, #tpu.memory_space<semaphore_mem>>) src(%dma_wait3A_81 : memref<320xf32, #tpu.memory_space<vmem_shared>>) dst(%dma_wait3A_80 : memref<320xf32, #tpu.memory_space<vmem>>)
      tpu.yield
    }) : () -> ()
    "tpu.region"() ({
      %run_scoped3A = tpu.sem_alloc : memref<!tpu.dma_semaphore, #tpu.memory_space<semaphore_mem>>
      %dma_start3A_70 = tpu.memref_slice %arg5[%mul3A_63] : memref<10240xf32, #tpu.memory_space<hbm>> -> memref<320xf32, #tpu.memory_space<hbm>>
      %dma_start3A_71 = tpu.memref_slice %arg5[%mul3A_63] : memref<10240xf32, #tpu.memory_space<hbm>> -> memref<320xf32, #tpu.memory_space<hbm>>
      tpu.enqueue_dma source(%dma_start3A_71 : memref<320xf32, #tpu.memory_space<hbm>>) target(%arg19 : memref<320xf32, #tpu.memory_space<vmem>>) target_semaphore(%run_scoped3A : memref<!tpu.dma_semaphore, #tpu.memory_space<semaphore_mem>>)
      %dma_wait3A_72 = tpu.memref_slice %arg5[%mul3A_63] : memref<10240xf32, #tpu.memory_space<hbm>> -> memref<320xf32, #tpu.memory_space<hbm>>
      %dma_wait3A_73 = tpu.memref_slice %arg5[%mul3A_63] : memref<10240xf32, #tpu.memory_space<hbm>> -> memref<320xf32, #tpu.memory_space<hbm>>
      tpu.wait_dma2 semaphore(%run_scoped3A : memref<!tpu.dma_semaphore, #tpu.memory_space<semaphore_mem>>) src(%dma_wait3A_73 : memref<320xf32, #tpu.memory_space<hbm>>) dst(%arg19 : memref<320xf32, #tpu.memory_space<vmem>>)
      tpu.yield
    }) : () -> ()
    "tpu.region"() ({
      %run_scoped3A = tpu.sem_alloc : memref<!tpu.dma_semaphore, #tpu.memory_space<semaphore_mem>>
      %dma_start3A_70 = tpu.memref_slice %arg6[%mul3A_63] : memref<10240xf32, #tpu.memory_space<hbm>> -> memref<320xf32, #tpu.memory_space<hbm>>
      %dma_start3A_71 = tpu.memref_slice %arg6[%mul3A_63] : memref<10240xf32, #tpu.memory_space<hbm>> -> memref<320xf32, #tpu.memory_space<hbm>>
      tpu.enqueue_dma source(%dma_start3A_71 : memref<320xf32, #tpu.memory_space<hbm>>) target(%arg20 : memref<320xf32, #tpu.memory_space<vmem>>) target_semaphore(%run_scoped3A : memref<!tpu.dma_semaphore, #tpu.memory_space<semaphore_mem>>)
      %dma_wait3A_72 = tpu.memref_slice %arg6[%mul3A_63] : memref<10240xf32, #tpu.memory_space<hbm>> -> memref<320xf32, #tpu.memory_space<hbm>>
      %dma_wait3A_73 = tpu.memref_slice %arg6[%mul3A_63] : memref<10240xf32, #tpu.memory_space<hbm>> -> memref<320xf32, #tpu.memory_space<hbm>>
      tpu.wait_dma2 semaphore(%run_scoped3A : memref<!tpu.dma_semaphore, #tpu.memory_space<semaphore_mem>>) src(%dma_wait3A_73 : memref<320xf32, #tpu.memory_space<hbm>>) dst(%arg20 : memref<320xf32, #tpu.memory_space<vmem>>)
      tpu.yield
    }) : () -> ()
    %scan3A_64 = arith.constant 0 : i32
    %scan3A_65 = arith.constant 0 : i32
    %scan3A_66 = arith.constant 20 : i32
    %scan3A_67 = arith.addi %scan3A_65, %scan3A_66 : i32
    %scan3A_68 = arith.constant 1 : i32
    scf.for %scan3A_70 = %scan3A_65 to %scan3A_67 step %scan3A_68  : i32 {
      %mul3A_71 = arith.constant 16 : i32
      %mul3A_72 = arith.muli %scan3A_70, %mul3A_71 : i32
      %get3A = arith.index_cast %mul3A_72 : i32 to index
      %get3A_73 = tpu.vector_load %arg19[%get3A] {strides = array<i32>} : memref<320xf32, #tpu.memory_space<vmem>>, vector<16xf32>,
      %get3A_74 = vector.shape_cast %get3A_73 : vector<16xf32> to vector<16xf32>
      %get3A_75 = arith.index_cast %mul3A_72 : i32 to index
      %get3A_76 = tpu.vector_load %arg20[%get3A_75] {strides = array<i32>} : memref<320xf32, #tpu.memory_space<vmem>>, vector<16xf32>,
      %get3A_77 = vector.shape_cast %get3A_76 : vector<16xf32> to vector<16xf32>
      %get3A_78 = arith.index_cast %mul3A_72 : i32 to index
      %get3A_79 = tpu.vector_load %arg18[%get3A_78] {strides = array<i32>} : memref<640xf32, #tpu.memory_space<vmem>>, vector<16xf32>,
      %get3A_80 = vector.shape_cast %get3A_79 : vector<16xf32> to vector<16xf32>
      %mul3A_81 = arith.mulf %get3A_77, %get3A_80 : vector<16xf32>
      %sub3A = arith.subf %get3A_74, %mul3A_81 : vector<16xf32>
      %neg3A = arith.constant 0.000000e+00 : f32
      %neg3A_82 = vector.broadcast %neg3A : f32 to vector<16xf32>
      %neg3A_83 = arith.subf %neg3A_82, %sub3A : vector<16xf32>
      %exp3A = math.exp %neg3A_83 : vector<16xf32>
      %add3A_84 = arith.constant 1.000000e+00 : f32
      %add3A_85 = vector.broadcast %add3A_84 : f32 to vector<16xf32>
      %add3A_86 = arith.addf %add3A_85, %exp3A : vector<16xf32>
      %div3A = arith.constant 1.000000e+00 : f32
      %div3A_87 = vector.broadcast %div3A : f32 to vector<16xf32>
      %div3A_88 = arith.divf %div3A_87, %add3A_86 : vector<16xf32>
      %swap3A = arith.index_cast %mul3A_72 : i32 to index
      %swap3A_89 = tpu.vector_load %arg21[%swap3A] {strides = array<i32>} : memref<320xf32, #tpu.memory_space<vmem>>, vector<16xf32>,
      %swap3A_90 = vector.shape_cast %swap3A_89 : vector<16xf32> to vector<16xf32>
      %swap3A_91 = vector.shape_cast %div3A_88 : vector<16xf32> to vector<16xf32>
      tpu.vector_store %arg21[%swap3A], %swap3A_91 {strides = array<i32>} : memref<320xf32, #tpu.memory_space<vmem>>, vector<16xf32>,
    }
    %scan3A_69 = arith.constant 20 : i32
    "tpu.region"() ({
      %run_scoped3A = tpu.sem_alloc : memref<!tpu.dma_semaphore, #tpu.memory_space<semaphore_mem>>
      %dma_start3A_70 = tpu.memref_slice %arg7[%mul3A_63] : memref<10240xf32, #tpu.memory_space<hbm>> -> memref<320xf32, #tpu.memory_space<hbm>>
      %dma_start3A_71 = tpu.memref_slice %arg7[%mul3A_63] : memref<10240xf32, #tpu.memory_space<hbm>> -> memref<320xf32, #tpu.memory_space<hbm>>
      tpu.enqueue_dma source(%arg21 : memref<320xf32, #tpu.memory_space<vmem>>) target(%dma_start3A_71 : memref<320xf32, #tpu.memory_space<hbm>>) target_semaphore(%run_scoped3A : memref<!tpu.dma_semaphore, #tpu.memory_space<semaphore_mem>>)
      %dma_wait3A_72 = tpu.memref_slice %arg7[%mul3A_63] : memref<10240xf32, #tpu.memory_space<hbm>> -> memref<320xf32, #tpu.memory_space<hbm>>
      %dma_wait3A_73 = tpu.memref_slice %arg7[%mul3A_63] : memref<10240xf32, #tpu.memory_space<hbm>> -> memref<320xf32, #tpu.memory_space<hbm>>
      tpu.wait_dma2 semaphore(%run_scoped3A : memref<!tpu.dma_semaphore, #tpu.memory_space<semaphore_mem>>) src(%arg21 : memref<320xf32, #tpu.memory_space<vmem>>) dst(%dma_wait3A_73 : memref<320xf32, #tpu.memory_space<hbm>>)
      tpu.yield
    }) : () -> ()
    return
  }
}

#map = affine_map<(d0, d1) -> (0, 0)>
#map1 = affine_map<(d0, d1) -> (0)>
#map2 = affine_map<(d0, d1) -> (0, 0, 0)>
module attributes {stable_mosaic.version = 14 : i64} {
  func.func @k(%arg0: i32, %arg1: i32, %arg2: memref<10000x128xf32, #tpu.memory_space<hbm>>, %arg3: memref<320000xi32, #tpu.memory_space<hbm>>, %arg4: memref<320000xi32, #tpu.memory_space<hbm>>, %arg5: memref<2x10240x128xf32, #tpu.memory_space<hbm>>, %arg6: memref<80x128xf32, #tpu.memory_space<vmem>>, %arg7: memref<80x128xf32, #tpu.memory_space<vmem>>, %arg8: memref<80x128xf32, #tpu.memory_space<vmem>>, %arg9: memref<80x128xf32, #tpu.memory_space<vmem>>, %arg10: memref<80xi32, #tpu.memory_space<vmem>>, %arg11: memref<80xi32, #tpu.memory_space<vmem>>, %arg12: memref<80xi32, #tpu.memory_space<vmem>>, %arg13: memref<80xi32, #tpu.memory_space<vmem>>, %arg14: memref<80xi32, #tpu.memory_space<vmem>>, %arg15: memref<80xi32, #tpu.memory_space<vmem>>, %arg16: memref<80xi32, #tpu.memory_space<vmem>>, %arg17: memref<80xi32, #tpu.memory_space<vmem>>, %arg18: memref<80xi32, #tpu.memory_space<vmem>>, %arg19: memref<80xi32, #tpu.memory_space<vmem>>, %arg20: memref<80xi32, #tpu.memory_space<vmem>>, %arg21: memref<80xi32, #tpu.memory_space<vmem>>, %arg22: memref<80xi32, #tpu.memory_space<vmem>>, %arg23: memref<80xi32, #tpu.memory_space<vmem>>, %arg24: memref<80xi32, #tpu.memory_space<vmem>>, %arg25: memref<80xi32, #tpu.memory_space<vmem>>, %arg26: memref<10240x128xf32, #tpu.memory_space<vmem_shared>>, %arg27: memref<!tpu.dma_semaphore, #tpu.memory_space<semaphore_mem>>, %arg28: memref<!tpu.dma_semaphore, #tpu.memory_space<semaphore_mem>>, %arg29: memref<!tpu.dma_semaphore, #tpu.memory_space<semaphore_mem>>, %arg30: memref<!tpu.dma_semaphore, #tpu.memory_space<semaphore_mem>>, %arg31: memref<!tpu.dma_semaphore, #tpu.memory_space<semaphore_mem>>, %arg32: memref<!tpu.dma_semaphore, #tpu.memory_space<semaphore_mem>>, %arg33: memref<!tpu.dma_semaphore, #tpu.memory_space<semaphore_mem>>, %arg34: memref<!tpu.dma_semaphore, #tpu.memory_space<semaphore_mem>>, %arg35: memref<!tpu.dma_semaphore, #tpu.memory_space<semaphore_mem>>, %arg36: memref<!tpu.dma_semaphore, #tpu.memory_space<semaphore_mem>>, %arg37: memref<!tpu.dma_semaphore, #tpu.memory_space<semaphore_mem>>, %arg38: memref<!tpu.dma_semaphore, #tpu.memory_space<semaphore_mem>>, %arg39: memref<!tpu.dma_semaphore, #tpu.memory_space<semaphore_mem>>, %arg40: memref<!tpu.dma_semaphore, #tpu.memory_space<semaphore_mem>>, %arg41: memref<!tpu.dma_semaphore, #tpu.memory_space<semaphore_mem>>, %arg42: memref<!tpu.dma_semaphore, #tpu.memory_space<semaphore_mem>>) attributes {dimension_semantics = [#tpu.dimension_semantics<core_parallel>, #tpu.dimension_semantics<subcore_parallel>], iteration_bounds = array<i64: 2, 16>, scalar_prefetch = 0 : i64, scratch_operands = 37 : i64, tpu.core_type = #tpu.core_type<sc_vector_subcore>, window_params = [{transform_indices = #map}, {transform_indices = #map1}, {transform_indices = #map1}, {transform_indices = #map2}]} {
    %broadcast_in_dim3A = arith.constant 0.000000e+00 : f32
    %broadcast_in_dim3A_0 = vector.broadcast %broadcast_in_dim3A : f32 to vector<16xf32>
    %scan3A = arith.constant 0 : i32
    %scan3A_1 = arith.constant 0 : i32
    %scan3A_2 = arith.constant 80 : i32
    %scan3A_3 = arith.addi %scan3A_1, %scan3A_2 : i32
    %scan3A_4 = arith.constant 1 : i32
    scf.for %scan3A_130 = %scan3A_1 to %scan3A_3 step %scan3A_4  : i32 {
      %swap3A = arith.index_cast %scan3A_130 : i32 to index
      %swap3A_131 = arith.constant 0 : index
      %swap3A_132 = tpu.vector_load %arg6[%swap3A, %swap3A_131] {strides = array<i32>} : memref<80x128xf32, #tpu.memory_space<vmem>>, vector<1x16xf32>,
      %swap3A_133 = vector.shape_cast %swap3A_132 : vector<1x16xf32> to vector<16xf32>
      %swap3A_134 = vector.shape_cast %broadcast_in_dim3A_0 : vector<16xf32> to vector<1x16xf32>
      tpu.vector_store %arg6[%swap3A, %swap3A_131], %swap3A_134 {strides = array<i32>} : memref<80x128xf32, #tpu.memory_space<vmem>>, vector<1x16xf32>,
      %swap3A_135 = arith.index_cast %scan3A_130 : i32 to index
      %swap3A_136 = arith.constant 16 : index
      %swap3A_137 = tpu.vector_load %arg6[%swap3A_135, %swap3A_136] {strides = array<i32>} : memref<80x128xf32, #tpu.memory_space<vmem>>, vector<1x16xf32>,
      %swap3A_138 = vector.shape_cast %swap3A_137 : vector<1x16xf32> to vector<16xf32>
      %swap3A_139 = vector.shape_cast %broadcast_in_dim3A_0 : vector<16xf32> to vector<1x16xf32>
      tpu.vector_store %arg6[%swap3A_135, %swap3A_136], %swap3A_139 {strides = array<i32>} : memref<80x128xf32, #tpu.memory_space<vmem>>, vector<1x16xf32>,
      %swap3A_140 = arith.index_cast %scan3A_130 : i32 to index
      %swap3A_141 = arith.constant 32 : index
      %swap3A_142 = tpu.vector_load %arg6[%swap3A_140, %swap3A_141] {strides = array<i32>} : memref<80x128xf32, #tpu.memory_space<vmem>>, vector<1x16xf32>,
      %swap3A_143 = vector.shape_cast %swap3A_142 : vector<1x16xf32> to vector<16xf32>
      %swap3A_144 = vector.shape_cast %broadcast_in_dim3A_0 : vector<16xf32> to vector<1x16xf32>
      tpu.vector_store %arg6[%swap3A_140, %swap3A_141], %swap3A_144 {strides = array<i32>} : memref<80x128xf32, #tpu.memory_space<vmem>>, vector<1x16xf32>,
      %swap3A_145 = arith.index_cast %scan3A_130 : i32 to index
      %swap3A_146 = arith.constant 48 : index
      %swap3A_147 = tpu.vector_load %arg6[%swap3A_145, %swap3A_146] {strides = array<i32>} : memref<80x128xf32, #tpu.memory_space<vmem>>, vector<1x16xf32>,
      %swap3A_148 = vector.shape_cast %swap3A_147 : vector<1x16xf32> to vector<16xf32>
      %swap3A_149 = vector.shape_cast %broadcast_in_dim3A_0 : vector<16xf32> to vector<1x16xf32>
      tpu.vector_store %arg6[%swap3A_145, %swap3A_146], %swap3A_149 {strides = array<i32>} : memref<80x128xf32, #tpu.memory_space<vmem>>, vector<1x16xf32>,
      %swap3A_150 = arith.index_cast %scan3A_130 : i32 to index
      %swap3A_151 = arith.constant 64 : index
      %swap3A_152 = tpu.vector_load %arg6[%swap3A_150, %swap3A_151] {strides = array<i32>} : memref<80x128xf32, #tpu.memory_space<vmem>>, vector<1x16xf32>,
      %swap3A_153 = vector.shape_cast %swap3A_152 : vector<1x16xf32> to vector<16xf32>
      %swap3A_154 = vector.shape_cast %broadcast_in_dim3A_0 : vector<16xf32> to vector<1x16xf32>
      tpu.vector_store %arg6[%swap3A_150, %swap3A_151], %swap3A_154 {strides = array<i32>} : memref<80x128xf32, #tpu.memory_space<vmem>>, vector<1x16xf32>,
      %swap3A_155 = arith.index_cast %scan3A_130 : i32 to index
      %swap3A_156 = arith.constant 80 : index
      %swap3A_157 = tpu.vector_load %arg6[%swap3A_155, %swap3A_156] {strides = array<i32>} : memref<80x128xf32, #tpu.memory_space<vmem>>, vector<1x16xf32>,
      %swap3A_158 = vector.shape_cast %swap3A_157 : vector<1x16xf32> to vector<16xf32>
      %swap3A_159 = vector.shape_cast %broadcast_in_dim3A_0 : vector<16xf32> to vector<1x16xf32>
      tpu.vector_store %arg6[%swap3A_155, %swap3A_156], %swap3A_159 {strides = array<i32>} : memref<80x128xf32, #tpu.memory_space<vmem>>, vector<1x16xf32>,
      %swap3A_160 = arith.index_cast %scan3A_130 : i32 to index
      %swap3A_161 = arith.constant 96 : index
      %swap3A_162 = tpu.vector_load %arg6[%swap3A_160, %swap3A_161] {strides = array<i32>} : memref<80x128xf32, #tpu.memory_space<vmem>>, vector<1x16xf32>,
      %swap3A_163 = vector.shape_cast %swap3A_162 : vector<1x16xf32> to vector<16xf32>
      %swap3A_164 = vector.shape_cast %broadcast_in_dim3A_0 : vector<16xf32> to vector<1x16xf32>
      tpu.vector_store %arg6[%swap3A_160, %swap3A_161], %swap3A_164 {strides = array<i32>} : memref<80x128xf32, #tpu.memory_space<vmem>>, vector<1x16xf32>,
      %swap3A_165 = arith.index_cast %scan3A_130 : i32 to index
      %swap3A_166 = arith.constant 112 : index
      %swap3A_167 = tpu.vector_load %arg6[%swap3A_165, %swap3A_166] {strides = array<i32>} : memref<80x128xf32, #tpu.memory_space<vmem>>, vector<1x16xf32>,
      %swap3A_168 = vector.shape_cast %swap3A_167 : vector<1x16xf32> to vector<16xf32>
      %swap3A_169 = vector.shape_cast %broadcast_in_dim3A_0 : vector<16xf32> to vector<1x16xf32>
      tpu.vector_store %arg6[%swap3A_165, %swap3A_166], %swap3A_169 {strides = array<i32>} : memref<80x128xf32, #tpu.memory_space<vmem>>, vector<1x16xf32>,
    }
    %scan3A_5 = arith.constant 80 : i32
    %scan3A_6 = arith.constant 0 : i32
    %scan3A_7 = arith.constant 0 : i32
    %scan3A_8 = arith.constant 8 : i32
    %scan3A_9 = arith.addi %scan3A_7, %scan3A_8 : i32
    %scan3A_10 = arith.constant 1 : i32
    scf.for %scan3A_130 = %scan3A_7 to %scan3A_9 step %scan3A_10  : i32 {
      %mul3A_131 = arith.constant 640 : i32
      %mul3A_132 = arith.muli %arg1, %mul3A_131 : i32
      %mul3A_133 = arith.constant 80 : i32
      %mul3A_134 = arith.muli %scan3A_130, %mul3A_133 : i32
      %add3A_135 = arith.addi %mul3A_132, %mul3A_134 : i32
      "tpu.region"() ({
        %run_scoped3A = tpu.sem_alloc : memref<!tpu.dma_semaphore, #tpu.memory_space<semaphore_mem>>
        %dma_start3A_136 = arith.constant 0 : i32
        %dma_start3A_137 = tpu.memref_slice %arg26[%add3A_135, %dma_start3A_136] : memref<10240x128xf32, #tpu.memory_space<vmem_shared>> -> memref<80x128xf32, #tpu.memory_space<vmem_shared>>
        %dma_start3A_138 = arith.constant 0 : i32
        %dma_start3A_139 = tpu.memref_slice %arg26[%add3A_135, %dma_start3A_138] : memref<10240x128xf32, #tpu.memory_space<vmem_shared>> -> memref<80x128xf32, #tpu.memory_space<vmem_shared>>
        tpu.enqueue_dma source(%arg6 : memref<80x128xf32, #tpu.memory_space<vmem>>) target(%dma_start3A_139 : memref<80x128xf32, #tpu.memory_space<vmem_shared>>) target_semaphore(%run_scoped3A : memref<!tpu.dma_semaphore, #tpu.memory_space<semaphore_mem>>)
        %dma_wait3A_140 = arith.constant 0 : i32
        %dma_wait3A_141 = tpu.memref_slice %arg26[%add3A_135, %dma_wait3A_140] : memref<10240x128xf32, #tpu.memory_space<vmem_shared>> -> memref<80x128xf32, #tpu.memory_space<vmem_shared>>
        %dma_wait3A_142 = arith.constant 0 : i32
        %dma_wait3A_143 = tpu.memref_slice %arg26[%add3A_135, %dma_wait3A_142] : memref<10240x128xf32, #tpu.memory_space<vmem_shared>> -> memref<80x128xf32, #tpu.memory_space<vmem_shared>>
        tpu.wait_dma2 semaphore(%run_scoped3A : memref<!tpu.dma_semaphore, #tpu.memory_space<semaphore_mem>>) src(%arg6 : memref<80x128xf32, #tpu.memory_space<vmem>>) dst(%dma_wait3A_143 : memref<80x128xf32, #tpu.memory_space<vmem_shared>>)
        tpu.yield
      }) : () -> ()
    }
    %scan3A_11 = arith.constant 8 : i32
    %barrier3A = arith.constant 0 : index
    tpu.barrier barrier_id(%barrier3A)
    %mul3A = arith.constant 16 : i32
    %mul3A_12 = arith.muli %arg0, %mul3A : i32
    %add3A = arith.addi %mul3A_12, %arg1 : i32
    %mul3A_13 = arith.constant 10000 : i32
    %mul3A_14 = arith.muli %add3A, %mul3A_13 : i32
    %add3A_15 = arith.constant 0 : i32
    %add3A_16 = arith.addi %mul3A_14, %add3A_15 : i32
    %dma_start3A = tpu.memref_slice %arg3[%add3A_16] : memref<320000xi32, #tpu.memory_space<hbm>> -> memref<80xi32, #tpu.memory_space<hbm>>
    %dma_start3A_17 = tpu.memref_slice %arg3[%add3A_16] : memref<320000xi32, #tpu.memory_space<hbm>> -> memref<80xi32, #tpu.memory_space<hbm>>
    tpu.enqueue_dma source(%dma_start3A_17 : memref<80xi32, #tpu.memory_space<hbm>>) target(%arg10 : memref<80xi32, #tpu.memory_space<vmem>>) target_semaphore(%arg35 : memref<!tpu.dma_semaphore, #tpu.memory_space<semaphore_mem>>)
    %dma_start3A_18 = tpu.memref_slice %arg4[%add3A_16] : memref<320000xi32, #tpu.memory_space<hbm>> -> memref<80xi32, #tpu.memory_space<hbm>>
    %dma_start3A_19 = tpu.memref_slice %arg4[%add3A_16] : memref<320000xi32, #tpu.memory_space<hbm>> -> memref<80xi32, #tpu.memory_space<hbm>>
    tpu.enqueue_dma source(%dma_start3A_19 : memref<80xi32, #tpu.memory_space<hbm>>) target(%arg18 : memref<80xi32, #tpu.memory_space<vmem>>) target_semaphore(%arg35 : memref<!tpu.dma_semaphore, #tpu.memory_space<semaphore_mem>>)
    %add3A_20 = arith.constant 80 : i32
    %add3A_21 = arith.addi %mul3A_14, %add3A_20 : i32
    %dma_start3A_22 = tpu.memref_slice %arg3[%add3A_21] : memref<320000xi32, #tpu.memory_space<hbm>> -> memref<80xi32, #tpu.memory_space<hbm>>
    %dma_start3A_23 = tpu.memref_slice %arg3[%add3A_21] : memref<320000xi32, #tpu.memory_space<hbm>> -> memref<80xi32, #tpu.memory_space<hbm>>
    tpu.enqueue_dma source(%dma_start3A_23 : memref<80xi32, #tpu.memory_space<hbm>>) target(%arg11 : memref<80xi32, #tpu.memory_space<vmem>>) target_semaphore(%arg36 : memref<!tpu.dma_semaphore, #tpu.memory_space<semaphore_mem>>)
    %dma_start3A_24 = tpu.memref_slice %arg4[%add3A_21] : memref<320000xi32, #tpu.memory_space<hbm>> -> memref<80xi32, #tpu.memory_space<hbm>>
    %dma_start3A_25 = tpu.memref_slice %arg4[%add3A_21] : memref<320000xi32, #tpu.memory_space<hbm>> -> memref<80xi32, #tpu.memory_space<hbm>>
    tpu.enqueue_dma source(%dma_start3A_25 : memref<80xi32, #tpu.memory_space<hbm>>) target(%arg19 : memref<80xi32, #tpu.memory_space<vmem>>) target_semaphore(%arg36 : memref<!tpu.dma_semaphore, #tpu.memory_space<semaphore_mem>>)
    %add3A_26 = arith.constant 160 : i32
    %add3A_27 = arith.addi %mul3A_14, %add3A_26 : i32
    %dma_start3A_28 = tpu.memref_slice %arg3[%add3A_27] : memref<320000xi32, #tpu.memory_space<hbm>> -> memref<80xi32, #tpu.memory_space<hbm>>
    %dma_start3A_29 = tpu.memref_slice %arg3[%add3A_27] : memref<320000xi32, #tpu.memory_space<hbm>> -> memref<80xi32, #tpu.memory_space<hbm>>
    tpu.enqueue_dma source(%dma_start3A_29 : memref<80xi32, #tpu.memory_space<hbm>>) target(%arg12 : memref<80xi32, #tpu.memory_space<vmem>>) target_semaphore(%arg37 : memref<!tpu.dma_semaphore, #tpu.memory_space<semaphore_mem>>)
    %dma_start3A_30 = tpu.memref_slice %arg4[%add3A_27] : memref<320000xi32, #tpu.memory_space<hbm>> -> memref<80xi32, #tpu.memory_space<hbm>>
    %dma_start3A_31 = tpu.memref_slice %arg4[%add3A_27] : memref<320000xi32, #tpu.memory_space<hbm>> -> memref<80xi32, #tpu.memory_space<hbm>>
    tpu.enqueue_dma source(%dma_start3A_31 : memref<80xi32, #tpu.memory_space<hbm>>) target(%arg20 : memref<80xi32, #tpu.memory_space<vmem>>) target_semaphore(%arg37 : memref<!tpu.dma_semaphore, #tpu.memory_space<semaphore_mem>>)
    %add3A_32 = arith.constant 240 : i32
    %add3A_33 = arith.addi %mul3A_14, %add3A_32 : i32
    %dma_start3A_34 = tpu.memref_slice %arg3[%add3A_33] : memref<320000xi32, #tpu.memory_space<hbm>> -> memref<80xi32, #tpu.memory_space<hbm>>
    %dma_start3A_35 = tpu.memref_slice %arg3[%add3A_33] : memref<320000xi32, #tpu.memory_space<hbm>> -> memref<80xi32, #tpu.memory_space<hbm>>
    tpu.enqueue_dma source(%dma_start3A_35 : memref<80xi32, #tpu.memory_space<hbm>>) target(%arg13 : memref<80xi32, #tpu.memory_space<vmem>>) target_semaphore(%arg38 : memref<!tpu.dma_semaphore, #tpu.memory_space<semaphore_mem>>)
    %dma_start3A_36 = tpu.memref_slice %arg4[%add3A_33] : memref<320000xi32, #tpu.memory_space<hbm>> -> memref<80xi32, #tpu.memory_space<hbm>>
    %dma_start3A_37 = tpu.memref_slice %arg4[%add3A_33] : memref<320000xi32, #tpu.memory_space<hbm>> -> memref<80xi32, #tpu.memory_space<hbm>>
    tpu.enqueue_dma source(%dma_start3A_37 : memref<80xi32, #tpu.memory_space<hbm>>) target(%arg21 : memref<80xi32, #tpu.memory_space<vmem>>) target_semaphore(%arg38 : memref<!tpu.dma_semaphore, #tpu.memory_space<semaphore_mem>>)
    %add3A_38 = arith.constant 320 : i32
    %add3A_39 = arith.addi %mul3A_14, %add3A_38 : i32
    %dma_start3A_40 = tpu.memref_slice %arg3[%add3A_39] : memref<320000xi32, #tpu.memory_space<hbm>> -> memref<80xi32, #tpu.memory_space<hbm>>
    %dma_start3A_41 = tpu.memref_slice %arg3[%add3A_39] : memref<320000xi32, #tpu.memory_space<hbm>> -> memref<80xi32, #tpu.memory_space<hbm>>
    tpu.enqueue_dma source(%dma_start3A_41 : memref<80xi32, #tpu.memory_space<hbm>>) target(%arg14 : memref<80xi32, #tpu.memory_space<vmem>>) target_semaphore(%arg39 : memref<!tpu.dma_semaphore, #tpu.memory_space<semaphore_mem>>)
    %dma_start3A_42 = tpu.memref_slice %arg4[%add3A_39] : memref<320000xi32, #tpu.memory_space<hbm>> -> memref<80xi32, #tpu.memory_space<hbm>>
    %dma_start3A_43 = tpu.memref_slice %arg4[%add3A_39] : memref<320000xi32, #tpu.memory_space<hbm>> -> memref<80xi32, #tpu.memory_space<hbm>>
    tpu.enqueue_dma source(%dma_start3A_43 : memref<80xi32, #tpu.memory_space<hbm>>) target(%arg22 : memref<80xi32, #tpu.memory_space<vmem>>) target_semaphore(%arg39 : memref<!tpu.dma_semaphore, #tpu.memory_space<semaphore_mem>>)
    %add3A_44 = arith.constant 400 : i32
    %add3A_45 = arith.addi %mul3A_14, %add3A_44 : i32
    %dma_start3A_46 = tpu.memref_slice %arg3[%add3A_45] : memref<320000xi32, #tpu.memory_space<hbm>> -> memref<80xi32, #tpu.memory_space<hbm>>
    %dma_start3A_47 = tpu.memref_slice %arg3[%add3A_45] : memref<320000xi32, #tpu.memory_space<hbm>> -> memref<80xi32, #tpu.memory_space<hbm>>
    tpu.enqueue_dma source(%dma_start3A_47 : memref<80xi32, #tpu.memory_space<hbm>>) target(%arg15 : memref<80xi32, #tpu.memory_space<vmem>>) target_semaphore(%arg40 : memref<!tpu.dma_semaphore, #tpu.memory_space<semaphore_mem>>)
    %dma_start3A_48 = tpu.memref_slice %arg4[%add3A_45] : memref<320000xi32, #tpu.memory_space<hbm>> -> memref<80xi32, #tpu.memory_space<hbm>>
    %dma_start3A_49 = tpu.memref_slice %arg4[%add3A_45] : memref<320000xi32, #tpu.memory_space<hbm>> -> memref<80xi32, #tpu.memory_space<hbm>>
    tpu.enqueue_dma source(%dma_start3A_49 : memref<80xi32, #tpu.memory_space<hbm>>) target(%arg23 : memref<80xi32, #tpu.memory_space<vmem>>) target_semaphore(%arg40 : memref<!tpu.dma_semaphore, #tpu.memory_space<semaphore_mem>>)
    %add3A_50 = arith.constant 480 : i32
    %add3A_51 = arith.addi %mul3A_14, %add3A_50 : i32
    %dma_start3A_52 = tpu.memref_slice %arg3[%add3A_51] : memref<320000xi32, #tpu.memory_space<hbm>> -> memref<80xi32, #tpu.memory_space<hbm>>
    %dma_start3A_53 = tpu.memref_slice %arg3[%add3A_51] : memref<320000xi32, #tpu.memory_space<hbm>> -> memref<80xi32, #tpu.memory_space<hbm>>
    tpu.enqueue_dma source(%dma_start3A_53 : memref<80xi32, #tpu.memory_space<hbm>>) target(%arg16 : memref<80xi32, #tpu.memory_space<vmem>>) target_semaphore(%arg41 : memref<!tpu.dma_semaphore, #tpu.memory_space<semaphore_mem>>)
    %dma_start3A_54 = tpu.memref_slice %arg4[%add3A_51] : memref<320000xi32, #tpu.memory_space<hbm>> -> memref<80xi32, #tpu.memory_space<hbm>>
    %dma_start3A_55 = tpu.memref_slice %arg4[%add3A_51] : memref<320000xi32, #tpu.memory_space<hbm>> -> memref<80xi32, #tpu.memory_space<hbm>>
    tpu.enqueue_dma source(%dma_start3A_55 : memref<80xi32, #tpu.memory_space<hbm>>) target(%arg24 : memref<80xi32, #tpu.memory_space<vmem>>) target_semaphore(%arg41 : memref<!tpu.dma_semaphore, #tpu.memory_space<semaphore_mem>>)
    %add3A_56 = arith.constant 560 : i32
    %add3A_57 = arith.addi %mul3A_14, %add3A_56 : i32
    %dma_start3A_58 = tpu.memref_slice %arg3[%add3A_57] : memref<320000xi32, #tpu.memory_space<hbm>> -> memref<80xi32, #tpu.memory_space<hbm>>
    %dma_start3A_59 = tpu.memref_slice %arg3[%add3A_57] : memref<320000xi32, #tpu.memory_space<hbm>> -> memref<80xi32, #tpu.memory_space<hbm>>
    tpu.enqueue_dma source(%dma_start3A_59 : memref<80xi32, #tpu.memory_space<hbm>>) target(%arg17 : memref<80xi32, #tpu.memory_space<vmem>>) target_semaphore(%arg42 : memref<!tpu.dma_semaphore, #tpu.memory_space<semaphore_mem>>)
    %dma_start3A_60 = tpu.memref_slice %arg4[%add3A_57] : memref<320000xi32, #tpu.memory_space<hbm>> -> memref<80xi32, #tpu.memory_space<hbm>>
    %dma_start3A_61 = tpu.memref_slice %arg4[%add3A_57] : memref<320000xi32, #tpu.memory_space<hbm>> -> memref<80xi32, #tpu.memory_space<hbm>>
    tpu.enqueue_dma source(%dma_start3A_61 : memref<80xi32, #tpu.memory_space<hbm>>) target(%arg25 : memref<80xi32, #tpu.memory_space<vmem>>) target_semaphore(%arg42 : memref<!tpu.dma_semaphore, #tpu.memory_space<semaphore_mem>>)
    %dma_wait3A = arith.constant 0 : i32
    %dma_wait3A_62 = tpu.memref_slice %arg3[%dma_wait3A] : memref<320000xi32, #tpu.memory_space<hbm>> -> memref<80xi32, #tpu.memory_space<hbm>>
    %dma_wait3A_63 = arith.constant 0 : i32
    %dma_wait3A_64 = tpu.memref_slice %arg3[%dma_wait3A_63] : memref<320000xi32, #tpu.memory_space<hbm>> -> memref<80xi32, #tpu.memory_space<hbm>>
    tpu.wait_dma2 semaphore(%arg35 : memref<!tpu.dma_semaphore, #tpu.memory_space<semaphore_mem>>) src(%dma_wait3A_64 : memref<80xi32, #tpu.memory_space<hbm>>) dst(%arg10 : memref<80xi32, #tpu.memory_space<vmem>>)
    %dma_wait3A_65 = arith.constant 0 : i32
    %dma_wait3A_66 = tpu.memref_slice %arg4[%dma_wait3A_65] : memref<320000xi32, #tpu.memory_space<hbm>> -> memref<80xi32, #tpu.memory_space<hbm>>
    %dma_wait3A_67 = arith.constant 0 : i32
    %dma_wait3A_68 = tpu.memref_slice %arg4[%dma_wait3A_67] : memref<320000xi32, #tpu.memory_space<hbm>> -> memref<80xi32, #tpu.memory_space<hbm>>
    tpu.wait_dma2 semaphore(%arg35 : memref<!tpu.dma_semaphore, #tpu.memory_space<semaphore_mem>>) src(%dma_wait3A_68 : memref<80xi32, #tpu.memory_space<hbm>>) dst(%arg18 : memref<80xi32, #tpu.memory_space<vmem>>)
    %dma_start3A_69 = arith.constant 0 : i32
    %dma_start3A_70 = arith.constant 0 : i32
    %dma_start3A_71 = tpu.memref_slice %arg2[%dma_start3A_69, %dma_start3A_70] : memref<10000x128xf32, #tpu.memory_space<hbm>> -> memref<10000x128xf32, #tpu.memory_space<hbm>>
    tpu.enqueue_indirect_dma source(%dma_start3A_71 : memref<10000x128xf32, #tpu.memory_space<hbm>>) target(%arg6 : memref<80x128xf32, #tpu.memory_space<vmem>>) offsets(%arg10 : memref<80xi32, #tpu.memory_space<vmem>>) semaphore(%arg27 : memref<!tpu.dma_semaphore, #tpu.memory_space<semaphore_mem>>)
    %dma_wait3A_72 = arith.constant 0 : i32
    %dma_wait3A_73 = tpu.memref_slice %arg3[%dma_wait3A_72] : memref<320000xi32, #tpu.memory_space<hbm>> -> memref<80xi32, #tpu.memory_space<hbm>>
    %dma_wait3A_74 = arith.constant 0 : i32
    %dma_wait3A_75 = tpu.memref_slice %arg3[%dma_wait3A_74] : memref<320000xi32, #tpu.memory_space<hbm>> -> memref<80xi32, #tpu.memory_space<hbm>>
    tpu.wait_dma2 semaphore(%arg36 : memref<!tpu.dma_semaphore, #tpu.memory_space<semaphore_mem>>) src(%dma_wait3A_75 : memref<80xi32, #tpu.memory_space<hbm>>) dst(%arg11 : memref<80xi32, #tpu.memory_space<vmem>>)
    %dma_wait3A_76 = arith.constant 0 : i32
    %dma_wait3A_77 = tpu.memref_slice %arg4[%dma_wait3A_76] : memref<320000xi32, #tpu.memory_space<hbm>> -> memref<80xi32, #tpu.memory_space<hbm>>
    %dma_wait3A_78 = arith.constant 0 : i32
    %dma_wait3A_79 = tpu.memref_slice %arg4[%dma_wait3A_78] : memref<320000xi32, #tpu.memory_space<hbm>> -> memref<80xi32, #tpu.memory_space<hbm>>
    tpu.wait_dma2 semaphore(%arg36 : memref<!tpu.dma_semaphore, #tpu.memory_space<semaphore_mem>>) src(%dma_wait3A_79 : memref<80xi32, #tpu.memory_space<hbm>>) dst(%arg19 : memref<80xi32, #tpu.memory_space<vmem>>)
    %dma_start3A_80 = arith.constant 0 : i32
    %dma_start3A_81 = arith.constant 0 : i32
    %dma_start3A_82 = tpu.memref_slice %arg2[%dma_start3A_80, %dma_start3A_81] : memref<10000x128xf32, #tpu.memory_space<hbm>> -> memref<10000x128xf32, #tpu.memory_space<hbm>>
    tpu.enqueue_indirect_dma source(%dma_start3A_82 : memref<10000x128xf32, #tpu.memory_space<hbm>>) target(%arg7 : memref<80x128xf32, #tpu.memory_space<vmem>>) offsets(%arg11 : memref<80xi32, #tpu.memory_space<vmem>>) semaphore(%arg28 : memref<!tpu.dma_semaphore, #tpu.memory_space<semaphore_mem>>)
    %dma_wait3A_83 = arith.constant 0 : i32
    %dma_wait3A_84 = tpu.memref_slice %arg3[%dma_wait3A_83] : memref<320000xi32, #tpu.memory_space<hbm>> -> memref<80xi32, #tpu.memory_space<hbm>>
    %dma_wait3A_85 = arith.constant 0 : i32
    %dma_wait3A_86 = tpu.memref_slice %arg3[%dma_wait3A_85] : memref<320000xi32, #tpu.memory_space<hbm>> -> memref<80xi32, #tpu.memory_space<hbm>>
    tpu.wait_dma2 semaphore(%arg37 : memref<!tpu.dma_semaphore, #tpu.memory_space<semaphore_mem>>) src(%dma_wait3A_86 : memref<80xi32, #tpu.memory_space<hbm>>) dst(%arg12 : memref<80xi32, #tpu.memory_space<vmem>>)
    %dma_wait3A_87 = arith.constant 0 : i32
    %dma_wait3A_88 = tpu.memref_slice %arg4[%dma_wait3A_87] : memref<320000xi32, #tpu.memory_space<hbm>> -> memref<80xi32, #tpu.memory_space<hbm>>
    %dma_wait3A_89 = arith.constant 0 : i32
    %dma_wait3A_90 = tpu.memref_slice %arg4[%dma_wait3A_89] : memref<320000xi32, #tpu.memory_space<hbm>> -> memref<80xi32, #tpu.memory_space<hbm>>
    tpu.wait_dma2 semaphore(%arg37 : memref<!tpu.dma_semaphore, #tpu.memory_space<semaphore_mem>>) src(%dma_wait3A_90 : memref<80xi32, #tpu.memory_space<hbm>>) dst(%arg20 : memref<80xi32, #tpu.memory_space<vmem>>)
    %dma_start3A_91 = arith.constant 0 : i32
    %dma_start3A_92 = arith.constant 0 : i32
    %dma_start3A_93 = tpu.memref_slice %arg2[%dma_start3A_91, %dma_start3A_92] : memref<10000x128xf32, #tpu.memory_space<hbm>> -> memref<10000x128xf32, #tpu.memory_space<hbm>>
    tpu.enqueue_indirect_dma source(%dma_start3A_93 : memref<10000x128xf32, #tpu.memory_space<hbm>>) target(%arg8 : memref<80x128xf32, #tpu.memory_space<vmem>>) offsets(%arg12 : memref<80xi32, #tpu.memory_space<vmem>>) semaphore(%arg29 : memref<!tpu.dma_semaphore, #tpu.memory_space<semaphore_mem>>)
    %dma_wait3A_94 = arith.constant 0 : i32
    %dma_wait3A_95 = tpu.memref_slice %arg3[%dma_wait3A_94] : memref<320000xi32, #tpu.memory_space<hbm>> -> memref<80xi32, #tpu.memory_space<hbm>>
    %dma_wait3A_96 = arith.constant 0 : i32
    %dma_wait3A_97 = tpu.memref_slice %arg3[%dma_wait3A_96] : memref<320000xi32, #tpu.memory_space<hbm>> -> memref<80xi32, #tpu.memory_space<hbm>>
    tpu.wait_dma2 semaphore(%arg38 : memref<!tpu.dma_semaphore, #tpu.memory_space<semaphore_mem>>) src(%dma_wait3A_97 : memref<80xi32, #tpu.memory_space<hbm>>) dst(%arg13 : memref<80xi32, #tpu.memory_space<vmem>>)
    %dma_wait3A_98 = arith.constant 0 : i32
    %dma_wait3A_99 = tpu.memref_slice %arg4[%dma_wait3A_98] : memref<320000xi32, #tpu.memory_space<hbm>> -> memref<80xi32, #tpu.memory_space<hbm>>
    %dma_wait3A_100 = arith.constant 0 : i32
    %dma_wait3A_101 = tpu.memref_slice %arg4[%dma_wait3A_100] : memref<320000xi32, #tpu.memory_space<hbm>> -> memref<80xi32, #tpu.memory_space<hbm>>
    tpu.wait_dma2 semaphore(%arg38 : memref<!tpu.dma_semaphore, #tpu.memory_space<semaphore_mem>>) src(%dma_wait3A_101 : memref<80xi32, #tpu.memory_space<hbm>>) dst(%arg21 : memref<80xi32, #tpu.memory_space<vmem>>)
    %dma_start3A_102 = arith.constant 0 : i32
    %dma_start3A_103 = arith.constant 0 : i32
    %dma_start3A_104 = tpu.memref_slice %arg2[%dma_start3A_102, %dma_start3A_103] : memref<10000x128xf32, #tpu.memory_space<hbm>> -> memref<10000x128xf32, #tpu.memory_space<hbm>>
    tpu.enqueue_indirect_dma source(%dma_start3A_104 : memref<10000x128xf32, #tpu.memory_space<hbm>>) target(%arg9 : memref<80x128xf32, #tpu.memory_space<vmem>>) offsets(%arg13 : memref<80xi32, #tpu.memory_space<vmem>>) semaphore(%arg30 : memref<!tpu.dma_semaphore, #tpu.memory_space<semaphore_mem>>)
    %scan3A_105 = arith.constant 0 : i32
    %scan3A_106 = arith.constant 0 : i32
    %scan3A_107 = arith.constant 16 : i32
    %scan3A_108 = arith.addi %scan3A_106, %scan3A_107 : i32
    %scan3A_109 = arith.constant 1 : i32
    scf.for %scan3A_130 = %scan3A_106 to %scan3A_108 step %scan3A_109  : i32 {
      %mul3A_131 = arith.constant 8 : i32
      %mul3A_132 = arith.muli %scan3A_130, %mul3A_131 : i32
      %add3A_133 = arith.constant 0 : i32
      %add3A_134 = arith.addi %mul3A_132, %add3A_133 : i32
      %lt3A = arith.constant 125 : i32
      %lt3A_135 = arith.cmpi slt, %add3A_134, %lt3A : i32
      %convert_element_type3A = arith.extui %lt3A_135 : i1 to i32
      %cond3A = arith.constant 0 : i32
      %cond3A_136 = arith.cmpi ne, %convert_element_type3A, %cond3A : i32
      scf.if %cond3A_136 {
        %dma_wait3A_200 = arith.constant 0 : i32
        %dma_wait3A_201 = arith.constant 0 : i32
        %dma_wait3A_202 = tpu.memref_slice %arg2[%dma_wait3A_200, %dma_wait3A_201] : memref<10000x128xf32, #tpu.memory_space<hbm>> -> memref<10000x128xf32, #tpu.memory_space<hbm>>
        tpu.wait_indirect_dma semaphore(%arg27 : memref<!tpu.dma_semaphore, #tpu.memory_space<semaphore_mem>>) src(%dma_wait3A_202 : memref<10000x128xf32, #tpu.memory_space<hbm>>) dst(%arg6 : memref<80x128xf32, #tpu.memory_space<vmem>>)
        %dma_start3A_203 = arith.constant 0 : i32
        %dma_start3A_204 = arith.constant 0 : i32
        %dma_start3A_205 = tpu.memref_slice %arg26[%dma_start3A_203, %dma_start3A_204] : memref<10240x128xf32, #tpu.memory_space<vmem_shared>> -> memref<10240x128xf32, #tpu.memory_space<vmem_shared>>
        tpu.enqueue_indirect_dma source(%arg6 : memref<80x128xf32, #tpu.memory_space<vmem>>) target(%dma_start3A_205 : memref<10240x128xf32, #tpu.memory_space<vmem_shared>>) offsets(%arg18 : memref<80xi32, #tpu.memory_space<vmem>>) semaphore(%arg31 : memref<!tpu.dma_semaphore, #tpu.memory_space<semaphore_mem>>) {add = true}
        %add3A_206 = arith.constant 4 : i32
        %add3A_207 = arith.addi %add3A_134, %add3A_206 : i32
        %lt3A_208 = arith.constant 125 : i32
        %lt3A_209 = arith.cmpi slt, %add3A_207, %lt3A_208 : i32
        %convert_element_type3A_210 = arith.extui %lt3A_209 : i1 to i32
        %cond3A_211 = arith.constant 0 : i32
        %cond3A_212 = arith.cmpi ne, %convert_element_type3A_210, %cond3A_211 : i32
        scf.if %cond3A_212 {
          %dma_wait3A_213 = arith.constant 0 : i32
          %dma_wait3A_214 = tpu.memref_slice %arg3[%dma_wait3A_213] : memref<320000xi32, #tpu.memory_space<hbm>> -> memref<80xi32, #tpu.memory_space<hbm>>
          %dma_wait3A_215 = arith.constant 0 : i32
          %dma_wait3A_216 = tpu.memref_slice %arg3[%dma_wait3A_215] : memref<320000xi32, #tpu.memory_space<hbm>> -> memref<80xi32, #tpu.memory_space<hbm>>
          tpu.wait_dma2 semaphore(%arg39 : memref<!tpu.dma_semaphore, #tpu.memory_space<semaphore_mem>>) src(%dma_wait3A_216 : memref<80xi32, #tpu.memory_space<hbm>>) dst(%arg14 : memref<80xi32, #tpu.memory_space<vmem>>)
          %dma_wait3A_217 = arith.constant 0 : i32
          %dma_wait3A_218 = tpu.memref_slice %arg4[%dma_wait3A_217] : memref<320000xi32, #tpu.memory_space<hbm>> -> memref<80xi32, #tpu.memory_space<hbm>>
          %dma_wait3A_219 = arith.constant 0 : i32
          %dma_wait3A_220 = tpu.memref_slice %arg4[%dma_wait3A_219] : memref<320000xi32, #tpu.memory_space<hbm>> -> memref<80xi32, #tpu.memory_space<hbm>>
          tpu.wait_dma2 semaphore(%arg39 : memref<!tpu.dma_semaphore, #tpu.memory_space<semaphore_mem>>) src(%dma_wait3A_220 : memref<80xi32, #tpu.memory_space<hbm>>) dst(%arg22 : memref<80xi32, #tpu.memory_space<vmem>>)
          %dma_wait3A_221 = arith.constant 0 : i32
          %dma_wait3A_222 = arith.constant 0 : i32
          %dma_wait3A_223 = tpu.memref_slice %arg26[%dma_wait3A_221, %dma_wait3A_222] : memref<10240x128xf32, #tpu.memory_space<vmem_shared>> -> memref<10240x128xf32, #tpu.memory_space<vmem_shared>>
          tpu.wait_indirect_dma semaphore(%arg31 : memref<!tpu.dma_semaphore, #tpu.memory_space<semaphore_mem>>) src(%arg6 : memref<80x128xf32, #tpu.memory_space<vmem>>) dst(%dma_wait3A_223 : memref<10240x128xf32, #tpu.memory_space<vmem_shared>>)
          %add3A_224 = arith.constant 8 : i32
          %add3A_225 = arith.addi %add3A_134, %add3A_224 : i32
          %lt3A_226 = arith.constant 125 : i32
          %lt3A_227 = arith.cmpi slt, %add3A_225, %lt3A_226 : i32
          %convert_element_type3A_228 = arith.extui %lt3A_227 : i1 to i32
          %cond3A_229 = arith.constant 0 : i32
          %cond3A_230 = arith.cmpi ne, %convert_element_type3A_228, %cond3A_229 : i32
          scf.if %cond3A_230 {
            %add3A_234 = arith.constant 8 : i32
            %add3A_235 = arith.addi %add3A_134, %add3A_234 : i32
            %mul3A_236 = arith.constant 80 : i32
            %mul3A_237 = arith.muli %add3A_235, %mul3A_236 : i32
            %add3A_238 = arith.addi %mul3A_14, %mul3A_237 : i32
            %dma_start3A_239 = tpu.memref_slice %arg3[%add3A_238] : memref<320000xi32, #tpu.memory_space<hbm>> -> memref<80xi32, #tpu.memory_space<hbm>>
            %dma_start3A_240 = tpu.memref_slice %arg3[%add3A_238] : memref<320000xi32, #tpu.memory_space<hbm>> -> memref<80xi32, #tpu.memory_space<hbm>>
            tpu.enqueue_dma source(%dma_start3A_240 : memref<80xi32, #tpu.memory_space<hbm>>) target(%arg10 : memref<80xi32, #tpu.memory_space<vmem>>) target_semaphore(%arg35 : memref<!tpu.dma_semaphore, #tpu.memory_space<semaphore_mem>>)
            %dma_start3A_241 = tpu.memref_slice %arg4[%add3A_238] : memref<320000xi32, #tpu.memory_space<hbm>> -> memref<80xi32, #tpu.memory_space<hbm>>
            %dma_start3A_242 = tpu.memref_slice %arg4[%add3A_238] : memref<320000xi32, #tpu.memory_space<hbm>> -> memref<80xi32, #tpu.memory_space<hbm>>
            tpu.enqueue_dma source(%dma_start3A_242 : memref<80xi32, #tpu.memory_space<hbm>>) target(%arg18 : memref<80xi32, #tpu.memory_space<vmem>>) target_semaphore(%arg35 : memref<!tpu.dma_semaphore, #tpu.memory_space<semaphore_mem>>)
          } else {
          }
          %dma_start3A_231 = arith.constant 0 : i32
          %dma_start3A_232 = arith.constant 0 : i32
          %dma_start3A_233 = tpu.memref_slice %arg2[%dma_start3A_231, %dma_start3A_232] : memref<10000x128xf32, #tpu.memory_space<hbm>> -> memref<10000x128xf32, #tpu.memory_space<hbm>>
          tpu.enqueue_indirect_dma source(%dma_start3A_233 : memref<10000x128xf32, #tpu.memory_space<hbm>>) target(%arg6 : memref<80x128xf32, #tpu.memory_space<vmem>>) offsets(%arg14 : memref<80xi32, #tpu.memory_space<vmem>>) semaphore(%arg27 : memref<!tpu.dma_semaphore, #tpu.memory_space<semaphore_mem>>)
        } else {
        }
      } else {
      }
      %mul3A_137 = arith.constant 8 : i32
      %mul3A_138 = arith.muli %scan3A_130, %mul3A_137 : i32
      %add3A_139 = arith.constant 1 : i32
      %add3A_140 = arith.addi %mul3A_138, %add3A_139 : i32
      %lt3A_141 = arith.constant 125 : i32
      %lt3A_142 = arith.cmpi slt, %add3A_140, %lt3A_141 : i32
      %convert_element_type3A_143 = arith.extui %lt3A_142 : i1 to i32
      %cond3A_144 = arith.constant 0 : i32
      %cond3A_145 = arith.cmpi ne, %convert_element_type3A_143, %cond3A_144 : i32
      scf.if %cond3A_145 {
        %dma_wait3A_200 = arith.constant 0 : i32
        %dma_wait3A_201 = arith.constant 0 : i32
        %dma_wait3A_202 = tpu.memref_slice %arg2[%dma_wait3A_200, %dma_wait3A_201] : memref<10000x128xf32, #tpu.memory_space<hbm>> -> memref<10000x128xf32, #tpu.memory_space<hbm>>
        tpu.wait_indirect_dma semaphore(%arg28 : memref<!tpu.dma_semaphore, #tpu.memory_space<semaphore_mem>>) src(%dma_wait3A_202 : memref<10000x128xf32, #tpu.memory_space<hbm>>) dst(%arg7 : memref<80x128xf32, #tpu.memory_space<vmem>>)
        %dma_start3A_203 = arith.constant 0 : i32
        %dma_start3A_204 = arith.constant 0 : i32
        %dma_start3A_205 = tpu.memref_slice %arg26[%dma_start3A_203, %dma_start3A_204] : memref<10240x128xf32, #tpu.memory_space<vmem_shared>> -> memref<10240x128xf32, #tpu.memory_space<vmem_shared>>
        tpu.enqueue_indirect_dma source(%arg7 : memref<80x128xf32, #tpu.memory_space<vmem>>) target(%dma_start3A_205 : memref<10240x128xf32, #tpu.memory_space<vmem_shared>>) offsets(%arg19 : memref<80xi32, #tpu.memory_space<vmem>>) semaphore(%arg32 : memref<!tpu.dma_semaphore, #tpu.memory_space<semaphore_mem>>) {add = true}
        %add3A_206 = arith.constant 4 : i32
        %add3A_207 = arith.addi %add3A_140, %add3A_206 : i32
        %lt3A_208 = arith.constant 125 : i32
        %lt3A_209 = arith.cmpi slt, %add3A_207, %lt3A_208 : i32
        %convert_element_type3A_210 = arith.extui %lt3A_209 : i1 to i32
        %cond3A_211 = arith.constant 0 : i32
        %cond3A_212 = arith.cmpi ne, %convert_element_type3A_210, %cond3A_211 : i32
        scf.if %cond3A_212 {
          %dma_wait3A_213 = arith.constant 0 : i32
          %dma_wait3A_214 = tpu.memref_slice %arg3[%dma_wait3A_213] : memref<320000xi32, #tpu.memory_space<hbm>> -> memref<80xi32, #tpu.memory_space<hbm>>
          %dma_wait3A_215 = arith.constant 0 : i32
          %dma_wait3A_216 = tpu.memref_slice %arg3[%dma_wait3A_215] : memref<320000xi32, #tpu.memory_space<hbm>> -> memref<80xi32, #tpu.memory_space<hbm>>
          tpu.wait_dma2 semaphore(%arg40 : memref<!tpu.dma_semaphore, #tpu.memory_space<semaphore_mem>>) src(%dma_wait3A_216 : memref<80xi32, #tpu.memory_space<hbm>>) dst(%arg15 : memref<80xi32, #tpu.memory_space<vmem>>)
          %dma_wait3A_217 = arith.constant 0 : i32
          %dma_wait3A_218 = tpu.memref_slice %arg4[%dma_wait3A_217] : memref<320000xi32, #tpu.memory_space<hbm>> -> memref<80xi32, #tpu.memory_space<hbm>>
          %dma_wait3A_219 = arith.constant 0 : i32
          %dma_wait3A_220 = tpu.memref_slice %arg4[%dma_wait3A_219] : memref<320000xi32, #tpu.memory_space<hbm>> -> memref<80xi32, #tpu.memory_space<hbm>>
          tpu.wait_dma2 semaphore(%arg40 : memref<!tpu.dma_semaphore, #tpu.memory_space<semaphore_mem>>) src(%dma_wait3A_220 : memref<80xi32, #tpu.memory_space<hbm>>) dst(%arg23 : memref<80xi32, #tpu.memory_space<vmem>>)
          %dma_wait3A_221 = arith.constant 0 : i32
          %dma_wait3A_222 = arith.constant 0 : i32
          %dma_wait3A_223 = tpu.memref_slice %arg26[%dma_wait3A_221, %dma_wait3A_222] : memref<10240x128xf32, #tpu.memory_space<vmem_shared>> -> memref<10240x128xf32, #tpu.memory_space<vmem_shared>>
          tpu.wait_indirect_dma semaphore(%arg32 : memref<!tpu.dma_semaphore, #tpu.memory_space<semaphore_mem>>) src(%arg7 : memref<80x128xf32, #tpu.memory_space<vmem>>) dst(%dma_wait3A_223 : memref<10240x128xf32, #tpu.memory_space<vmem_shared>>)
          %add3A_224 = arith.constant 8 : i32
          %add3A_225 = arith.addi %add3A_140, %add3A_224 : i32
          %lt3A_226 = arith.constant 125 : i32
          %lt3A_227 = arith.cmpi slt, %add3A_225, %lt3A_226 : i32
          %convert_element_type3A_228 = arith.extui %lt3A_227 : i1 to i32
          %cond3A_229 = arith.constant 0 : i32
          %cond3A_230 = arith.cmpi ne, %convert_element_type3A_228, %cond3A_229 : i32
          scf.if %cond3A_230 {
            %add3A_234 = arith.constant 8 : i32
            %add3A_235 = arith.addi %add3A_140, %add3A_234 : i32
            %mul3A_236 = arith.constant 80 : i32
            %mul3A_237 = arith.muli %add3A_235, %mul3A_236 : i32
            %add3A_238 = arith.addi %mul3A_14, %mul3A_237 : i32
            %dma_start3A_239 = tpu.memref_slice %arg3[%add3A_238] : memref<320000xi32, #tpu.memory_space<hbm>> -> memref<80xi32, #tpu.memory_space<hbm>>
            %dma_start3A_240 = tpu.memref_slice %arg3[%add3A_238] : memref<320000xi32, #tpu.memory_space<hbm>> -> memref<80xi32, #tpu.memory_space<hbm>>
            tpu.enqueue_dma source(%dma_start3A_240 : memref<80xi32, #tpu.memory_space<hbm>>) target(%arg11 : memref<80xi32, #tpu.memory_space<vmem>>) target_semaphore(%arg36 : memref<!tpu.dma_semaphore, #tpu.memory_space<semaphore_mem>>)
            %dma_start3A_241 = tpu.memref_slice %arg4[%add3A_238] : memref<320000xi32, #tpu.memory_space<hbm>> -> memref<80xi32, #tpu.memory_space<hbm>>
            %dma_start3A_242 = tpu.memref_slice %arg4[%add3A_238] : memref<320000xi32, #tpu.memory_space<hbm>> -> memref<80xi32, #tpu.memory_space<hbm>>
            tpu.enqueue_dma source(%dma_start3A_242 : memref<80xi32, #tpu.memory_space<hbm>>) target(%arg19 : memref<80xi32, #tpu.memory_space<vmem>>) target_semaphore(%arg36 : memref<!tpu.dma_semaphore, #tpu.memory_space<semaphore_mem>>)
          } else {
          }
          %dma_start3A_231 = arith.constant 0 : i32
          %dma_start3A_232 = arith.constant 0 : i32
          %dma_start3A_233 = tpu.memref_slice %arg2[%dma_start3A_231, %dma_start3A_232] : memref<10000x128xf32, #tpu.memory_space<hbm>> -> memref<10000x128xf32, #tpu.memory_space<hbm>>
          tpu.enqueue_indirect_dma source(%dma_start3A_233 : memref<10000x128xf32, #tpu.memory_space<hbm>>) target(%arg7 : memref<80x128xf32, #tpu.memory_space<vmem>>) offsets(%arg15 : memref<80xi32, #tpu.memory_space<vmem>>) semaphore(%arg28 : memref<!tpu.dma_semaphore, #tpu.memory_space<semaphore_mem>>)
        } else {
        }
      } else {
      }
      %mul3A_146 = arith.constant 8 : i32
      %mul3A_147 = arith.muli %scan3A_130, %mul3A_146 : i32
      %add3A_148 = arith.constant 2 : i32
      %add3A_149 = arith.addi %mul3A_147, %add3A_148 : i32
      %lt3A_150 = arith.constant 125 : i32
      %lt3A_151 = arith.cmpi slt, %add3A_149, %lt3A_150 : i32
      %convert_element_type3A_152 = arith.extui %lt3A_151 : i1 to i32
      %cond3A_153 = arith.constant 0 : i32
      %cond3A_154 = arith.cmpi ne, %convert_element_type3A_152, %cond3A_153 : i32
      scf.if %cond3A_154 {
        %dma_wait3A_200 = arith.constant 0 : i32
        %dma_wait3A_201 = arith.constant 0 : i32
        %dma_wait3A_202 = tpu.memref_slice %arg2[%dma_wait3A_200, %dma_wait3A_201] : memref<10000x128xf32, #tpu.memory_space<hbm>> -> memref<10000x128xf32, #tpu.memory_space<hbm>>
        tpu.wait_indirect_dma semaphore(%arg29 : memref<!tpu.dma_semaphore, #tpu.memory_space<semaphore_mem>>) src(%dma_wait3A_202 : memref<10000x128xf32, #tpu.memory_space<hbm>>) dst(%arg8 : memref<80x128xf32, #tpu.memory_space<vmem>>)
        %dma_start3A_203 = arith.constant 0 : i32
        %dma_start3A_204 = arith.constant 0 : i32
        %dma_start3A_205 = tpu.memref_slice %arg26[%dma_start3A_203, %dma_start3A_204] : memref<10240x128xf32, #tpu.memory_space<vmem_shared>> -> memref<10240x128xf32, #tpu.memory_space<vmem_shared>>
        tpu.enqueue_indirect_dma source(%arg8 : memref<80x128xf32, #tpu.memory_space<vmem>>) target(%dma_start3A_205 : memref<10240x128xf32, #tpu.memory_space<vmem_shared>>) offsets(%arg20 : memref<80xi32, #tpu.memory_space<vmem>>) semaphore(%arg33 : memref<!tpu.dma_semaphore, #tpu.memory_space<semaphore_mem>>) {add = true}
        %add3A_206 = arith.constant 4 : i32
        %add3A_207 = arith.addi %add3A_149, %add3A_206 : i32
        %lt3A_208 = arith.constant 125 : i32
        %lt3A_209 = arith.cmpi slt, %add3A_207, %lt3A_208 : i32
        %convert_element_type3A_210 = arith.extui %lt3A_209 : i1 to i32
        %cond3A_211 = arith.constant 0 : i32
        %cond3A_212 = arith.cmpi ne, %convert_element_type3A_210, %cond3A_211 : i32
        scf.if %cond3A_212 {
          %dma_wait3A_213 = arith.constant 0 : i32
          %dma_wait3A_214 = tpu.memref_slice %arg3[%dma_wait3A_213] : memref<320000xi32, #tpu.memory_space<hbm>> -> memref<80xi32, #tpu.memory_space<hbm>>
          %dma_wait3A_215 = arith.constant 0 : i32
          %dma_wait3A_216 = tpu.memref_slice %arg3[%dma_wait3A_215] : memref<320000xi32, #tpu.memory_space<hbm>> -> memref<80xi32, #tpu.memory_space<hbm>>
          tpu.wait_dma2 semaphore(%arg41 : memref<!tpu.dma_semaphore, #tpu.memory_space<semaphore_mem>>) src(%dma_wait3A_216 : memref<80xi32, #tpu.memory_space<hbm>>) dst(%arg16 : memref<80xi32, #tpu.memory_space<vmem>>)
          %dma_wait3A_217 = arith.constant 0 : i32
          %dma_wait3A_218 = tpu.memref_slice %arg4[%dma_wait3A_217] : memref<320000xi32, #tpu.memory_space<hbm>> -> memref<80xi32, #tpu.memory_space<hbm>>
          %dma_wait3A_219 = arith.constant 0 : i32
          %dma_wait3A_220 = tpu.memref_slice %arg4[%dma_wait3A_219] : memref<320000xi32, #tpu.memory_space<hbm>> -> memref<80xi32, #tpu.memory_space<hbm>>
          tpu.wait_dma2 semaphore(%arg41 : memref<!tpu.dma_semaphore, #tpu.memory_space<semaphore_mem>>) src(%dma_wait3A_220 : memref<80xi32, #tpu.memory_space<hbm>>) dst(%arg24 : memref<80xi32, #tpu.memory_space<vmem>>)
          %dma_wait3A_221 = arith.constant 0 : i32
          %dma_wait3A_222 = arith.constant 0 : i32
          %dma_wait3A_223 = tpu.memref_slice %arg26[%dma_wait3A_221, %dma_wait3A_222] : memref<10240x128xf32, #tpu.memory_space<vmem_shared>> -> memref<10240x128xf32, #tpu.memory_space<vmem_shared>>
          tpu.wait_indirect_dma semaphore(%arg33 : memref<!tpu.dma_semaphore, #tpu.memory_space<semaphore_mem>>) src(%arg8 : memref<80x128xf32, #tpu.memory_space<vmem>>) dst(%dma_wait3A_223 : memref<10240x128xf32, #tpu.memory_space<vmem_shared>>)
          %add3A_224 = arith.constant 8 : i32
          %add3A_225 = arith.addi %add3A_149, %add3A_224 : i32
          %lt3A_226 = arith.constant 125 : i32
          %lt3A_227 = arith.cmpi slt, %add3A_225, %lt3A_226 : i32
          %convert_element_type3A_228 = arith.extui %lt3A_227 : i1 to i32
          %cond3A_229 = arith.constant 0 : i32
          %cond3A_230 = arith.cmpi ne, %convert_element_type3A_228, %cond3A_229 : i32
          scf.if %cond3A_230 {
            %add3A_234 = arith.constant 8 : i32
            %add3A_235 = arith.addi %add3A_149, %add3A_234 : i32
            %mul3A_236 = arith.constant 80 : i32
            %mul3A_237 = arith.muli %add3A_235, %mul3A_236 : i32
            %add3A_238 = arith.addi %mul3A_14, %mul3A_237 : i32
            %dma_start3A_239 = tpu.memref_slice %arg3[%add3A_238] : memref<320000xi32, #tpu.memory_space<hbm>> -> memref<80xi32, #tpu.memory_space<hbm>>
            %dma_start3A_240 = tpu.memref_slice %arg3[%add3A_238] : memref<320000xi32, #tpu.memory_space<hbm>> -> memref<80xi32, #tpu.memory_space<hbm>>
            tpu.enqueue_dma source(%dma_start3A_240 : memref<80xi32, #tpu.memory_space<hbm>>) target(%arg12 : memref<80xi32, #tpu.memory_space<vmem>>) target_semaphore(%arg37 : memref<!tpu.dma_semaphore, #tpu.memory_space<semaphore_mem>>)
            %dma_start3A_241 = tpu.memref_slice %arg4[%add3A_238] : memref<320000xi32, #tpu.memory_space<hbm>> -> memref<80xi32, #tpu.memory_space<hbm>>
            %dma_start3A_242 = tpu.memref_slice %arg4[%add3A_238] : memref<320000xi32, #tpu.memory_space<hbm>> -> memref<80xi32, #tpu.memory_space<hbm>>
            tpu.enqueue_dma source(%dma_start3A_242 : memref<80xi32, #tpu.memory_space<hbm>>) target(%arg20 : memref<80xi32, #tpu.memory_space<vmem>>) target_semaphore(%arg37 : memref<!tpu.dma_semaphore, #tpu.memory_space<semaphore_mem>>)
          } else {
          }
          %dma_start3A_231 = arith.constant 0 : i32
          %dma_start3A_232 = arith.constant 0 : i32
          %dma_start3A_233 = tpu.memref_slice %arg2[%dma_start3A_231, %dma_start3A_232] : memref<10000x128xf32, #tpu.memory_space<hbm>> -> memref<10000x128xf32, #tpu.memory_space<hbm>>
          tpu.enqueue_indirect_dma source(%dma_start3A_233 : memref<10000x128xf32, #tpu.memory_space<hbm>>) target(%arg8 : memref<80x128xf32, #tpu.memory_space<vmem>>) offsets(%arg16 : memref<80xi32, #tpu.memory_space<vmem>>) semaphore(%arg29 : memref<!tpu.dma_semaphore, #tpu.memory_space<semaphore_mem>>)
        } else {
        }
      } else {
      }
      %mul3A_155 = arith.constant 8 : i32
      %mul3A_156 = arith.muli %scan3A_130, %mul3A_155 : i32
      %add3A_157 = arith.constant 3 : i32
      %add3A_158 = arith.addi %mul3A_156, %add3A_157 : i32
      %lt3A_159 = arith.constant 125 : i32
      %lt3A_160 = arith.cmpi slt, %add3A_158, %lt3A_159 : i32
      %convert_element_type3A_161 = arith.extui %lt3A_160 : i1 to i32
      %cond3A_162 = arith.constant 0 : i32
      %cond3A_163 = arith.cmpi ne, %convert_element_type3A_161, %cond3A_162 : i32
      scf.if %cond3A_163 {
        %dma_wait3A_200 = arith.constant 0 : i32
        %dma_wait3A_201 = arith.constant 0 : i32
        %dma_wait3A_202 = tpu.memref_slice %arg2[%dma_wait3A_200, %dma_wait3A_201] : memref<10000x128xf32, #tpu.memory_space<hbm>> -> memref<10000x128xf32, #tpu.memory_space<hbm>>
        tpu.wait_indirect_dma semaphore(%arg30 : memref<!tpu.dma_semaphore, #tpu.memory_space<semaphore_mem>>) src(%dma_wait3A_202 : memref<10000x128xf32, #tpu.memory_space<hbm>>) dst(%arg9 : memref<80x128xf32, #tpu.memory_space<vmem>>)
        %dma_start3A_203 = arith.constant 0 : i32
        %dma_start3A_204 = arith.constant 0 : i32
        %dma_start3A_205 = tpu.memref_slice %arg26[%dma_start3A_203, %dma_start3A_204] : memref<10240x128xf32, #tpu.memory_space<vmem_shared>> -> memref<10240x128xf32, #tpu.memory_space<vmem_shared>>
        tpu.enqueue_indirect_dma source(%arg9 : memref<80x128xf32, #tpu.memory_space<vmem>>) target(%dma_start3A_205 : memref<10240x128xf32, #tpu.memory_space<vmem_shared>>) offsets(%arg21 : memref<80xi32, #tpu.memory_space<vmem>>) semaphore(%arg34 : memref<!tpu.dma_semaphore, #tpu.memory_space<semaphore_mem>>) {add = true}
        %add3A_206 = arith.constant 4 : i32
        %add3A_207 = arith.addi %add3A_158, %add3A_206 : i32
        %lt3A_208 = arith.constant 125 : i32
        %lt3A_209 = arith.cmpi slt, %add3A_207, %lt3A_208 : i32
        %convert_element_type3A_210 = arith.extui %lt3A_209 : i1 to i32
        %cond3A_211 = arith.constant 0 : i32
        %cond3A_212 = arith.cmpi ne, %convert_element_type3A_210, %cond3A_211 : i32
        scf.if %cond3A_212 {
          %dma_wait3A_213 = arith.constant 0 : i32
          %dma_wait3A_214 = tpu.memref_slice %arg3[%dma_wait3A_213] : memref<320000xi32, #tpu.memory_space<hbm>> -> memref<80xi32, #tpu.memory_space<hbm>>
          %dma_wait3A_215 = arith.constant 0 : i32
          %dma_wait3A_216 = tpu.memref_slice %arg3[%dma_wait3A_215] : memref<320000xi32, #tpu.memory_space<hbm>> -> memref<80xi32, #tpu.memory_space<hbm>>
          tpu.wait_dma2 semaphore(%arg42 : memref<!tpu.dma_semaphore, #tpu.memory_space<semaphore_mem>>) src(%dma_wait3A_216 : memref<80xi32, #tpu.memory_space<hbm>>) dst(%arg17 : memref<80xi32, #tpu.memory_space<vmem>>)
          %dma_wait3A_217 = arith.constant 0 : i32
          %dma_wait3A_218 = tpu.memref_slice %arg4[%dma_wait3A_217] : memref<320000xi32, #tpu.memory_space<hbm>> -> memref<80xi32, #tpu.memory_space<hbm>>
          %dma_wait3A_219 = arith.constant 0 : i32
          %dma_wait3A_220 = tpu.memref_slice %arg4[%dma_wait3A_219] : memref<320000xi32, #tpu.memory_space<hbm>> -> memref<80xi32, #tpu.memory_space<hbm>>
          tpu.wait_dma2 semaphore(%arg42 : memref<!tpu.dma_semaphore, #tpu.memory_space<semaphore_mem>>) src(%dma_wait3A_220 : memref<80xi32, #tpu.memory_space<hbm>>) dst(%arg25 : memref<80xi32, #tpu.memory_space<vmem>>)
          %dma_wait3A_221 = arith.constant 0 : i32
          %dma_wait3A_222 = arith.constant 0 : i32
          %dma_wait3A_223 = tpu.memref_slice %arg26[%dma_wait3A_221, %dma_wait3A_222] : memref<10240x128xf32, #tpu.memory_space<vmem_shared>> -> memref<10240x128xf32, #tpu.memory_space<vmem_shared>>
          tpu.wait_indirect_dma semaphore(%arg34 : memref<!tpu.dma_semaphore, #tpu.memory_space<semaphore_mem>>) src(%arg9 : memref<80x128xf32, #tpu.memory_space<vmem>>) dst(%dma_wait3A_223 : memref<10240x128xf32, #tpu.memory_space<vmem_shared>>)
          %add3A_224 = arith.constant 8 : i32
          %add3A_225 = arith.addi %add3A_158, %add3A_224 : i32
          %lt3A_226 = arith.constant 125 : i32
          %lt3A_227 = arith.cmpi slt, %add3A_225, %lt3A_226 : i32
          %convert_element_type3A_228 = arith.extui %lt3A_227 : i1 to i32
          %cond3A_229 = arith.constant 0 : i32
          %cond3A_230 = arith.cmpi ne, %convert_element_type3A_228, %cond3A_229 : i32
          scf.if %cond3A_230 {
            %add3A_234 = arith.constant 8 : i32
            %add3A_235 = arith.addi %add3A_158, %add3A_234 : i32
            %mul3A_236 = arith.constant 80 : i32
            %mul3A_237 = arith.muli %add3A_235, %mul3A_236 : i32
            %add3A_238 = arith.addi %mul3A_14, %mul3A_237 : i32
            %dma_start3A_239 = tpu.memref_slice %arg3[%add3A_238] : memref<320000xi32, #tpu.memory_space<hbm>> -> memref<80xi32, #tpu.memory_space<hbm>>
            %dma_start3A_240 = tpu.memref_slice %arg3[%add3A_238] : memref<320000xi32, #tpu.memory_space<hbm>> -> memref<80xi32, #tpu.memory_space<hbm>>
            tpu.enqueue_dma source(%dma_start3A_240 : memref<80xi32, #tpu.memory_space<hbm>>) target(%arg13 : memref<80xi32, #tpu.memory_space<vmem>>) target_semaphore(%arg38 : memref<!tpu.dma_semaphore, #tpu.memory_space<semaphore_mem>>)
            %dma_start3A_241 = tpu.memref_slice %arg4[%add3A_238] : memref<320000xi32, #tpu.memory_space<hbm>> -> memref<80xi32, #tpu.memory_space<hbm>>
            %dma_start3A_242 = tpu.memref_slice %arg4[%add3A_238] : memref<320000xi32, #tpu.memory_space<hbm>> -> memref<80xi32, #tpu.memory_space<hbm>>
            tpu.enqueue_dma source(%dma_start3A_242 : memref<80xi32, #tpu.memory_space<hbm>>) target(%arg21 : memref<80xi32, #tpu.memory_space<vmem>>) target_semaphore(%arg38 : memref<!tpu.dma_semaphore, #tpu.memory_space<semaphore_mem>>)
          } else {
          }
          %dma_start3A_231 = arith.constant 0 : i32
          %dma_start3A_232 = arith.constant 0 : i32
          %dma_start3A_233 = tpu.memref_slice %arg2[%dma_start3A_231, %dma_start3A_232] : memref<10000x128xf32, #tpu.memory_space<hbm>> -> memref<10000x128xf32, #tpu.memory_space<hbm>>
          tpu.enqueue_indirect_dma source(%dma_start3A_233 : memref<10000x128xf32, #tpu.memory_space<hbm>>) target(%arg9 : memref<80x128xf32, #tpu.memory_space<vmem>>) offsets(%arg17 : memref<80xi32, #tpu.memory_space<vmem>>) semaphore(%arg30 : memref<!tpu.dma_semaphore, #tpu.memory_space<semaphore_mem>>)
        } else {
        }
      } else {
      }
      %mul3A_164 = arith.constant 8 : i32
      %mul3A_165 = arith.muli %scan3A_130, %mul3A_164 : i32
      %add3A_166 = arith.constant 4 : i32
      %add3A_167 = arith.addi %mul3A_165, %add3A_166 : i32
      %lt3A_168 = arith.constant 125 : i32
      %lt3A_169 = arith.cmpi slt, %add3A_167, %lt3A_168 : i32
      %convert_element_type3A_170 = arith.extui %lt3A_169 : i1 to i32
      %cond3A_171 = arith.constant 0 : i32
      %cond3A_172 = arith.cmpi ne, %convert_element_type3A_170, %cond3A_171 : i32
      scf.if %cond3A_172 {
        %dma_wait3A_200 = arith.constant 0 : i32
        %dma_wait3A_201 = arith.constant 0 : i32
        %dma_wait3A_202 = tpu.memref_slice %arg2[%dma_wait3A_200, %dma_wait3A_201] : memref<10000x128xf32, #tpu.memory_space<hbm>> -> memref<10000x128xf32, #tpu.memory_space<hbm>>
        tpu.wait_indirect_dma semaphore(%arg27 : memref<!tpu.dma_semaphore, #tpu.memory_space<semaphore_mem>>) src(%dma_wait3A_202 : memref<10000x128xf32, #tpu.memory_space<hbm>>) dst(%arg6 : memref<80x128xf32, #tpu.memory_space<vmem>>)
        %dma_start3A_203 = arith.constant 0 : i32
        %dma_start3A_204 = arith.constant 0 : i32
        %dma_start3A_205 = tpu.memref_slice %arg26[%dma_start3A_203, %dma_start3A_204] : memref<10240x128xf32, #tpu.memory_space<vmem_shared>> -> memref<10240x128xf32, #tpu.memory_space<vmem_shared>>
        tpu.enqueue_indirect_dma source(%arg6 : memref<80x128xf32, #tpu.memory_space<vmem>>) target(%dma_start3A_205 : memref<10240x128xf32, #tpu.memory_space<vmem_shared>>) offsets(%arg22 : memref<80xi32, #tpu.memory_space<vmem>>) semaphore(%arg31 : memref<!tpu.dma_semaphore, #tpu.memory_space<semaphore_mem>>) {add = true}
        %add3A_206 = arith.constant 4 : i32
        %add3A_207 = arith.addi %add3A_167, %add3A_206 : i32
        %lt3A_208 = arith.constant 125 : i32
        %lt3A_209 = arith.cmpi slt, %add3A_207, %lt3A_208 : i32
        %convert_element_type3A_210 = arith.extui %lt3A_209 : i1 to i32
        %cond3A_211 = arith.constant 0 : i32
        %cond3A_212 = arith.cmpi ne, %convert_element_type3A_210, %cond3A_211 : i32
        scf.if %cond3A_212 {
          %dma_wait3A_213 = arith.constant 0 : i32
          %dma_wait3A_214 = tpu.memref_slice %arg3[%dma_wait3A_213] : memref<320000xi32, #tpu.memory_space<hbm>> -> memref<80xi32, #tpu.memory_space<hbm>>
          %dma_wait3A_215 = arith.constant 0 : i32
          %dma_wait3A_216 = tpu.memref_slice %arg3[%dma_wait3A_215] : memref<320000xi32, #tpu.memory_space<hbm>> -> memref<80xi32, #tpu.memory_space<hbm>>
          tpu.wait_dma2 semaphore(%arg35 : memref<!tpu.dma_semaphore, #tpu.memory_space<semaphore_mem>>) src(%dma_wait3A_216 : memref<80xi32, #tpu.memory_space<hbm>>) dst(%arg10 : memref<80xi32, #tpu.memory_space<vmem>>)
          %dma_wait3A_217 = arith.constant 0 : i32
          %dma_wait3A_218 = tpu.memref_slice %arg4[%dma_wait3A_217] : memref<320000xi32, #tpu.memory_space<hbm>> -> memref<80xi32, #tpu.memory_space<hbm>>
          %dma_wait3A_219 = arith.constant 0 : i32
          %dma_wait3A_220 = tpu.memref_slice %arg4[%dma_wait3A_219] : memref<320000xi32, #tpu.memory_space<hbm>> -> memref<80xi32, #tpu.memory_space<hbm>>
          tpu.wait_dma2 semaphore(%arg35 : memref<!tpu.dma_semaphore, #tpu.memory_space<semaphore_mem>>) src(%dma_wait3A_220 : memref<80xi32, #tpu.memory_space<hbm>>) dst(%arg18 : memref<80xi32, #tpu.memory_space<vmem>>)
          %dma_wait3A_221 = arith.constant 0 : i32
          %dma_wait3A_222 = arith.constant 0 : i32
          %dma_wait3A_223 = tpu.memref_slice %arg26[%dma_wait3A_221, %dma_wait3A_222] : memref<10240x128xf32, #tpu.memory_space<vmem_shared>> -> memref<10240x128xf32, #tpu.memory_space<vmem_shared>>
          tpu.wait_indirect_dma semaphore(%arg31 : memref<!tpu.dma_semaphore, #tpu.memory_space<semaphore_mem>>) src(%arg6 : memref<80x128xf32, #tpu.memory_space<vmem>>) dst(%dma_wait3A_223 : memref<10240x128xf32, #tpu.memory_space<vmem_shared>>)
          %add3A_224 = arith.constant 8 : i32
          %add3A_225 = arith.addi %add3A_167, %add3A_224 : i32
          %lt3A_226 = arith.constant 125 : i32
          %lt3A_227 = arith.cmpi slt, %add3A_225, %lt3A_226 : i32
          %convert_element_type3A_228 = arith.extui %lt3A_227 : i1 to i32
          %cond3A_229 = arith.constant 0 : i32
          %cond3A_230 = arith.cmpi ne, %convert_element_type3A_228, %cond3A_229 : i32
          scf.if %cond3A_230 {
            %add3A_234 = arith.constant 8 : i32
            %add3A_235 = arith.addi %add3A_167, %add3A_234 : i32
            %mul3A_236 = arith.constant 80 : i32
            %mul3A_237 = arith.muli %add3A_235, %mul3A_236 : i32
            %add3A_238 = arith.addi %mul3A_14, %mul3A_237 : i32
            %dma_start3A_239 = tpu.memref_slice %arg3[%add3A_238] : memref<320000xi32, #tpu.memory_space<hbm>> -> memref<80xi32, #tpu.memory_space<hbm>>
            %dma_start3A_240 = tpu.memref_slice %arg3[%add3A_238] : memref<320000xi32, #tpu.memory_space<hbm>> -> memref<80xi32, #tpu.memory_space<hbm>>
            tpu.enqueue_dma source(%dma_start3A_240 : memref<80xi32, #tpu.memory_space<hbm>>) target(%arg14 : memref<80xi32, #tpu.memory_space<vmem>>) target_semaphore(%arg39 : memref<!tpu.dma_semaphore, #tpu.memory_space<semaphore_mem>>)
            %dma_start3A_241 = tpu.memref_slice %arg4[%add3A_238] : memref<320000xi32, #tpu.memory_space<hbm>> -> memref<80xi32, #tpu.memory_space<hbm>>
            %dma_start3A_242 = tpu.memref_slice %arg4[%add3A_238] : memref<320000xi32, #tpu.memory_space<hbm>> -> memref<80xi32, #tpu.memory_space<hbm>>
            tpu.enqueue_dma source(%dma_start3A_242 : memref<80xi32, #tpu.memory_space<hbm>>) target(%arg22 : memref<80xi32, #tpu.memory_space<vmem>>) target_semaphore(%arg39 : memref<!tpu.dma_semaphore, #tpu.memory_space<semaphore_mem>>)
          } else {
          }
          %dma_start3A_231 = arith.constant 0 : i32
          %dma_start3A_232 = arith.constant 0 : i32
          %dma_start3A_233 = tpu.memref_slice %arg2[%dma_start3A_231, %dma_start3A_232] : memref<10000x128xf32, #tpu.memory_space<hbm>> -> memref<10000x128xf32, #tpu.memory_space<hbm>>
          tpu.enqueue_indirect_dma source(%dma_start3A_233 : memref<10000x128xf32, #tpu.memory_space<hbm>>) target(%arg6 : memref<80x128xf32, #tpu.memory_space<vmem>>) offsets(%arg10 : memref<80xi32, #tpu.memory_space<vmem>>) semaphore(%arg27 : memref<!tpu.dma_semaphore, #tpu.memory_space<semaphore_mem>>)
        } else {
        }
      } else {
      }
      %mul3A_173 = arith.constant 8 : i32
      %mul3A_174 = arith.muli %scan3A_130, %mul3A_173 : i32
      %add3A_175 = arith.constant 5 : i32
      %add3A_176 = arith.addi %mul3A_174, %add3A_175 : i32
      %lt3A_177 = arith.constant 125 : i32
      %lt3A_178 = arith.cmpi slt, %add3A_176, %lt3A_177 : i32
      %convert_element_type3A_179 = arith.extui %lt3A_178 : i1 to i32
      %cond3A_180 = arith.constant 0 : i32
      %cond3A_181 = arith.cmpi ne, %convert_element_type3A_179, %cond3A_180 : i32
      scf.if %cond3A_181 {
        %dma_wait3A_200 = arith.constant 0 : i32
        %dma_wait3A_201 = arith.constant 0 : i32
        %dma_wait3A_202 = tpu.memref_slice %arg2[%dma_wait3A_200, %dma_wait3A_201] : memref<10000x128xf32, #tpu.memory_space<hbm>> -> memref<10000x128xf32, #tpu.memory_space<hbm>>
        tpu.wait_indirect_dma semaphore(%arg28 : memref<!tpu.dma_semaphore, #tpu.memory_space<semaphore_mem>>) src(%dma_wait3A_202 : memref<10000x128xf32, #tpu.memory_space<hbm>>) dst(%arg7 : memref<80x128xf32, #tpu.memory_space<vmem>>)
        %dma_start3A_203 = arith.constant 0 : i32
        %dma_start3A_204 = arith.constant 0 : i32
        %dma_start3A_205 = tpu.memref_slice %arg26[%dma_start3A_203, %dma_start3A_204] : memref<10240x128xf32, #tpu.memory_space<vmem_shared>> -> memref<10240x128xf32, #tpu.memory_space<vmem_shared>>
        tpu.enqueue_indirect_dma source(%arg7 : memref<80x128xf32, #tpu.memory_space<vmem>>) target(%dma_start3A_205 : memref<10240x128xf32, #tpu.memory_space<vmem_shared>>) offsets(%arg23 : memref<80xi32, #tpu.memory_space<vmem>>) semaphore(%arg32 : memref<!tpu.dma_semaphore, #tpu.memory_space<semaphore_mem>>) {add = true}
        %add3A_206 = arith.constant 4 : i32
        %add3A_207 = arith.addi %add3A_176, %add3A_206 : i32
        %lt3A_208 = arith.constant 125 : i32
        %lt3A_209 = arith.cmpi slt, %add3A_207, %lt3A_208 : i32
        %convert_element_type3A_210 = arith.extui %lt3A_209 : i1 to i32
        %cond3A_211 = arith.constant 0 : i32
        %cond3A_212 = arith.cmpi ne, %convert_element_type3A_210, %cond3A_211 : i32
        scf.if %cond3A_212 {
          %dma_wait3A_213 = arith.constant 0 : i32
          %dma_wait3A_214 = tpu.memref_slice %arg3[%dma_wait3A_213] : memref<320000xi32, #tpu.memory_space<hbm>> -> memref<80xi32, #tpu.memory_space<hbm>>
          %dma_wait3A_215 = arith.constant 0 : i32
          %dma_wait3A_216 = tpu.memref_slice %arg3[%dma_wait3A_215] : memref<320000xi32, #tpu.memory_space<hbm>> -> memref<80xi32, #tpu.memory_space<hbm>>
          tpu.wait_dma2 semaphore(%arg36 : memref<!tpu.dma_semaphore, #tpu.memory_space<semaphore_mem>>) src(%dma_wait3A_216 : memref<80xi32, #tpu.memory_space<hbm>>) dst(%arg11 : memref<80xi32, #tpu.memory_space<vmem>>)
          %dma_wait3A_217 = arith.constant 0 : i32
          %dma_wait3A_218 = tpu.memref_slice %arg4[%dma_wait3A_217] : memref<320000xi32, #tpu.memory_space<hbm>> -> memref<80xi32, #tpu.memory_space<hbm>>
          %dma_wait3A_219 = arith.constant 0 : i32
          %dma_wait3A_220 = tpu.memref_slice %arg4[%dma_wait3A_219] : memref<320000xi32, #tpu.memory_space<hbm>> -> memref<80xi32, #tpu.memory_space<hbm>>
          tpu.wait_dma2 semaphore(%arg36 : memref<!tpu.dma_semaphore, #tpu.memory_space<semaphore_mem>>) src(%dma_wait3A_220 : memref<80xi32, #tpu.memory_space<hbm>>) dst(%arg19 : memref<80xi32, #tpu.memory_space<vmem>>)
          %dma_wait3A_221 = arith.constant 0 : i32
          %dma_wait3A_222 = arith.constant 0 : i32
          %dma_wait3A_223 = tpu.memref_slice %arg26[%dma_wait3A_221, %dma_wait3A_222] : memref<10240x128xf32, #tpu.memory_space<vmem_shared>> -> memref<10240x128xf32, #tpu.memory_space<vmem_shared>>
          tpu.wait_indirect_dma semaphore(%arg32 : memref<!tpu.dma_semaphore, #tpu.memory_space<semaphore_mem>>) src(%arg7 : memref<80x128xf32, #tpu.memory_space<vmem>>) dst(%dma_wait3A_223 : memref<10240x128xf32, #tpu.memory_space<vmem_shared>>)
          %add3A_224 = arith.constant 8 : i32
          %add3A_225 = arith.addi %add3A_176, %add3A_224 : i32
          %lt3A_226 = arith.constant 125 : i32
          %lt3A_227 = arith.cmpi slt, %add3A_225, %lt3A_226 : i32
          %convert_element_type3A_228 = arith.extui %lt3A_227 : i1 to i32
          %cond3A_229 = arith.constant 0 : i32
          %cond3A_230 = arith.cmpi ne, %convert_element_type3A_228, %cond3A_229 : i32
          scf.if %cond3A_230 {
            %add3A_234 = arith.constant 8 : i32
            %add3A_235 = arith.addi %add3A_176, %add3A_234 : i32
            %mul3A_236 = arith.constant 80 : i32
            %mul3A_237 = arith.muli %add3A_235, %mul3A_236 : i32
            %add3A_238 = arith.addi %mul3A_14, %mul3A_237 : i32
            %dma_start3A_239 = tpu.memref_slice %arg3[%add3A_238] : memref<320000xi32, #tpu.memory_space<hbm>> -> memref<80xi32, #tpu.memory_space<hbm>>
            %dma_start3A_240 = tpu.memref_slice %arg3[%add3A_238] : memref<320000xi32, #tpu.memory_space<hbm>> -> memref<80xi32, #tpu.memory_space<hbm>>
            tpu.enqueue_dma source(%dma_start3A_240 : memref<80xi32, #tpu.memory_space<hbm>>) target(%arg15 : memref<80xi32, #tpu.memory_space<vmem>>) target_semaphore(%arg40 : memref<!tpu.dma_semaphore, #tpu.memory_space<semaphore_mem>>)
            %dma_start3A_241 = tpu.memref_slice %arg4[%add3A_238] : memref<320000xi32, #tpu.memory_space<hbm>> -> memref<80xi32, #tpu.memory_space<hbm>>
            %dma_start3A_242 = tpu.memref_slice %arg4[%add3A_238] : memref<320000xi32, #tpu.memory_space<hbm>> -> memref<80xi32, #tpu.memory_space<hbm>>
            tpu.enqueue_dma source(%dma_start3A_242 : memref<80xi32, #tpu.memory_space<hbm>>) target(%arg23 : memref<80xi32, #tpu.memory_space<vmem>>) target_semaphore(%arg40 : memref<!tpu.dma_semaphore, #tpu.memory_space<semaphore_mem>>)
          } else {
          }
          %dma_start3A_231 = arith.constant 0 : i32
          %dma_start3A_232 = arith.constant 0 : i32
          %dma_start3A_233 = tpu.memref_slice %arg2[%dma_start3A_231, %dma_start3A_232] : memref<10000x128xf32, #tpu.memory_space<hbm>> -> memref<10000x128xf32, #tpu.memory_space<hbm>>
          tpu.enqueue_indirect_dma source(%dma_start3A_233 : memref<10000x128xf32, #tpu.memory_space<hbm>>) target(%arg7 : memref<80x128xf32, #tpu.memory_space<vmem>>) offsets(%arg11 : memref<80xi32, #tpu.memory_space<vmem>>) semaphore(%arg28 : memref<!tpu.dma_semaphore, #tpu.memory_space<semaphore_mem>>)
        } else {
        }
      } else {
      }
      %mul3A_182 = arith.constant 8 : i32
      %mul3A_183 = arith.muli %scan3A_130, %mul3A_182 : i32
      %add3A_184 = arith.constant 6 : i32
      %add3A_185 = arith.addi %mul3A_183, %add3A_184 : i32
      %lt3A_186 = arith.constant 125 : i32
      %lt3A_187 = arith.cmpi slt, %add3A_185, %lt3A_186 : i32
      %convert_element_type3A_188 = arith.extui %lt3A_187 : i1 to i32
      %cond3A_189 = arith.constant 0 : i32
      %cond3A_190 = arith.cmpi ne, %convert_element_type3A_188, %cond3A_189 : i32
      scf.if %cond3A_190 {
        %dma_wait3A_200 = arith.constant 0 : i32
        %dma_wait3A_201 = arith.constant 0 : i32
        %dma_wait3A_202 = tpu.memref_slice %arg2[%dma_wait3A_200, %dma_wait3A_201] : memref<10000x128xf32, #tpu.memory_space<hbm>> -> memref<10000x128xf32, #tpu.memory_space<hbm>>
        tpu.wait_indirect_dma semaphore(%arg29 : memref<!tpu.dma_semaphore, #tpu.memory_space<semaphore_mem>>) src(%dma_wait3A_202 : memref<10000x128xf32, #tpu.memory_space<hbm>>) dst(%arg8 : memref<80x128xf32, #tpu.memory_space<vmem>>)
        %dma_start3A_203 = arith.constant 0 : i32
        %dma_start3A_204 = arith.constant 0 : i32
        %dma_start3A_205 = tpu.memref_slice %arg26[%dma_start3A_203, %dma_start3A_204] : memref<10240x128xf32, #tpu.memory_space<vmem_shared>> -> memref<10240x128xf32, #tpu.memory_space<vmem_shared>>
        tpu.enqueue_indirect_dma source(%arg8 : memref<80x128xf32, #tpu.memory_space<vmem>>) target(%dma_start3A_205 : memref<10240x128xf32, #tpu.memory_space<vmem_shared>>) offsets(%arg24 : memref<80xi32, #tpu.memory_space<vmem>>) semaphore(%arg33 : memref<!tpu.dma_semaphore, #tpu.memory_space<semaphore_mem>>) {add = true}
        %add3A_206 = arith.constant 4 : i32
        %add3A_207 = arith.addi %add3A_185, %add3A_206 : i32
        %lt3A_208 = arith.constant 125 : i32
        %lt3A_209 = arith.cmpi slt, %add3A_207, %lt3A_208 : i32
        %convert_element_type3A_210 = arith.extui %lt3A_209 : i1 to i32
        %cond3A_211 = arith.constant 0 : i32
        %cond3A_212 = arith.cmpi ne, %convert_element_type3A_210, %cond3A_211 : i32
        scf.if %cond3A_212 {
          %dma_wait3A_213 = arith.constant 0 : i32
          %dma_wait3A_214 = tpu.memref_slice %arg3[%dma_wait3A_213] : memref<320000xi32, #tpu.memory_space<hbm>> -> memref<80xi32, #tpu.memory_space<hbm>>
          %dma_wait3A_215 = arith.constant 0 : i32
          %dma_wait3A_216 = tpu.memref_slice %arg3[%dma_wait3A_215] : memref<320000xi32, #tpu.memory_space<hbm>> -> memref<80xi32, #tpu.memory_space<hbm>>
          tpu.wait_dma2 semaphore(%arg37 : memref<!tpu.dma_semaphore, #tpu.memory_space<semaphore_mem>>) src(%dma_wait3A_216 : memref<80xi32, #tpu.memory_space<hbm>>) dst(%arg12 : memref<80xi32, #tpu.memory_space<vmem>>)
          %dma_wait3A_217 = arith.constant 0 : i32
          %dma_wait3A_218 = tpu.memref_slice %arg4[%dma_wait3A_217] : memref<320000xi32, #tpu.memory_space<hbm>> -> memref<80xi32, #tpu.memory_space<hbm>>
          %dma_wait3A_219 = arith.constant 0 : i32
          %dma_wait3A_220 = tpu.memref_slice %arg4[%dma_wait3A_219] : memref<320000xi32, #tpu.memory_space<hbm>> -> memref<80xi32, #tpu.memory_space<hbm>>
          tpu.wait_dma2 semaphore(%arg37 : memref<!tpu.dma_semaphore, #tpu.memory_space<semaphore_mem>>) src(%dma_wait3A_220 : memref<80xi32, #tpu.memory_space<hbm>>) dst(%arg20 : memref<80xi32, #tpu.memory_space<vmem>>)
          %dma_wait3A_221 = arith.constant 0 : i32
          %dma_wait3A_222 = arith.constant 0 : i32
          %dma_wait3A_223 = tpu.memref_slice %arg26[%dma_wait3A_221, %dma_wait3A_222] : memref<10240x128xf32, #tpu.memory_space<vmem_shared>> -> memref<10240x128xf32, #tpu.memory_space<vmem_shared>>
          tpu.wait_indirect_dma semaphore(%arg33 : memref<!tpu.dma_semaphore, #tpu.memory_space<semaphore_mem>>) src(%arg8 : memref<80x128xf32, #tpu.memory_space<vmem>>) dst(%dma_wait3A_223 : memref<10240x128xf32, #tpu.memory_space<vmem_shared>>)
          %add3A_224 = arith.constant 8 : i32
          %add3A_225 = arith.addi %add3A_185, %add3A_224 : i32
          %lt3A_226 = arith.constant 125 : i32
          %lt3A_227 = arith.cmpi slt, %add3A_225, %lt3A_226 : i32
          %convert_element_type3A_228 = arith.extui %lt3A_227 : i1 to i32
          %cond3A_229 = arith.constant 0 : i32
          %cond3A_230 = arith.cmpi ne, %convert_element_type3A_228, %cond3A_229 : i32
          scf.if %cond3A_230 {
            %add3A_234 = arith.constant 8 : i32
            %add3A_235 = arith.addi %add3A_185, %add3A_234 : i32
            %mul3A_236 = arith.constant 80 : i32
            %mul3A_237 = arith.muli %add3A_235, %mul3A_236 : i32
            %add3A_238 = arith.addi %mul3A_14, %mul3A_237 : i32
            %dma_start3A_239 = tpu.memref_slice %arg3[%add3A_238] : memref<320000xi32, #tpu.memory_space<hbm>> -> memref<80xi32, #tpu.memory_space<hbm>>
            %dma_start3A_240 = tpu.memref_slice %arg3[%add3A_238] : memref<320000xi32, #tpu.memory_space<hbm>> -> memref<80xi32, #tpu.memory_space<hbm>>
            tpu.enqueue_dma source(%dma_start3A_240 : memref<80xi32, #tpu.memory_space<hbm>>) target(%arg16 : memref<80xi32, #tpu.memory_space<vmem>>) target_semaphore(%arg41 : memref<!tpu.dma_semaphore, #tpu.memory_space<semaphore_mem>>)
            %dma_start3A_241 = tpu.memref_slice %arg4[%add3A_238] : memref<320000xi32, #tpu.memory_space<hbm>> -> memref<80xi32, #tpu.memory_space<hbm>>
            %dma_start3A_242 = tpu.memref_slice %arg4[%add3A_238] : memref<320000xi32, #tpu.memory_space<hbm>> -> memref<80xi32, #tpu.memory_space<hbm>>
            tpu.enqueue_dma source(%dma_start3A_242 : memref<80xi32, #tpu.memory_space<hbm>>) target(%arg24 : memref<80xi32, #tpu.memory_space<vmem>>) target_semaphore(%arg41 : memref<!tpu.dma_semaphore, #tpu.memory_space<semaphore_mem>>)
          } else {
          }
          %dma_start3A_231 = arith.constant 0 : i32
          %dma_start3A_232 = arith.constant 0 : i32
          %dma_start3A_233 = tpu.memref_slice %arg2[%dma_start3A_231, %dma_start3A_232] : memref<10000x128xf32, #tpu.memory_space<hbm>> -> memref<10000x128xf32, #tpu.memory_space<hbm>>
          tpu.enqueue_indirect_dma source(%dma_start3A_233 : memref<10000x128xf32, #tpu.memory_space<hbm>>) target(%arg8 : memref<80x128xf32, #tpu.memory_space<vmem>>) offsets(%arg12 : memref<80xi32, #tpu.memory_space<vmem>>) semaphore(%arg29 : memref<!tpu.dma_semaphore, #tpu.memory_space<semaphore_mem>>)
        } else {
        }
      } else {
      }
      %mul3A_191 = arith.constant 8 : i32
      %mul3A_192 = arith.muli %scan3A_130, %mul3A_191 : i32
      %add3A_193 = arith.constant 7 : i32
      %add3A_194 = arith.addi %mul3A_192, %add3A_193 : i32
      %lt3A_195 = arith.constant 125 : i32
      %lt3A_196 = arith.cmpi slt, %add3A_194, %lt3A_195 : i32
      %convert_element_type3A_197 = arith.extui %lt3A_196 : i1 to i32
      %cond3A_198 = arith.constant 0 : i32
      %cond3A_199 = arith.cmpi ne, %convert_element_type3A_197, %cond3A_198 : i32
      scf.if %cond3A_199 {
        %dma_wait3A_200 = arith.constant 0 : i32
        %dma_wait3A_201 = arith.constant 0 : i32
        %dma_wait3A_202 = tpu.memref_slice %arg2[%dma_wait3A_200, %dma_wait3A_201] : memref<10000x128xf32, #tpu.memory_space<hbm>> -> memref<10000x128xf32, #tpu.memory_space<hbm>>
        tpu.wait_indirect_dma semaphore(%arg30 : memref<!tpu.dma_semaphore, #tpu.memory_space<semaphore_mem>>) src(%dma_wait3A_202 : memref<10000x128xf32, #tpu.memory_space<hbm>>) dst(%arg9 : memref<80x128xf32, #tpu.memory_space<vmem>>)
        %dma_start3A_203 = arith.constant 0 : i32
        %dma_start3A_204 = arith.constant 0 : i32
        %dma_start3A_205 = tpu.memref_slice %arg26[%dma_start3A_203, %dma_start3A_204] : memref<10240x128xf32, #tpu.memory_space<vmem_shared>> -> memref<10240x128xf32, #tpu.memory_space<vmem_shared>>
        tpu.enqueue_indirect_dma source(%arg9 : memref<80x128xf32, #tpu.memory_space<vmem>>) target(%dma_start3A_205 : memref<10240x128xf32, #tpu.memory_space<vmem_shared>>) offsets(%arg25 : memref<80xi32, #tpu.memory_space<vmem>>) semaphore(%arg34 : memref<!tpu.dma_semaphore, #tpu.memory_space<semaphore_mem>>) {add = true}
        %add3A_206 = arith.constant 4 : i32
        %add3A_207 = arith.addi %add3A_194, %add3A_206 : i32
        %lt3A_208 = arith.constant 125 : i32
        %lt3A_209 = arith.cmpi slt, %add3A_207, %lt3A_208 : i32
        %convert_element_type3A_210 = arith.extui %lt3A_209 : i1 to i32
        %cond3A_211 = arith.constant 0 : i32
        %cond3A_212 = arith.cmpi ne, %convert_element_type3A_210, %cond3A_211 : i32
        scf.if %cond3A_212 {
          %dma_wait3A_213 = arith.constant 0 : i32
          %dma_wait3A_214 = tpu.memref_slice %arg3[%dma_wait3A_213] : memref<320000xi32, #tpu.memory_space<hbm>> -> memref<80xi32, #tpu.memory_space<hbm>>
          %dma_wait3A_215 = arith.constant 0 : i32
          %dma_wait3A_216 = tpu.memref_slice %arg3[%dma_wait3A_215] : memref<320000xi32, #tpu.memory_space<hbm>> -> memref<80xi32, #tpu.memory_space<hbm>>
          tpu.wait_dma2 semaphore(%arg38 : memref<!tpu.dma_semaphore, #tpu.memory_space<semaphore_mem>>) src(%dma_wait3A_216 : memref<80xi32, #tpu.memory_space<hbm>>) dst(%arg13 : memref<80xi32, #tpu.memory_space<vmem>>)
          %dma_wait3A_217 = arith.constant 0 : i32
          %dma_wait3A_218 = tpu.memref_slice %arg4[%dma_wait3A_217] : memref<320000xi32, #tpu.memory_space<hbm>> -> memref<80xi32, #tpu.memory_space<hbm>>
          %dma_wait3A_219 = arith.constant 0 : i32
          %dma_wait3A_220 = tpu.memref_slice %arg4[%dma_wait3A_219] : memref<320000xi32, #tpu.memory_space<hbm>> -> memref<80xi32, #tpu.memory_space<hbm>>
          tpu.wait_dma2 semaphore(%arg38 : memref<!tpu.dma_semaphore, #tpu.memory_space<semaphore_mem>>) src(%dma_wait3A_220 : memref<80xi32, #tpu.memory_space<hbm>>) dst(%arg21 : memref<80xi32, #tpu.memory_space<vmem>>)
          %dma_wait3A_221 = arith.constant 0 : i32
          %dma_wait3A_222 = arith.constant 0 : i32
          %dma_wait3A_223 = tpu.memref_slice %arg26[%dma_wait3A_221, %dma_wait3A_222] : memref<10240x128xf32, #tpu.memory_space<vmem_shared>> -> memref<10240x128xf32, #tpu.memory_space<vmem_shared>>
          tpu.wait_indirect_dma semaphore(%arg34 : memref<!tpu.dma_semaphore, #tpu.memory_space<semaphore_mem>>) src(%arg9 : memref<80x128xf32, #tpu.memory_space<vmem>>) dst(%dma_wait3A_223 : memref<10240x128xf32, #tpu.memory_space<vmem_shared>>)
          %add3A_224 = arith.constant 8 : i32
          %add3A_225 = arith.addi %add3A_194, %add3A_224 : i32
          %lt3A_226 = arith.constant 125 : i32
          %lt3A_227 = arith.cmpi slt, %add3A_225, %lt3A_226 : i32
          %convert_element_type3A_228 = arith.extui %lt3A_227 : i1 to i32
          %cond3A_229 = arith.constant 0 : i32
          %cond3A_230 = arith.cmpi ne, %convert_element_type3A_228, %cond3A_229 : i32
          scf.if %cond3A_230 {
            %add3A_234 = arith.constant 8 : i32
            %add3A_235 = arith.addi %add3A_194, %add3A_234 : i32
            %mul3A_236 = arith.constant 80 : i32
            %mul3A_237 = arith.muli %add3A_235, %mul3A_236 : i32
            %add3A_238 = arith.addi %mul3A_14, %mul3A_237 : i32
            %dma_start3A_239 = tpu.memref_slice %arg3[%add3A_238] : memref<320000xi32, #tpu.memory_space<hbm>> -> memref<80xi32, #tpu.memory_space<hbm>>
            %dma_start3A_240 = tpu.memref_slice %arg3[%add3A_238] : memref<320000xi32, #tpu.memory_space<hbm>> -> memref<80xi32, #tpu.memory_space<hbm>>
            tpu.enqueue_dma source(%dma_start3A_240 : memref<80xi32, #tpu.memory_space<hbm>>) target(%arg17 : memref<80xi32, #tpu.memory_space<vmem>>) target_semaphore(%arg42 : memref<!tpu.dma_semaphore, #tpu.memory_space<semaphore_mem>>)
            %dma_start3A_241 = tpu.memref_slice %arg4[%add3A_238] : memref<320000xi32, #tpu.memory_space<hbm>> -> memref<80xi32, #tpu.memory_space<hbm>>
            %dma_start3A_242 = tpu.memref_slice %arg4[%add3A_238] : memref<320000xi32, #tpu.memory_space<hbm>> -> memref<80xi32, #tpu.memory_space<hbm>>
            tpu.enqueue_dma source(%dma_start3A_242 : memref<80xi32, #tpu.memory_space<hbm>>) target(%arg25 : memref<80xi32, #tpu.memory_space<vmem>>) target_semaphore(%arg42 : memref<!tpu.dma_semaphore, #tpu.memory_space<semaphore_mem>>)
          } else {
          }
          %dma_start3A_231 = arith.constant 0 : i32
          %dma_start3A_232 = arith.constant 0 : i32
          %dma_start3A_233 = tpu.memref_slice %arg2[%dma_start3A_231, %dma_start3A_232] : memref<10000x128xf32, #tpu.memory_space<hbm>> -> memref<10000x128xf32, #tpu.memory_space<hbm>>
          tpu.enqueue_indirect_dma source(%dma_start3A_233 : memref<10000x128xf32, #tpu.memory_space<hbm>>) target(%arg9 : memref<80x128xf32, #tpu.memory_space<vmem>>) offsets(%arg13 : memref<80xi32, #tpu.memory_space<vmem>>) semaphore(%arg30 : memref<!tpu.dma_semaphore, #tpu.memory_space<semaphore_mem>>)
        } else {
        }
      } else {
      }
    }
    %scan3A_110 = arith.constant 16 : i32
    %dma_wait3A_111 = arith.constant 0 : i32
    %dma_wait3A_112 = arith.constant 0 : i32
    %dma_wait3A_113 = tpu.memref_slice %arg26[%dma_wait3A_111, %dma_wait3A_112] : memref<10240x128xf32, #tpu.memory_space<vmem_shared>> -> memref<10240x128xf32, #tpu.memory_space<vmem_shared>>
    tpu.wait_indirect_dma semaphore(%arg32 : memref<!tpu.dma_semaphore, #tpu.memory_space<semaphore_mem>>) src(%arg7 : memref<80x128xf32, #tpu.memory_space<vmem>>) dst(%dma_wait3A_113 : memref<10240x128xf32, #tpu.memory_space<vmem_shared>>)
    %dma_wait3A_114 = arith.constant 0 : i32
    %dma_wait3A_115 = arith.constant 0 : i32
    %dma_wait3A_116 = tpu.memref_slice %arg26[%dma_wait3A_114, %dma_wait3A_115] : memref<10240x128xf32, #tpu.memory_space<vmem_shared>> -> memref<10240x128xf32, #tpu.memory_space<vmem_shared>>
    tpu.wait_indirect_dma semaphore(%arg33 : memref<!tpu.dma_semaphore, #tpu.memory_space<semaphore_mem>>) src(%arg8 : memref<80x128xf32, #tpu.memory_space<vmem>>) dst(%dma_wait3A_116 : memref<10240x128xf32, #tpu.memory_space<vmem_shared>>)
    %dma_wait3A_117 = arith.constant 0 : i32
    %dma_wait3A_118 = arith.constant 0 : i32
    %dma_wait3A_119 = tpu.memref_slice %arg26[%dma_wait3A_117, %dma_wait3A_118] : memref<10240x128xf32, #tpu.memory_space<vmem_shared>> -> memref<10240x128xf32, #tpu.memory_space<vmem_shared>>
    tpu.wait_indirect_dma semaphore(%arg34 : memref<!tpu.dma_semaphore, #tpu.memory_space<semaphore_mem>>) src(%arg9 : memref<80x128xf32, #tpu.memory_space<vmem>>) dst(%dma_wait3A_119 : memref<10240x128xf32, #tpu.memory_space<vmem_shared>>)
    %dma_wait3A_120 = arith.constant 0 : i32
    %dma_wait3A_121 = arith.constant 0 : i32
    %dma_wait3A_122 = tpu.memref_slice %arg26[%dma_wait3A_120, %dma_wait3A_121] : memref<10240x128xf32, #tpu.memory_space<vmem_shared>> -> memref<10240x128xf32, #tpu.memory_space<vmem_shared>>
    tpu.wait_indirect_dma semaphore(%arg31 : memref<!tpu.dma_semaphore, #tpu.memory_space<semaphore_mem>>) src(%arg6 : memref<80x128xf32, #tpu.memory_space<vmem>>) dst(%dma_wait3A_122 : memref<10240x128xf32, #tpu.memory_space<vmem_shared>>)
    %barrier3A_123 = arith.constant 0 : index
    tpu.barrier barrier_id(%barrier3A_123)
    %scan3A_124 = arith.constant 0 : i32
    %scan3A_125 = arith.constant 0 : i32
    %scan3A_126 = arith.constant 5 : i32
    %scan3A_127 = arith.addi %scan3A_125, %scan3A_126 : i32
    %scan3A_128 = arith.constant 1 : i32
    scf.for %scan3A_130 = %scan3A_125 to %scan3A_127 step %scan3A_128  : i32 {
      %mul3A_131 = arith.constant 640 : i32
      %mul3A_132 = arith.muli %arg1, %mul3A_131 : i32
      %mul3A_133 = arith.constant 128 : i32
      %mul3A_134 = arith.muli %scan3A_130, %mul3A_133 : i32
      %add3A_135 = arith.addi %mul3A_132, %mul3A_134 : i32
      "tpu.region"() ({
        %run_scoped3A = tpu.sem_alloc : memref<!tpu.dma_semaphore, #tpu.memory_space<semaphore_mem>>
        %dma_start3A_136 = arith.constant 0 : i32
        %dma_start3A_137 = tpu.memref_slice %arg5[%arg0, %add3A_135, %dma_start3A_136] : memref<2x10240x128xf32, #tpu.memory_space<hbm>> -> memref<1x128x128xf32, #tpu.memory_space<hbm>>
        %dma_start3A_138 = tpu.memref_squeeze %dma_start3A_137 : memref<1x128x128xf32, #tpu.memory_space<hbm>> -> memref<128x128xf32, #tpu.memory_space<hbm>>
        %dma_start3A_139 = arith.constant 0 : i32
        %dma_start3A_140 = tpu.memref_slice %arg26[%add3A_135, %dma_start3A_139] : memref<10240x128xf32, #tpu.memory_space<vmem_shared>> -> memref<128x128xf32, #tpu.memory_space<vmem_shared>>
        tpu.enqueue_dma source(%dma_start3A_140 : memref<128x128xf32, #tpu.memory_space<vmem_shared>>) target(%dma_start3A_138 : memref<128x128xf32, #tpu.memory_space<hbm>>) target_semaphore(%run_scoped3A : memref<!tpu.dma_semaphore, #tpu.memory_space<semaphore_mem>>)
        %dma_wait3A_141 = arith.constant 0 : i32
        %dma_wait3A_142 = tpu.memref_slice %arg5[%arg0, %add3A_135, %dma_wait3A_141] : memref<2x10240x128xf32, #tpu.memory_space<hbm>> -> memref<1x128x128xf32, #tpu.memory_space<hbm>>
        %dma_wait3A_143 = tpu.memref_squeeze %dma_wait3A_142 : memref<1x128x128xf32, #tpu.memory_space<hbm>> -> memref<128x128xf32, #tpu.memory_space<hbm>>
        %dma_wait3A_144 = arith.constant 0 : i32
        %dma_wait3A_145 = tpu.memref_slice %arg26[%add3A_135, %dma_wait3A_144] : memref<10240x128xf32, #tpu.memory_space<vmem_shared>> -> memref<128x128xf32, #tpu.memory_space<vmem_shared>>
        tpu.wait_dma2 semaphore(%run_scoped3A : memref<!tpu.dma_semaphore, #tpu.memory_space<semaphore_mem>>) src(%dma_wait3A_145 : memref<128x128xf32, #tpu.memory_space<vmem_shared>>) dst(%dma_wait3A_143 : memref<128x128xf32, #tpu.memory_space<hbm>>)
        tpu.yield
      }) : () -> ()
    }
    %scan3A_129 = arith.constant 5 : i32
    return
  }
}

module attributes {stable_mosaic.version = 14 : i64} {
  func.func @body(%arg0: memref<10000x128xf32, #tpu.memory_space<vmem>>, %arg1: memref<2x10240xf32, #tpu.memory_space<vmem>>, %arg2: memref<128x128xf32, #tpu.memory_space<vmem>>, %arg3: memref<10000xf32, #tpu.memory_space<vmem>>, %arg4: memref<10000x128xf32, #tpu.memory_space<vmem>>) attributes {dimension_semantics = [], scalar_prefetch = 0 : i64, scratch_operands = 0 : i64, tpu.core_type = #tpu.core_type<tc>} {
    %get3A = arith.constant 0 : index
    %get3A_0 = arith.constant 0 : index
    %get3A_1 = vector.load %arg1[%get3A, %get3A_0] : memref<2x10240xf32, #tpu.memory_space<vmem>>, vector<1x10000xf32>
    %get3A_2 = vector.shape_cast %get3A_1 : vector<1x10000xf32> to vector<10000xf32>
    %get3A_3 = arith.constant 1 : index
    %get3A_4 = arith.constant 0 : index
    %get3A_5 = vector.load %arg1[%get3A_3, %get3A_4] : memref<2x10240xf32, #tpu.memory_space<vmem>>, vector<1x10000xf32>
    %get3A_6 = vector.shape_cast %get3A_5 : vector<1x10000xf32> to vector<10000xf32>
    %add3A = arith.addf %get3A_2, %get3A_6 : vector<10000xf32>
    %gt3A = arith.constant 0.000000e+00 : f32
    %gt3A_7 = vector.broadcast %gt3A : f32 to vector<10000xf32>
    %gt3A_8 = arith.cmpf ogt, %add3A, %gt3A_7 : vector<10000xf32>
    %max3A = arith.constant 9.99999996E-13 : f32
    %max3A_9 = vector.broadcast %max3A : f32 to vector<10000xf32>
    %max3A_10 = arith.maximumf %add3A, %max3A_9 : vector<10000xf32>
    %rsqrt3A = math.rsqrt %max3A_10 : vector<10000xf32>
    %jit3A = arith.constant 0.000000e+00 : f32
    %broadcast_in_dim3A = vector.broadcast %jit3A : f32 to vector<10000xf32>
    %select_n3A = arith.select %gt3A_8, %rsqrt3A, %broadcast_in_dim3A : vector<10000xi1>, vector<10000xf32>
    %swap3A = arith.constant 0 : index
    %swap3A_11 = vector.load %arg3[%swap3A] : memref<10000xf32, #tpu.memory_space<vmem>>, vector<10000xf32>
    tpu.vector_store %arg3[%swap3A], %select_n3A {strides = array<i32>} : memref<10000xf32, #tpu.memory_space<vmem>>, vector<10000xf32>,
    %broadcast_in_dim3A_12 = vector.shape_cast %select_n3A : vector<10000xf32> to vector<10000x1xf32>
    %get3A_13 = arith.constant 0 : index
    %get3A_14 = arith.constant 0 : index
    %get3A_15 = vector.load %arg0[%get3A_13, %get3A_14] : memref<10000x128xf32, #tpu.memory_space<vmem>>, vector<10000x128xf32>
    %get3A_16 = arith.constant 0 : index
    %get3A_17 = arith.constant 0 : index
    %get3A_18 = vector.load %arg2[%get3A_16, %get3A_17] : memref<128x128xf32, #tpu.memory_space<vmem>>, vector<128x128xf32>
    %dot_general3A = arith.constant dense<0.000000e+00> : vector<10000x128xf32>
    %dot_general3A_19 = tpu.matmul %get3A_15, %get3A_18, %dot_general3A {dimension_numbers = #tpu.dot_dimension_numbers<[1], [0], [0], [1], [0, 0, 1, 1], [], []>, transpose_lhs_hint = false} : vector<10000x128xf32>, vector<128x128xf32>, vector<10000x128xf32> -> vector<10000x128xf32>
    %mul3A = vector.broadcast %broadcast_in_dim3A_12 : vector<10000x1xf32> to vector<10000x128xf32>
    %mul3A_20 = arith.mulf %mul3A, %dot_general3A_19 : vector<10000x128xf32>
    %swap3A_21 = arith.constant 0 : index
    %swap3A_22 = arith.constant 0 : index
    %swap3A_23 = vector.load %arg4[%swap3A_21, %swap3A_22] : memref<10000x128xf32, #tpu.memory_space<vmem>>, vector<10000x128xf32>
    tpu.vector_store %arg4[%swap3A_21, %swap3A_22], %mul3A_20 {strides = array<i32>} : memref<10000x128xf32, #tpu.memory_space<vmem>>, vector<10000x128xf32>,
    return
  }
}

module attributes {stable_mosaic.version = 14 : i64} {
  func.func @body(%arg0: memref<10000x128xf32, #tpu.memory_space<vmem>>, %arg1: memref<128x128xf32, #tpu.memory_space<vmem>>, %arg2: memref<128xf32, #tpu.memory_space<vmem>>, %arg3: memref<2x10240x128xf32, #tpu.memory_space<vmem>>, %arg4: memref<10000xf32, #tpu.memory_space<vmem>>, %arg5: memref<128x1xf32, #tpu.memory_space<vmem>>, %arg6: memref<128x1xf32, #tpu.memory_space<vmem>>, %arg7: memref<1xf32, #tpu.memory_space<vmem>>, %arg8: memref<10000xf32, #tpu.memory_space<vmem>>, %arg9: memref<10000xf32, #tpu.memory_space<vmem>>) attributes {dimension_semantics = [], scalar_prefetch = 0 : i64, scratch_operands = 0 : i64, tpu.core_type = #tpu.core_type<tc>} {
    %get3A = arith.constant 0 : index
    %get3A_0 = arith.constant 0 : index
    %get3A_1 = arith.constant 0 : index
    %get3A_2 = vector.load %arg3[%get3A, %get3A_0, %get3A_1] : memref<2x10240x128xf32, #tpu.memory_space<vmem>>, vector<1x10000x128xf32>
    %get3A_3 = vector.shape_cast %get3A_2 : vector<1x10000x128xf32> to vector<10000x128xf32>
    %get3A_4 = arith.constant 1 : index
    %get3A_5 = arith.constant 0 : index
    %get3A_6 = arith.constant 0 : index
    %get3A_7 = vector.load %arg3[%get3A_4, %get3A_5, %get3A_6] : memref<2x10240x128xf32, #tpu.memory_space<vmem>>, vector<1x10000x128xf32>
    %get3A_8 = vector.shape_cast %get3A_7 : vector<1x10000x128xf32> to vector<10000x128xf32>
    %add3A = arith.addf %get3A_3, %get3A_8 : vector<10000x128xf32>
    %get3A_9 = arith.constant 0 : index
    %get3A_10 = vector.load %arg4[%get3A_9] : memref<10000xf32, #tpu.memory_space<vmem>>, vector<10000xf32>
    %get3A_11 = arith.constant 0 : index
    %get3A_12 = arith.constant 0 : index
    %get3A_13 = vector.load %arg0[%get3A_11, %get3A_12] : memref<10000x128xf32, #tpu.memory_space<vmem>>, vector<10000x128xf32>
    %get3A_14 = arith.constant 0 : index
    %get3A_15 = arith.constant 0 : index
    %get3A_16 = vector.load %arg1[%get3A_14, %get3A_15] : memref<128x128xf32, #tpu.memory_space<vmem>>, vector<128x128xf32>
    %dot_general3A = arith.constant dense<0.000000e+00> : vector<10000x128xf32>
    %dot_general3A_17 = tpu.matmul %get3A_13, %get3A_16, %dot_general3A {dimension_numbers = #tpu.dot_dimension_numbers<[1], [0], [0], [1], [0, 0, 1, 1], [], []>, transpose_lhs_hint = false} : vector<10000x128xf32>, vector<128x128xf32>, vector<10000x128xf32> -> vector<10000x128xf32>
    %get3A_18 = arith.constant 0 : index
    %get3A_19 = vector.load %arg2[%get3A_18] : memref<128xf32, #tpu.memory_space<vmem>>, vector<128xf32>
    %broadcast_in_dim3A = vector.shape_cast %get3A_19 : vector<128xf32> to vector<1x128xf32>
    %add3A_20 = vector.broadcast %broadcast_in_dim3A : vector<1x128xf32> to vector<10000x128xf32>
    %add3A_21 = arith.addf %dot_general3A_17, %add3A_20 : vector<10000x128xf32>
    %broadcast_in_dim3A_22 = vector.shape_cast %get3A_10 : vector<10000xf32> to vector<10000x1xf32>
    %mul3A = vector.broadcast %broadcast_in_dim3A_22 : vector<10000x1xf32> to vector<10000x128xf32>
    %mul3A_23 = arith.mulf %mul3A, %add3A : vector<10000x128xf32>
    %sub3A = arith.subf %add3A_21, %mul3A_23 : vector<10000x128xf32>
    %max3A = arith.constant 0.000000e+00 : f32
    %max3A_24 = vector.broadcast %max3A : f32 to vector<10000x128xf32>
    %max3A_25 = arith.maximumf %sub3A, %max3A_24 : vector<10000x128xf32>
    %get3A_26 = arith.constant 0 : index
    %get3A_27 = arith.constant 0 : index
    %get3A_28 = vector.load %arg5[%get3A_26, %get3A_27] : memref<128x1xf32, #tpu.memory_space<vmem>>, vector<128x1xf32>
    %dot_general3A_29 = arith.constant dense<0.000000e+00> : vector<10000x1xf32>
    %dot_general3A_30 = tpu.matmul %max3A_25, %get3A_28, %dot_general3A_29 {dimension_numbers = #tpu.dot_dimension_numbers<[1], [0], [0], [1], [0, 0, 1, 1], [], []>, transpose_lhs_hint = false} : vector<10000x128xf32>, vector<128x1xf32>, vector<10000x1xf32> -> vector<10000x1xf32>
    %squeeze3A = vector.shape_cast %dot_general3A_30 : vector<10000x1xf32> to vector<10000xf32>
    %get3A_31 = arith.constant 0 : index
    %get3A_32 = arith.constant 0 : index
    %get3A_33 = vector.load %arg6[%get3A_31, %get3A_32] : memref<128x1xf32, #tpu.memory_space<vmem>>, vector<128x1xf32>
    %dot_general3A_34 = arith.constant dense<0.000000e+00> : vector<10000x1xf32>
    %dot_general3A_35 = tpu.matmul %max3A_25, %get3A_33, %dot_general3A_34 {dimension_numbers = #tpu.dot_dimension_numbers<[1], [0], [0], [1], [0, 0, 1, 1], [], []>, transpose_lhs_hint = false} : vector<10000x128xf32>, vector<128x1xf32>, vector<10000x1xf32> -> vector<10000x1xf32>
    %squeeze3A_36 = vector.shape_cast %dot_general3A_35 : vector<10000x1xf32> to vector<10000xf32>
    %get3A_37 = arith.constant 0 : index
    %get3A_38 = vector.load %arg7[%get3A_37] : memref<1xf32, #tpu.memory_space<vmem>>, vector<1xf32>
    %get3A_39 = vector.extract %get3A_38[0] : f32 from vector<1xf32>
    %add3A_40 = vector.broadcast %get3A_39 : f32 to vector<10000xf32>
    %add3A_41 = arith.addf %squeeze3A, %add3A_40 : vector<10000xf32>
    %swap3A = arith.constant 0 : index
    %swap3A_42 = vector.load %arg8[%swap3A] : memref<10000xf32, #tpu.memory_space<vmem>>, vector<10000xf32>
    tpu.vector_store %arg8[%swap3A], %add3A_41 {strides = array<i32>} : memref<10000xf32, #tpu.memory_space<vmem>>, vector<10000xf32>,
    %mul3A_43 = arith.mulf %get3A_10, %squeeze3A_36 : vector<10000xf32>
    %swap3A_44 = arith.constant 0 : index
    %swap3A_45 = vector.load %arg9[%swap3A_44] : memref<10000xf32, #tpu.memory_space<vmem>>, vector<10000xf32>
    tpu.vector_store %arg9[%swap3A_44], %mul3A_43 {strides = array<i32>} : memref<10000xf32, #tpu.memory_space<vmem>>, vector<10000xf32>,
    return
  }
}

</mosaic_0001>

<sc_bundles>
// kernel: kernel.10.cloned.1.call-start
scs
__scs_entry_jumppad:
0x0: {  	(pc) =	sbr.rel $0x88, $3  }
0x1: {  	(tag) =	ssettag $0x0;
	lr =	simm.s32 $0x1  }
0x2: {  	[smem:$0x3F99] =	sst lr;
	_ =	strace $0xD0000000  }
0x3: {  	_ = 	snop  }
0x4: {  	_ = 	snop  }
0x5: {  	_ = 	snop  }
0x6: {  	_ = 	snop  }
0x7: {  	_ = 	snop  }
__scs_overlays_trampoline_lowered:
0x8: {  	[smem:$0x3FA8] =	sst s0  }
0x9: {  	[smem:$0x3FA9] =	sst s1  }
0xa: {  	[smem:$0x3FAA] =	sst s2  }
0xb: {  	[smem:$0x3FAB] =	sst s3  }
0xc: {  	[smem:$0x3FAC] =	sst s4  }
0xd: {  	[smem:$0x3FAD] =	sst s5  }
0xe: {  	[smem:$0x3FAE] =	sst s6  }
0xf: {  	[smem:$0x3FAF] =	sst s7  }
0x10: {  	[smem:$0x3FB0] =	sst s8  }
0x11: {  	[smem:$0x3FB1] =	sst s9;
	s0 =	simm.s32 @!p0 $0x0  }
0x12: {  	s1 =	sld [smem:$0x3F97];
	s0 =	simm.s32 @p0 $0x1  }
0x13: {  	[smem:$0x3FB2] =	sst s0;
	s0 =	simm.s32 @!p1 $0x0  }
0x14: {  	s2 =	sld [smem:$0x3F96];
	s0 =	simm.s32 @p1 $0x1  }
0x15: {  	[smem:$0x3FB3] =	sst s0;
	s0 =	simm.s32 @!p2 $0x0  }
0x16: {  	s3 =	sld [smem:$0x3FDB];
	s0 =	simm.s32 @p2 $0x1  }
0x17: {  	s4 =	simm.s32 $0x1BF5;
	[smem:$0x3FB5] =	sst s0  }
0x18: {  	s0 =	sld [smem:$0x3F98];
	_ =	swait.ge [sflag:s4], $0x0  }
0x19: {  	s7 =	sld [smem:$0x3F99]  }
0x1a: {  	s8 =	sadd.s32 $0xFFFFE003, lr  }
0x1b: {  	s9 =	sadd.s32 $0xFFFFFEF7, lr;
	s5 =	simm.s32 $0xFFFFFFFF;
	p2 =	slt.u32 s8, $0xFFFFF086  }
0x1c: {  	p1 =	slt.u32 s9, $0xF7A;
	s5 =	simm.s32 @!p2 $0x0  }
0x1d: {  	s5 =	simm.s32 @p1 $0x1;
	p0 =	seq.s32 s7, s2  }
0x1e: {  	s7 =	smul.u32 @!p0 $0xF7A, s2;
	p2 =	seq.s32 @!p0 s5, $0x0  }
0x1f: {  	s9 =	smul.u32 $0xF7A, s1;
	s8 =	simm.s32 @!p0 $0x1BF5;
	p2 =	por !p2, p0  }
0x20: {  	[sflag:s8] =	ssyncset.s32 @!p0 $0xFFFFF086;
	s6 =	sadd.s32 @!p0 s3, s7;
	s7 =	simm.s32 @!p0 $0x108  }
0x21: {  	s3 =	sadd.s32 s3, s9;
	s6 =	sadd.s32 @!p0 $0x88, s6;
	s7 =	simm.s32 @p2 $0x1082  }
0x22: {  	[simem:s7], [sflag:s8] =	dma.local @!p0 [hbm:s6], $0xF7A  }
0x23: {  	s9 =	sor.u32 $0xD0000000, s2;
	s6 =	simm.s32 $0x108;
	_ =	swait.ge @!p0 [sflag:s8], $0x0  }
0x24: {  	s3 =	sadd.s32 $0x88, s3;
	s6 =	simm.s32 @!p1 $0x1082;
	[sflag:s4] =	ssyncset.s32 $0xFFFFF086  }
0x25: {  	[simem:s6], [sflag:s4] =	dma.local [hbm:s3], $0xF7A  }
0x26: {  	[smem:$0x3F99] =	sst s1;
	(tag) =	ssettag s2;
	_ =	strace s9  }
0x27: {  	s1 =	sld [smem:$0x3FA9]  }
0x28: {  	s2 =	sld [smem:$0x3FAA]  }
0x29: {  	s4 =	sld [smem:$0x3FAC]  }
0x2a: {  	p0 =	seq.s32 s5, $0x0;
	s5 =	sld [smem:$0x3FAD]  }
0x2b: {  	s6 =	sld [smem:$0x3FAE]  }
0x2c: {  	s7 =	sld [smem:$0x3FAF]  }
0x2d: {  	s3 =	simm.s32 $0x108;
	s8 =	sld [smem:$0x3FB0]  }
0x2e: {  	s3 =	simm.s32 @!p0 $0x1082;
	s9 =	sld [smem:$0x3FB1]  }
0x2f: {  	lr =	sadd.s32 s0, s3;
	s0 =	sld [smem:$0x3FA8]  }
0x30: {  	s3 =	sld [smem:$0x3FAB]  }
0x31: {  	[smem:$0x3FB4] =	sst s10  }
0x32: {  	s10 =	sld [smem:$0x3FB2];
	_ =	sdelay $0x3  }
0x33: {  	p0 =	seq.s32 s10, $0x1;
	s10 =	sld [smem:$0x3FB4];
	_ =	sdelay $0x3  }
0x34: {  	[smem:$0x3FB4] =	sst s10  }
0x35: {  	s10 =	sld [smem:$0x3FB3];
	_ =	sdelay $0x3  }
0x36: {  	p1 =	seq.s32 s10, $0x1;
	s10 =	sld [smem:$0x3FB4];
	_ =	sdelay $0x3  }
0x37: {  	[smem:$0x3FB4] =	sst s10  }
0x38: {  	s10 =	sld [smem:$0x3FB5]  }
0x39: {  	_ = 	snop;
	(pc) =	sbr.ind lr, $3  }
0x3a: {  	_ = 	snop  }
0x3b: {  	_ = 	snop  }
0x3c: {  	p2 =	seq.s32 s10, $0x1;
	s10 =	sld [smem:$0x3FB4]  }
0x3d: {  	_ =	shalt  }
0x3e: {  	_ =	shalt  }
0x3f: {  	_ =	shalt  }
0x40: {  	_ =	shalt  }
0x41: {  	_ =	shalt  }
0x42: {  	_ =	shalt  }
0x43: {  	_ =	shalt  }
0x44: {  	_ =	shalt  }
0x45: {  	_ =	shalt  }
0x46: {  	_ =	shalt  }
0x47: {  	_ =	shalt  }
0x48: {  	_ =	shalt  }
0x49: {  	_ =	shalt  }
0x4a: {  	_ =	shalt  }
0x4b: {  	_ =	shalt  }
0x4c: {  	_ =	shalt  }
0x4d: {  	_ =	shalt  }
0x4e: {  	_ =	shalt  }
0x4f: {  	_ =	shalt  }
0x50: {  	_ =	shalt  }
0x51: {  	_ =	shalt  }
0x52: {  	_ =	shalt  }
0x53: {  	_ =	shalt  }
0x54: {  	_ =	shalt  }
0x55: {  	_ =	shalt  }
0x56: {  	_ =	shalt  }
0x57: {  	_ =	shalt  }
0x58: {  	_ =	shalt  }
0x59: {  	_ =	shalt  }
0x5a: {  	_ =	shalt  }
0x5b: {  	_ =	shalt  }
0x5c: {  	_ =	shalt  }
0x5d: {  	_ =	shalt  }
0x5e: {  	_ =	shalt  }
0x5f: {  	_ =	shalt  }
0x60: {  	_ =	shalt  }
0x61: {  	_ =	shalt  }
0x62: {  	_ =	shalt  }
0x63: {  	_ =	shalt  }
0x64: {  	_ =	shalt  }
0x65: {  	_ =	shalt  }
0x66: {  	_ =	shalt  }
0x67: {  	_ =	shalt  }
0x68: {  	_ =	shalt  }
0x69: {  	_ =	shalt  }
0x6a: {  	_ =	shalt  }
0x6b: {  	_ =	shalt  }
0x6c: {  	_ =	shalt  }
0x6d: {  	_ =	shalt  }
0x6e: {  	_ =	shalt  }
0x6f: {  	_ =	shalt  }
0x70: {  	_ =	shalt  }
0x71: {  	_ =	shalt  }
0x72: {  	_ =	shalt  }
0x73: {  	_ =	shalt  }
0x74: {  	_ =	shalt  }
0x75: {  	_ =	shalt  }
0x76: {  	_ =	shalt  }
0x77: {  	_ =	shalt  }
0x78: {  	_ =	shalt  }
0x79: {  	_ =	shalt  }
0x7a: {  	_ =	shalt  }
0x7b: {  	_ =	shalt  }
0x7c: {  	_ =	shalt  }
0x7d: {  	_ =	shalt  }
0x7e: {  	_ =	shalt  }
0x7f: {  	_ =	shalt  }
0x80: {  	_ =	shalt  }
0x81: {  	_ =	shalt  }
0x82: {  	_ =	shalt  }
0x83: {  	_ =	shalt  }
0x84: {  	_ =	shalt  }
0x85: {  	_ =	shalt  }
0x86: {  	_ =	shalt  }
0x87: {  	_ =	shalt  }
.Lfunc_end0:
.L_simem_size_0:
called_computation.1_lowered:
.L_overlay_start_0:
0x88: {  	s2 =	sld [smem:$0x3FD9]  }
0x89: {  	s3 =	sld [smem:$0x3FFE];
	_ =	sdelay $0x1  }
0x8a: {  	s1 =	srdreg.scid  }
0x8b: {  	s0 =	sand.u32 $0x1, s1  }
0x8c: {  	s16 =	sshll.u32 s0, $0xA;
	s2 =	sadd.s32 s3, s2  }
0x8d: {  	s2 =	sadd.s32 s2, s16  }
0x8e: {  	[smem:$0x3FC0] =	sst s2  }
0x8f: {  	_ = 	snop  }
0x90: {  	(tm) =	ssettm $0x1  }
0x91: {  	s17 =	sld [smem:$0x3FFB];
	_ =	sdelay $0x3  }
0x92: {  	_ =	strace s17  }
0x93: {  	s2 =	sld [smem:$0x3FFC];
	_ =	sdelay $0x3  }
0x94: {  	_ =	strace s2  }
0x95: {  	s2 =	sld [smem:$0x3FFD];
	_ =	sdelay $0x3  }
0x96: {  	_ =	strace s2  }
0x97: {  	_ =	strace $0x8FFFFFFF  }
0x98: {  	s18 =	sld [smem:$0x3FDB];
	_ =	sdelay $0x1  }
0x99: {  	s19 =	simm.s32 $_scs_section_size  }
0x9a: {  	s4 =	simm.s32 $_size__tile_overlayer_lowered;
	s5 =	simm.s32 $_tile_overlayer_lowered  }
0x9b: {  	s22 =	simm.s32 $0x1BFF;
	s21 =	sshll.u32 s5, $0x1;
	s2 =	sadd.s32 s19, s18  }
0x9c: {  	s6 =	simm.s32 $0x0;
	s20 =	sshll.u32 s4, $0x1;
	s4 =	sadd.s32 s21, s2  }
0x9d: {  	[timem:s6], [sflag:s22] =	dma.local [hbm:s4], s20  }
0x9e: {  	_ =	swait.ge [sflag:s22], s20  }
0x9f: {  	s3 =	ssub.s32 $0x0, s20;
	[sflag:s22] =	ssyncset.done $0x0  }
0xa0: {  	[sflag:s22] =	ssyncadd.s32 s3;
	_ =	sdelay $0x1  }
0xa1: {  	s23 =	simm.s32 $0x1B8B  }
0xa2: {  	_ =	swait.ge [sflag:s23], $0x1  }
0xa3: {  	[sflag:s23] =	ssyncset.done $0x0  }
0xa4: {  	s25 =	simm.s32 $0x1B8E;
	s24 =	sld [smem:$0x3FFE];
	[sflag:s23] =	ssyncadd.s32 $0xFFFFFFFF  }
0xa5: {  	s26 =	simm.s32 $execute0_lowered;
	[smem:$0x3FD2] =	sst s25  }
0xa6: {  	s4 =	sshll.u32 s26, $0x1;
	_ =	strace $0x80000049;
	[dreg:$0x1] =	wrdreg $0xFFFFFFFF  }
0xa7: {  	s28 =	simm.s32 $_size_execute0_lowered;
	s2 =	sadd.s32 s2, s4;
	[dreg:$0x0] =	wrdreg $0x0  }
0xa8: {  	s4 =	sshll.u32 s28, $0x1;
	[dreg:$0x2] =	wrdreg s2  }
0xa9: {  	[dreg:$0x3] =	wrdreg s4  }
0xaa: {  	[dreg:$0x4] =	wrdreg $0xC0  }
0xab: {  	_ =	task [dreg:s6], $0x5FFFF  }
0xac: {  	[dreg:$0x1] =	wrdreg $0xFFFFFFFF  }
0xad: {  	[dreg:$0x0] =	wrdreg $0x60  }
0xae: {  	[dreg:$0x2] =	wrdreg s24  }
0xaf: {  	[dreg:$0x3] =	wrdreg $0xA8000  }
0xb0: {  	[dreg:$0x4] =	wrdreg $0x9  }
0xb1: {  	_ =	task.clear_ibuf [dreg:s6], $0x5FFFF;
	_ =	strace $0x90000049  }
0xb2: {  	s29 =	simm.s32 $0x9;
	_ =	strace $0x8000004B  }
0xb3: {  	_ =	swait.ge [sflag:s29], $0x1  }
0xb4: {  	[sflag:s29] =	ssyncadd.s32 $0xFFFFFFFF  }
0xb5: {  	_ =	strace $0x9000004B  }
0xb6: {  	_ =	sfence  }
0xb7: {  	s30 =	sld [smem:$0x0];
	_ =	sdelay $0x2  }
0xb8: {  	s31 =	sshll.u32 s1, $0xD;
	s1 =	sshrl.u32 s1, $0x2  }
0xb9: {  	s3 =	sand.u32 $0x4000, s31;
	s1 =	sadd.s32 s1, s30  }
0xba: {  	s0 =	sor.u32 s3, s0;
	s1 =	sshll.u32 s1, $0x11  }
0xbb: {  	s0 =	sor.u32 s1, s0  }
0xbc: {  	s0 =	sadd.s32 $0x8F2B, s0  }
0xbd: {  	[sflag:s0] =	ssyncadd.remote.s32 $0x1  }
0xbe: {  	_ =	sfence.sel $0xFFFF  }
0xbf: {  	[dreg:$0x0] =	wrdreg $0xFFFFFFFF;
	(pc) =	sbr.abs _section_cstart, $3  }
0xc0: {  	[dreg:$0x1] =	wrdreg $0xFFFFFFFF  }
0xc1: {  	_ =	task.clear_ibuf [dreg:s6], $0x2FFFF;
	_ =	strace $0x9FFFFFFF  }
0xc2: {  	(tm) =	ssettm $0x7FFFFFFF  }
0xc3: {  	_ =	shalt  }
tec
execute0_lowered:
.L_overlay_start_1:
0x0: {  	(tag) =	ssettag $0x1  }
0x1: {  	s0 =	rddreg [dreg:$0x0]  }
0x2: {  	s1 =	rddreg [dreg:$0x1];
	s2 =	srdreg.scid;
	s3 =	simm.s32 $0x0  }
0x3: {  	s15 =	stileid.u32;
	s28 =	simm.s32 $0xA200;
	s29 =	simm.s32 $0xA600  }
0x4: {  	s2 =	sand.u32 $0x1, s2;
	[smem:$0x7FF] =	sst s3;
	s9 =	smul.u32 $0x14000, s15  }
0x5: {  	s16 =	sadd.s32 $0xBA00, s0;
	s17 =	sadd.s32 $0x1C00, s0;
	s26 =	smul.u32 $0x2710, s15  }
0x6: {  	s4 =	sshll.u32 s2, $0x4;
	_ =	strace $0x8000004A;
	s21 =	smul.u32 $0x140000, s2  }
0x7: {  	s6 =	ssub.s32 $0x2, s2;
	s2 =	smul.u32 $0x27100, s2;
	[dreg:$0x4] =	wrdreg s17  }
0x8: {  	[dreg:$0x3] =	wrdreg s16;
	s4 =	sor.u32 s15, s4;
	s7 =	sshrl.u32 s6, $0x1  }
0x9: {  	s10 =	sadd.s32 $0x4000, s9;
	s13 =	sadd.s32 $0x8000, s9;
	s5 =	smul.u32 $0x2710, s4  }
0xa: {  	s4 =	sadd.s32 $0x15800, s0;
	s0 =	sadd.s32 $0x3CA00, s0;
	s11 =	sadd.s32 s21, s9  }
0xb: {  	s6 =	ssub.s32 s6, s7;
	s12 =	sadd.s32 s21, s10;
	s11 =	sshrl.u32 s11, $0x3  }
0xc: {  	s14 =	sadd.s32 s21, s13;
	s12 =	sshrl.u32 s12, $0x3;
	s11 =	sadd.s32 s0, s11  }
0xd: {  	s24 =	sshrl.u32 s14, $0x3;
	s23 =	sadd.s32 s0, s12;
	[dreg:$0x9] =	wrdreg s11  }
0xe: {  	s5 =	sshrl.u32 s5, $0x3;
	[dreg:$0xa] =	wrdreg s23;
	s11 =	sadd.s32 s0, s24  }
0xf: {  	s18 =	sadd.s32 $0xA, s5;
	s24 =	sadd.s32 s16, s5;
	[dreg:$0xb] =	wrdreg s11  }
0x10: {  	s19 =	sadd.s32 $0x14, s5;
	s8 =	sadd.s32 s16, s18;
	[dreg:$0x16] =	wrdreg s24  }
0x11: {  	s14 =	sadd.s32 $0x28, s5;
	s7 =	sadd.s32 s17, s18;
	[dreg:$0x5] =	wrdreg s8  }
0x12: {  	s20 =	sadd.s32 s16, s19;
	s11 =	sadd.s32 $0xC000, s9;
	[dreg:$0x6] =	wrdreg s7  }
0x13: {  	s9 =	sadd.s32 $0x10000, s9;
	s18 =	sadd.s32 s16, s14;
	[dreg:$0x7] =	wrdreg s20  }
0x14: {  	s8 =	sadd.s32 s17, s19;
	[dreg:$0x10] =	wrdreg s18;
	s19 =	sadd.s32 $0x32, s5  }
0x15: {  	s25 =	sadd.s32 s21, s11;
	[dreg:$0x8] =	wrdreg s8;
	s20 =	sadd.s32 s16, s19  }
0x16: {  	s12 =	sshrl.u32 s25, $0x3;
	s25 =	sadd.s32 s17, s5;
	[dreg:$0x12] =	wrdreg s20  }
0x17: {  	s7 =	sadd.s32 s21, s9;
	s8 =	smax.u32 s6, $0x1;
	[dreg:$0x17] =	wrdreg s25  }
0x18: {  	s7 =	sshrl.u32 s7, $0x3;
	s12 =	sadd.s32 s0, s12;
	[dreg:$0x1a] =	wrdreg s8  }
0x19: {  	s22 =	sadd.s32 $0x1E, s5;
	s0 =	sadd.s32 s0, s7;
	[dreg:$0xc] =	wrdreg s12  }
0x1a: {  	s23 =	smul.u32 $0x50000, s15;
	s7 =	sadd.s32 s16, s22;
	[dreg:$0xd] =	wrdreg s0  }
0x1b: {  	s21 =	sadd.s32 $0x3C, s5;
	[dreg:$0xe] =	wrdreg s7;
	s12 =	sadd.s32 s17, s22  }
0x1c: {  	s0 =	sadd.s32 s26, s2;
	s2 =	sadd.s32 s17, s14;
	[dreg:$0xf] =	wrdreg s12  }
0x1d: {  	s5 =	sadd.s32 $0x46, s5;
	s22 =	sadd.s32 s16, s21;
	[dreg:$0x11] =	wrdreg s2  }
0x1e: {  	s6 =	sadd.s32 s11, s1;
	s26 =	sadd.s32 s16, s5;
	[dreg:$0x14] =	wrdreg s22  }
0x1f: {  	s8 =	sadd.s32 s9, s1;
	s5 =	sadd.s32 s17, s5;
	[dreg:$0x18] =	wrdreg s26  }
0x20: {  	s2 =	sadd.s32 s17, s19;
	[dreg:$0x19] =	wrdreg s5;
	s11 =	sadd.s32 $0x460, s0  }
0x21: {  	s14 =	sadd.s32 $0x410, s0;
	s20 =	sadd.s32 $0x3C0, s0;
	s22 =	sadd.s32 $0x370, s0  }
0x22: {  	s25 =	sadd.s32 $0x320, s0;
	s26 =	sadd.s32 $0x2D0, s0;
	[dreg:$0x13] =	wrdreg s2  }
0x23: {  	s2 =	sadd.s32 s17, s21;
	s9 =	sshrl.u32 s11, $0x3;
	s15 =	sshrl.u32 s14, $0x3  }
0x24: {  	s21 =	sshrl.u32 s20, $0x3;
	[dreg:$0x15] =	wrdreg s2;
	s18 =	sadd.s32 s9, s17  }
0x25: {  	s24 =	sshrl.u32 s22, $0x3;
	s9 =	sadd.s32 s9, s16;
	[dreg:$0x1e] =	wrdreg s18  }
0x26: {  	s11 =	sshrl.u32 s26, $0x3;
	s19 =	sadd.s32 s15, s17;
	[dreg:$0x1f] =	wrdreg s9  }
0x27: {  	s2 =	sshrl.u32 s23, $0x2;
	s23 =	sadd.s32 s21, s17;
	[smem:$0x7E8] =	sst s19  }
0x28: {  	s14 =	sadd.s32 s11, s17;
	s12 =	sadd.s32 s2, s1;
	[smem:$0x7EA] =	sst s23  }
0x29: {  	s2 =	sadd.s32 s10, s1;
	s9 =	sadd.s32 s24, s17;
	[smem:$0x7F0] =	sst s14  }
0x2a: {  	s10 =	sadd.s32 $0x4B0, s0;
	s0 =	sadd.s32 $0x280, s0;
	[smem:$0x7EC] =	sst s9  }
0x2b: {  	s30 =	simm.s32 $0x50;
	s18 =	sshrl.u32 s6, $0x3;
	[smem:$0x7F2] =	sst s0  }
0x2c: {  	s31 =	simm.s32 $0x4;
	s19 =	sshrl.u32 s8, $0x3;
	[smem:$0x7F5] =	sst s18  }
0x2d: {  	s5 =	sadd.s32 s13, s1;
	s6 =	simm.s32 $0x2;
	[smem:$0x7F6] =	sst s19  }
0x2e: {  	s8 =	simm.s32 $0x3;
	s20 =	sadd.s32 $0x2800, s12;
	[dreg:$0x1b] =	wrdreg s12  }
0x2f: {  	s7 =	sshrl.u32 s10, $0x3;
	s22 =	sadd.s32 $0x7800, s12;
	[smem:$0x7F7] =	sst s20  }
0x30: {  	s9 =	sshrl.u32 s25, $0x3;
	s23 =	sadd.s32 $0xA000, s12;
	[smem:$0x7F9] =	sst s22  }
0x31: {  	s25 =	sadd.s32 $0xF000, s12;
	s26 =	sadd.s32 $0x11800, s12;
	[smem:$0x7FA] =	sst s23  }
0x32: {  	s18 =	simm.s32 $0x2800;
	s19 =	simm.s32 $0xB;
	[smem:$0x7FC] =	sst s25  }
0x33: {  	s0 =	simm.s32 $0x6;
	s13 =	sadd.s32 s7, s17;
	[smem:$0x7FD] =	sst s26  }
0x34: {  	s10 =	simm.s32 $0x0;
	s7 =	sadd.s32 s7, s16;
	[dreg:$0x1c] =	wrdreg s13  }
0x35: {  	s22 =	simm.s32 $0xA;
	[dreg:$0x1d] =	wrdreg s7;
	s7 =	sadd.s32 s15, s16  }
0x36: {  	s23 =	simm.s32 $0x5000;
	s13 =	sadd.s32 s9, s17;
	[smem:$0x7E9] =	sst s7  }
0x37: {  	s25 =	simm.s32 $0x7800;
	s15 =	sadd.s32 s11, s16;
	[smem:$0x7EE] =	sst s13  }
0x38: {  	s26 =	simm.s32 $0x1;
	s17 =	sshrl.u32 s5, $0x3;
	[smem:$0x7F1] =	sst s15  }
0x39: {  	s20 =	simm.s32 $0xD;
	s7 =	sadd.s32 s21, s16;
	[smem:$0x7F4] =	sst s17  }
0x3a: {  	s5 =	simm.s32 $0x5;
	s21 =	sadd.s32 $0x5000, s12;
	[smem:$0x7EB] =	sst s7  }
.Ltmp0:
0x3b: {  	s7 =	sadd.s32 s24, s16;
	[smem:$0x7F8] =	sst s21;
	(pc) =	sbr.rel .LBB2_1-.Ltmp0, $4  }
0x3c: {  	s13 =	simm.s32 $0x11;
	s24 =	sadd.s32 $0xC800, s12;
	[smem:$0x7ED] =	sst s7  }
0x3d: {  	s21 =	simm.s32 $0x9;
	s7 =	sadd.s32 s9, s16;
	[smem:$0x7FB] =	sst s24  }
0x3e: {  	s16 =	sshrl.u32 s2, $0x3;
	s24 =	simm.s32 $0xC;
	[smem:$0x7EF] =	sst s7  }
0x3f: {  	v0 =	vimm.f32 $0.0e+00;
	s2 =	simm.s32 $0x7;
	[smem:$0x7F3] =	sst s16;
	s7 =	simm.s32 $0x8  }
.LBB2_6:
0x40: {  	_ =	swait.ge [sflag:s0], $0x2800  }
0x41: {  	[sflag:s0] =	ssyncset.done $0x0  }
0x42: {  	[sflag:s0] =	ssyncadd.s32 $0xFFFFD800  }
0x43: {  	_ =	swait.ge [sflag:s2], $0x2800  }
0x44: {  	[sflag:s2] =	ssyncset.done $0x0  }
0x45: {  	[sflag:s2] =	ssyncadd.s32 $0xFFFFD800  }
0x46: {  	_ =	swait.ge [sflag:s7], $0x2800  }
0x47: {  	[sflag:s7] =	ssyncset.done $0x0  }
0x48: {  	[sflag:s7] =	ssyncadd.s32 $0xFFFFD800  }
0x49: {  	_ =	swait.ge [sflag:s5], $0x2800  }
0x4a: {  	[sflag:s5] =	ssyncset.done $0x0  }
0x4b: {  	[sflag:s5] =	ssyncadd.s32 $0xFFFFD800  }
0x4c: {  	s9 =	stileid.u32;
	[bflag:$0x0] =	sbarrier.arrive $0xFFFF  }
0x4d: {  	s13 =	simm.s32 $0x11;
	s9 =	sshll.u32 s9, $0x6;
	s12 =	rddreg [dreg:$0x1b]  }
0x4e: {  	s9 =	sor.u32 $0x1C11, s9;
	s11 =	rddreg [dreg:$0x9];
	s10 =	sshrl.u32 s12, $0x3  }
0x4f: {  	[hbm:s11], [sflag:s9] =	dma.local [spmem:s10], $0x800  }
0x50: {  	_ =	swait.ge [sflag:s13], $0x800  }
0x51: {  	s17 =	sld [smem:$0x7F3]  }
0x52: {  	[sflag:s13] =	ssyncset.done $0x0  }
0x53: {  	s16 =	rddreg [dreg:$0xa];
	[sflag:s13] =	ssyncadd.s32 $0xFFFFF800  }
0x54: {  	[hbm:s16], [sflag:s9] =	dma.local [spmem:s17], $0x800  }
0x55: {  	_ =	swait.ge [sflag:s13], $0x800  }
0x56: {  	s15 =	sld [smem:$0x7F4]  }
0x57: {  	[sflag:s13] =	ssyncset.done $0x0  }
0x58: {  	s14 =	rddreg [dreg:$0xb];
	[sflag:s13] =	ssyncadd.s32 $0xFFFFF800  }
0x59: {  	[hbm:s14], [sflag:s9] =	dma.local [spmem:s15], $0x800  }
0x5a: {  	_ =	swait.ge [sflag:s13], $0x800  }
0x5b: {  	s17 =	sld [smem:$0x7F5]  }
0x5c: {  	[sflag:s13] =	ssyncset.done $0x0  }
0x5d: {  	s16 =	rddreg [dreg:$0xc];
	[sflag:s13] =	ssyncadd.s32 $0xFFFFF800  }
0x5e: {  	[hbm:s16], [sflag:s9] =	dma.local [spmem:s17], $0x800  }
0x5f: {  	_ =	swait.ge [sflag:s13], $0x800  }
0x60: {  	s15 =	sld [smem:$0x7F6]  }
0x61: {  	[sflag:s13] =	ssyncset.done $0x0  }
0x62: {  	s14 =	rddreg [dreg:$0xd];
	[sflag:s13] =	ssyncadd.s32 $0xFFFFF800  }
0x63: {  	[hbm:s14], [sflag:s9] =	dma.local [spmem:s15], $0x800  }
0x64: {  	_ =	swait.ge [sflag:s13], $0x800  }
0x65: {  	s16 =	sld [smem:$0x7E7];
	_ =	sdelay $0x2  }
0x66: {  	s17 =	rddreg [dreg:$0x1a];
	s10 =	sadd.s32 $0x1, s16  }
0x67: {  	p0 =	sne.s32 s10, s17  }
.Ltmp1:
0x68: {  	_ = 	snop;
	(pc) =	sbr.rel @!p0 .LBB2_7-.Ltmp1, $3  }
0x69: {  	_ =	sdelay $0x1  }
0x6a: {  	[sflag:s13] =	ssyncset.done $0x0  }
0x6b: {  	[sflag:s13] =	ssyncadd.s32 $0xFFFFF800  }
.LBB2_1:
0x6c: {  	[smem:$0x7E7] =	sst s10;
	s9 =	simm.s32 $0x0;
	s10 =	simm.s32 $0x200  }
.LBB2_2:
0x6d: {  	p0 =	sne.s32 s10, $0x9E00;
	[tilespmem:s9+$0x70] =	vst v0  }
0x6e: {  	[tilespmem:s9+$0x0] =	vst v0  }
0x6f: {  	[tilespmem:s9+$0x10] =	vst v0  }
.Ltmp2:
0x70: {  	[tilespmem:s9+$0x20] =	vst v0;
	(pc) =	sbr.rel @p0 .LBB2_2-.Ltmp2, $4  }
0x71: {  	[tilespmem:s9+$0x30] =	vst v0  }
0x72: {  	[tilespmem:s9+$0x40] =	vst v0  }
0x73: {  	[tilespmem:s9+$0x50] =	vst v0  }
0x74: {  	[tilespmem:s9+$0x60] =	vst v0;
	s9 =	sshra.s32 s10, $0x2;
	s10 =	sadd.s32 $0x200, s10  }
0x75: {  	[tilespmem:s9+$0x70] =	vst v0  }
0x76: {  	[tilespmem:s9+$0x0] =	vst v0  }
0x77: {  	[tilespmem:s9+$0x10] =	vst v0  }
0x78: {  	[tilespmem:s9+$0x20] =	vst v0  }
0x79: {  	[tilespmem:s9+$0x30] =	vst v0  }
0x7a: {  	[tilespmem:s9+$0x40] =	vst v0  }
0x7b: {  	[tilespmem:s9+$0x50] =	vst v0  }
0x7c: {  	[tilespmem:s9+$0x60] =	vst v0;
	s9 =	simm.s32 $0x0  }
0x7d: {  	[spmem:s12] =	stream.linear.scatter [tilespmem:s9], [sflag:$0x11], $0x2800, $0x38;
	[tilespmem:$0x1E800] =	vst v63  }
0x7e: {  	_ =	swait.ge [sflag:s13], $0x2800  }
0x7f: {  	s10 =	sld [smem:$0x7F7]  }
0x80: {  	[sflag:s13] =	ssyncset.done $0x0  }
0x81: {  	[sflag:s13] =	ssyncadd.s32 $0xFFFFD800  }
0x82: {  	[spmem:s10] =	stream.linear.scatter [tilespmem:s9], [sflag:$0x11], $0x2800, $0x38;
	[tilespmem:$0x1E800] =	vst v63  }
0x83: {  	_ =	swait.ge [sflag:s13], $0x2800  }
0x84: {  	s15 =	sld [smem:$0x7F8]  }
0x85: {  	[sflag:s13] =	ssyncset.done $0x0  }
0x86: {  	[sflag:s13] =	ssyncadd.s32 $0xFFFFD800  }
0x87: {  	[spmem:s15] =	stream.linear.scatter [tilespmem:s9], [sflag:$0x11], $0x2800, $0x38;
	[tilespmem:$0x1E800] =	vst v63  }
0x88: {  	_ =	swait.ge [sflag:s13], $0x2800  }
0x89: {  	s16 =	sld [smem:$0x7F9]  }
0x8a: {  	[sflag:s13] =	ssyncset.done $0x0  }
0x8b: {  	[sflag:s13] =	ssyncadd.s32 $0xFFFFD800  }
0x8c: {  	[spmem:s16] =	stream.linear.scatter [tilespmem:s9], [sflag:$0x11], $0x2800, $0x38;
	[tilespmem:$0x1E800] =	vst v63  }
0x8d: {  	_ =	swait.ge [sflag:s13], $0x2800  }
0x8e: {  	s17 =	sld [smem:$0x7FA]  }
0x8f: {  	[sflag:s13] =	ssyncset.done $0x0  }
0x90: {  	[sflag:s13] =	ssyncadd.s32 $0xFFFFD800  }
0x91: {  	[spmem:s17] =	stream.linear.scatter [tilespmem:s9], [sflag:$0x11], $0x2800, $0x38;
	[tilespmem:$0x1E800] =	vst v63  }
0x92: {  	_ =	swait.ge [sflag:s13], $0x2800  }
0x93: {  	s11 =	sld [smem:$0x7FB]  }
0x94: {  	[sflag:s13] =	ssyncset.done $0x0  }
0x95: {  	[sflag:s13] =	ssyncadd.s32 $0xFFFFD800  }
0x96: {  	[spmem:s11] =	stream.linear.scatter [tilespmem:s9], [sflag:$0x11], $0x2800, $0x38;
	[tilespmem:$0x1E800] =	vst v63  }
0x97: {  	_ =	swait.ge [sflag:s13], $0x2800  }
0x98: {  	s12 =	sld [smem:$0x7FC]  }
0x99: {  	[sflag:s13] =	ssyncset.done $0x0  }
0x9a: {  	[sflag:s13] =	ssyncadd.s32 $0xFFFFD800  }
0x9b: {  	[spmem:s12] =	stream.linear.scatter [tilespmem:s9], [sflag:$0x11], $0x2800, $0x38;
	[tilespmem:$0x1E800] =	vst v63  }
0x9c: {  	_ =	swait.ge [sflag:s13], $0x2800  }
0x9d: {  	s14 =	sld [smem:$0x7FD]  }
0x9e: {  	[sflag:s13] =	ssyncset.done $0x0  }
0x9f: {  	[sflag:s13] =	ssyncadd.s32 $0xFFFFD800  }
0xa0: {  	[spmem:s14] =	stream.linear.scatter [tilespmem:s9], [sflag:$0x11], $0x2800, $0x38;
	[tilespmem:$0x1E800] =	vst v63  }
0xa1: {  	_ =	swait.ge [sflag:s13], $0x2800  }
0xa2: {  	[sflag:s13] =	ssyncset.done $0x0  }
0xa3: {  	[sflag:s13] =	ssyncadd.s32 $0xFFFFD800  }
0xa4: {  	[bflag:$0x0] =	sbarrier.arrive $0xFFFF  }
0xa5: {  	s11 =	simm.s32 $0xA000;
	s15 =	rddreg [dreg:$0x16]  }
0xa6: {  	[tilespmem:s11], [sflag:$0x9] =	stream.linear.gather [hbm4b:s15+s9], $0x50, $0x38;
	[tilespmem:$0x1E800] =	vst v63  }
0xa7: {  	s17 =	simm.s32 $0xA400;
	s16 =	rddreg [dreg:$0x17]  }
0xa8: {  	[tilespmem:s17], [sflag:$0x9] =	stream.linear.gather [hbm4b:s16+s9], $0x50, $0x38;
	[tilespmem:$0x1E800] =	vst v63  }
0xa9: {  	s12 =	simm.s32 $0xA080;
	s13 =	rddreg [dreg:$0x5]  }
0xaa: {  	[tilespmem:s12], [sflag:$0xA] =	stream.linear.gather [hbm4b:s13+s9], $0x50, $0x38;
	[tilespmem:$0x1E800] =	vst v63  }
0xab: {  	s14 =	rddreg [dreg:$0x6];
	s15 =	simm.s32 $0xA480  }
0xac: {  	[tilespmem:s15], [sflag:$0xA] =	stream.linear.gather [hbm4b:s14+s9], $0x50, $0x38;
	[tilespmem:$0x1E800] =	vst v63  }
0xad: {  	s16 =	rddreg [dreg:$0x7];
	s13 =	simm.s32 $0xA100  }
0xae: {  	[tilespmem:s13], [sflag:$0xB] =	stream.linear.gather [hbm4b:s16+s9], $0x50, $0x38;
	[tilespmem:$0x1E800] =	vst v63  }
0xaf: {  	s17 =	rddreg [dreg:$0x8];
	s14 =	simm.s32 $0xA500  }
0xb0: {  	[tilespmem:s14], [sflag:$0xB] =	stream.linear.gather [hbm4b:s17+s9], $0x50, $0x38;
	[tilespmem:$0x1E800] =	vst v63  }
0xb1: {  	s15 =	rddreg [dreg:$0xe];
	s14 =	simm.s32 $0xA180  }
0xb2: {  	[tilespmem:s14], [sflag:$0xC] =	stream.linear.gather [hbm4b:s15+s9], $0x50, $0x38;
	[tilespmem:$0x1E800] =	vst v63  }
0xb3: {  	s16 =	rddreg [dreg:$0xf];
	s15 =	simm.s32 $0xA580  }
0xb4: {  	[tilespmem:s15], [sflag:$0xC] =	stream.linear.gather [hbm4b:s16+s9], $0x50, $0x38;
	[tilespmem:$0x1E800] =	vst v63  }
0xb5: {  	s17 =	rddreg [dreg:$0x10]  }
0xb6: {  	[tilespmem:s28], [sflag:$0xD] =	stream.linear.gather [hbm4b:s17+s9], $0x50, $0x38;
	[tilespmem:$0x1E800] =	vst v63  }
0xb7: {  	s15 =	rddreg [dreg:$0x11]  }
0xb8: {  	[tilespmem:s29], [sflag:$0xD] =	stream.linear.gather [hbm4b:s15+s9], $0x50, $0x38;
	[tilespmem:$0x1E800] =	vst v63  }
0xb9: {  	s16 =	rddreg [dreg:$0x12];
	s17 =	simm.s32 $0xA280  }
0xba: {  	[tilespmem:s17], [sflag:$0xE] =	stream.linear.gather [hbm4b:s16+s9], $0x50, $0x38;
	[tilespmem:$0x1E800] =	vst v63  }
0xbb: {  	s16 =	rddreg [dreg:$0x13];
	s17 =	simm.s32 $0xA680  }
0xbc: {  	[tilespmem:s17], [sflag:$0xE] =	stream.linear.gather [hbm4b:s16+s9], $0x50, $0x38;
	[tilespmem:$0x1E800] =	vst v63  }
0xbd: {  	s16 =	rddreg [dreg:$0x14];
	s17 =	simm.s32 $0xA300  }
0xbe: {  	[tilespmem:s17], [sflag:$0xF] =	stream.linear.gather [hbm4b:s16+s9], $0x50, $0x38;
	[tilespmem:$0x1E800] =	vst v63  }
0xbf: {  	s16 =	rddreg [dreg:$0x15];
	s17 =	simm.s32 $0xA700  }
0xc0: {  	[tilespmem:s17], [sflag:$0xF] =	stream.linear.gather [hbm4b:s16+s9], $0x50, $0x38;
	[tilespmem:$0x1E800] =	vst v63  }
0xc1: {  	s16 =	rddreg [dreg:$0x18];
	s17 =	simm.s32 $0xA380  }
0xc2: {  	[tilespmem:s17], [sflag:$0x10] =	stream.linear.gather [hbm4b:s16+s9], $0x50, $0x38;
	[tilespmem:$0x1E800] =	vst v63  }
0xc3: {  	s16 =	rddreg [dreg:$0x19];
	s17 =	simm.s32 $0xA780  }
0xc4: {  	[tilespmem:s17], [sflag:$0x10] =	stream.linear.gather [hbm4b:s16+s9], $0x50, $0x38;
	[tilespmem:$0x1E800] =	vst v63  }
0xc5: {  	_ =	swait.ge [sflag:s21], $0x50  }
0xc6: {  	[sflag:s21] =	ssyncset.done $0x0  }
0xc7: {  	[sflag:s21] =	ssyncadd.s32 $0xFFFFFFB0  }
0xc8: {  	_ =	swait.ge [sflag:s21], $0x50  }
0xc9: {  	[sflag:s21] =	ssyncset.done $0x0  }
0xca: {  	[sflag:s21] =	ssyncadd.s32 $0xFFFFFFB0  }
0xcb: {  	[tilespmem:s9], [sflag:$0x1] =	stream.indirect.gather [hbm4b:s4+s30], $0x80, s11, s30, $0xb8;
	[tilespmem:$0x1E800] =	vst v63  }
0xcc: {  	_ =	swait.ge [sflag:s22], $0x50  }
0xcd: {  	[sflag:s22] =	ssyncset.done $0x0  }
0xce: {  	[sflag:s22] =	ssyncadd.s32 $0xFFFFFFB0  }
0xcf: {  	_ =	swait.ge [sflag:s22], $0x50  }
0xd0: {  	[sflag:s22] =	ssyncset.done $0x0  }
0xd1: {  	[sflag:s22] =	ssyncadd.s32 $0xFFFFFFB0  }
0xd2: {  	[tilespmem:s18], [sflag:$0x2] =	stream.indirect.gather [hbm4b:s4+s30], $0x80, s12, s30, $0xb8;
	[tilespmem:$0x1E800] =	vst v63  }
0xd3: {  	_ =	swait.ge [sflag:s19], $0x50  }
0xd4: {  	[sflag:s19] =	ssyncset.done $0x0  }
0xd5: {  	[sflag:s19] =	ssyncadd.s32 $0xFFFFFFB0  }
0xd6: {  	_ =	swait.ge [sflag:s19], $0x50  }
0xd7: {  	[sflag:s19] =	ssyncset.done $0x0  }
0xd8: {  	[sflag:s19] =	ssyncadd.s32 $0xFFFFFFB0  }
0xd9: {  	[tilespmem:s23], [sflag:$0x3] =	stream.indirect.gather [hbm4b:s4+s30], $0x80, s13, s30, $0xb8;
	[tilespmem:$0x1E800] =	vst v63  }
0xda: {  	_ =	swait.ge [sflag:s24], $0x50  }
0xdb: {  	[sflag:s24] =	ssyncset.done $0x0  }
0xdc: {  	[sflag:s24] =	ssyncadd.s32 $0xFFFFFFB0  }
0xdd: {  	_ =	swait.ge [sflag:s24], $0x50  }
0xde: {  	[sflag:s24] =	ssyncset.done $0x0  }
0xdf: {  	s11 =	simm.s32 $0x0;
	s10 =	sld [smem:$0x7F2];
	[sflag:s24] =	ssyncadd.s32 $0xFFFFFFB0  }
0xe0: {  	[tilespmem:s25], [sflag:$0x4] =	stream.indirect.gather [hbm4b:s4+s30], $0x80, s14, s30, $0xb8;
	[tilespmem:$0x1E800] =	vst v63  }
.LBB2_4:
0xe1: {  	_ =	swait.ge [sflag:s26], $0x2800  }
0xe2: {  	[sflag:s26] =	ssyncset.done $0x0  }
0xe3: {  	s12 =	simm.s32 $0xA400;
	[sflag:s26] =	ssyncadd.s32 $0xFFFFD800  }
0xe4: {  	[spmem:s1] =	stream.indirect.scatter.add.f32 [tilespmem:s3], [sflag:$0x5], $0x80, s12, s30, $0xb8;
	[tilespmem:$0x1E800] =	vst v63  }
0xe5: {  	_ =	swait.ge [sflag:s20], $0x50  }
0xe6: {  	[sflag:s20] =	ssyncset.done $0x0  }
0xe7: {  	[sflag:s20] =	ssyncadd.s32 $0xFFFFFFB0  }
0xe8: {  	_ =	swait.ge [sflag:s20], $0x50  }
0xe9: {  	[sflag:s20] =	ssyncset.done $0x0  }
0xea: {  	p0 =	seq.s32 s9, $0x4B0;
	[sflag:s20] =	ssyncadd.s32 $0xFFFFFFB0  }
0xeb: {  	s14 =	simm.s32 @!p0 $0x0;
	_ =	swait.ge [sflag:s5], $0x2800  }
0xec: {  	s12 =	sshrl.u32 @!p0 s10, $0x3;
	[sflag:s5] =	ssyncset.done $0x0;
	s13 =	rddreg [dreg:$0x3]  }
0xed: {  	s15 =	simm.s32 @!p0 $0xA000;
	[sflag:s5] =	ssyncadd.s32 $0xFFFFD800;
	s13 =	sadd.s32 @!p0 s13, s12  }
0xee: {  	[tilespmem:s15], [sflag:$0x9] =	stream.linear.gather @!p0 [hbm4b:s13+s14], $0x50, $0x38;
	[tilespmem:$0x1E800] =	vst v63  }
0xef: {  	s13 =	rddreg [dreg:$0x4]  }
0xf0: {  	s12 =	sadd.s32 @!p0 s13, s12;
	s13 =	simm.s32 @!p0 $0xA400  }
0xf1: {  	[tilespmem:s13], [sflag:$0x9] =	stream.linear.gather @!p0 [hbm4b:s12+s14], $0x50, $0x38;
	[tilespmem:$0x1E800] =	vst v63  }
0xf2: {  	_ = 	snop  }
0xf3: {  	[tilespmem:s3], [sflag:$0x1] =	stream.indirect.gather [hbm4b:s4+s30], $0x80, s28, s30, $0xb8;
	[tilespmem:$0x1E800] =	vst v63  }
0xf4: {  	_ =	swait.ge [sflag:s6], $0x2800  }
0xf5: {  	p1 =	sgt.u32 s11, $0xE;
	[sflag:s6] =	ssyncset.done $0x0  }
0xf6: {  	s16 =	simm.s32 $0xA480;
	s12 =	simm.s32 @p1 $0x3;
	[sflag:s6] =	ssyncadd.s32 $0xFFFFD800  }
0xf7: {  	[spmem:s1] =	stream.indirect.scatter.add.f32 [tilespmem:s18], [sflag:$0x6], $0x80, s16, s30, $0xb8;
	[tilespmem:$0x1E800] =	vst v63  }
0xf8: {  	_ =	swait.ge @p1 [sflag:s12], $0x2800  }
0xf9: {  	s13 =	simm.s32 @p1 $0xA500;
	[sflag:s12] =	ssyncset.done @p1 $0x0  }
0xfa: {  	s14 =	simm.s32 @p1 $0x5000;
	[sflag:s12] =	ssyncadd.s32 @p1 $0xFFFFD800;
	s12 =	simm.s32 @p1 $0x50  }
0xfb: {  	[spmem:s1] =	stream.indirect.scatter.add.f32 @p1 [tilespmem:s14], [sflag:$0x7], $0x80, s13, s12, $0xb8;
	[tilespmem:$0x1E800] =	vst v63  }
0xfc: {  	s12 =	simm.s32 @!p1 $0xE  }
0xfd: {  	_ =	swait.ge @!p1 [sflag:s12], $0x50  }
0xfe: {  	[sflag:s12] =	ssyncset.done @!p1 $0x0  }
0xff: {  	[sflag:s12] =	ssyncadd.s32 @!p1 $0xFFFFFFB0  }
0x100: {  	_ =	swait.ge @!p1 [sflag:s12], $0x50  }
0x101: {  	[sflag:s12] =	ssyncset.done @!p1 $0x0  }
0x102: {  	[sflag:s12] =	ssyncadd.s32 @!p1 $0xFFFFFFB0;
	s12 =	simm.s32 @!p1 $0x6  }
0x103: {  	_ =	swait.ge @!p1 [sflag:s12], $0x2800  }
0x104: {  	[sflag:s12] =	ssyncset.done @!p1 $0x0  }
0x105: {  	[sflag:s12] =	ssyncadd.s32 @!p1 $0xFFFFD800;
	s12 =	sld [smem:$0x7F1];
	_ =	sdelay $0x2  }
0x106: {  	s13 =	simm.s32 @!p1 $0x0;
	s14 =	simm.s32 @!p1 $0xA080;
	s12 =	sadd.s32 @!p1 s9, s12  }
0x107: {  	[tilespmem:s14], [sflag:$0xA] =	stream.linear.gather @!p1 [hbm4b:s12+s13], $0x50, $0x38;
	[tilespmem:$0x1E800] =	vst v63  }
0x108: {  	s12 =	sld [smem:$0x7F0];
	_ =	sdelay $0x2  }
0x109: {  	s14 =	simm.s32 @!p1 $0xA480;
	s12 =	sadd.s32 @!p1 s9, s12  }
0x10a: {  	[tilespmem:s14], [sflag:$0xA] =	stream.linear.gather @!p1 [hbm4b:s12+s13], $0x50, $0x38;
	[tilespmem:$0x1E800] =	vst v63  }
0x10b: {  	s15 =	simm.s32 @!p1 $0x2800;
	s12 =	simm.s32 @!p1 $0x50;
	s14 =	simm.s32 @!p1 $0xA280  }
0x10c: {  	[tilespmem:s15], [sflag:$0x2] =	stream.indirect.gather @!p1 [hbm4b:s4+s12], $0x80, s14, s12, $0xb8;
	[tilespmem:$0x1E800] =	vst v63  }
0x10d: {  	s14 =	simm.s32 @!p1 $0x3  }
0x10e: {  	_ =	swait.ge @!p1 [sflag:s14], $0x2800  }
0x10f: {  	s16 =	simm.s32 @!p1 $0xF;
	[sflag:s14] =	ssyncset.done @!p1 $0x0  }
0x110: {  	s15 =	simm.s32 @!p1 $0x5000;
	[sflag:s14] =	ssyncadd.s32 @!p1 $0xFFFFD800;
	s14 =	simm.s32 @!p1 $0xA500  }
0x111: {  	[spmem:s1] =	stream.indirect.scatter.add.f32 @!p1 [tilespmem:s15], [sflag:$0x7], $0x80, s14, s12, $0xb8;
	[tilespmem:$0x1E800] =	vst v63  }
0x112: {  	_ =	swait.ge @!p1 [sflag:s16], $0x50  }
0x113: {  	[sflag:s16] =	ssyncset.done @!p1 $0x0  }
0x114: {  	[sflag:s16] =	ssyncadd.s32 @!p1 $0xFFFFFFB0  }
0x115: {  	_ =	swait.ge @!p1 [sflag:s16], $0x50  }
0x116: {  	[sflag:s16] =	ssyncset.done @!p1 $0x0  }
0x117: {  	[sflag:s16] =	ssyncadd.s32 @!p1 $0xFFFFFFB0;
	s16 =	simm.s32 @!p1 $0x7  }
0x118: {  	_ =	swait.ge @!p1 [sflag:s16], $0x2800  }
0x119: {  	[sflag:s16] =	ssyncset.done @!p1 $0x0  }
0x11a: {  	[sflag:s16] =	ssyncadd.s32 @!p1 $0xFFFFD800;
	s16 =	sld [smem:$0x7EF];
	_ =	sdelay $0x2  }
0x11b: {  	s17 =	simm.s32 @!p1 $0xA100;
	s16 =	sadd.s32 @!p1 s9, s16  }
0x11c: {  	[tilespmem:s17], [sflag:$0xB] =	stream.linear.gather @!p1 [hbm4b:s16+s13], $0x50, $0x38;
	[tilespmem:$0x1E800] =	vst v63  }
0x11d: {  	s16 =	sld [smem:$0x7EE];
	_ =	sdelay $0x2  }
0x11e: {  	s16 =	sadd.s32 @!p1 s9, s16  }
0x11f: {  	[tilespmem:s14], [sflag:$0xB] =	stream.linear.gather @!p1 [hbm4b:s16+s13], $0x50, $0x38;
	[tilespmem:$0x1E800] =	vst v63  }
0x120: {  	s14 =	simm.s32 @!p1 $0xA300  }
0x121: {  	[tilespmem:s15], [sflag:$0x3] =	stream.indirect.gather @!p1 [hbm4b:s4+s12], $0x80, s14, s12, $0xb8;
	[tilespmem:$0x1E800] =	vst v63  }
0x122: {  	_ =	swait.ge [sflag:s31], $0x2800  }
0x123: {  	[sflag:s31] =	ssyncset.done $0x0  }
0x124: {  	s17 =	simm.s32 $0xA580;
	s14 =	simm.s32 @!p1 $0x10;
	[sflag:s31] =	ssyncadd.s32 $0xFFFFD800  }
0x125: {  	[spmem:s1] =	stream.indirect.scatter.add.f32 [tilespmem:s25], [sflag:$0x8], $0x80, s17, s30, $0xb8;
	[tilespmem:$0x1E800] =	vst v63  }
0x126: {  	_ =	swait.ge @!p1 [sflag:s14], $0x50  }
0x127: {  	[sflag:s14] =	ssyncset.done @!p1 $0x0  }
0x128: {  	[sflag:s14] =	ssyncadd.s32 @!p1 $0xFFFFFFB0  }
0x129: {  	_ =	swait.ge @!p1 [sflag:s14], $0x50  }
0x12a: {  	[sflag:s14] =	ssyncset.done @!p1 $0x0  }
0x12b: {  	[sflag:s14] =	ssyncadd.s32 @!p1 $0xFFFFFFB0;
	s14 =	simm.s32 @!p1 $0x8  }
0x12c: {  	_ =	swait.ge @!p1 [sflag:s14], $0x2800  }
0x12d: {  	[sflag:s14] =	ssyncset.done @!p1 $0x0  }
0x12e: {  	[sflag:s14] =	ssyncadd.s32 @!p1 $0xFFFFD800;
	s14 =	sld [smem:$0x7ED];
	_ =	sdelay $0x2  }
0x12f: {  	s15 =	simm.s32 @!p1 $0xA180;
	s14 =	sadd.s32 @!p1 s9, s14  }
0x130: {  	[tilespmem:s15], [sflag:$0xC] =	stream.linear.gather @!p1 [hbm4b:s14+s13], $0x50, $0x38;
	[tilespmem:$0x1E800] =	vst v63  }
0x131: {  	s14 =	sld [smem:$0x7EC];
	_ =	sdelay $0x2  }
0x132: {  	s15 =	simm.s32 @!p1 $0xA580;
	s14 =	sadd.s32 @!p1 s9, s14  }
0x133: {  	[tilespmem:s15], [sflag:$0xC] =	stream.linear.gather @!p1 [hbm4b:s14+s13], $0x50, $0x38;
	[tilespmem:$0x1E800] =	vst v63  }
0x134: {  	s13 =	simm.s32 @!p1 $0xA380;
	s14 =	simm.s32 @!p1 $0x7800  }
0x135: {  	[tilespmem:s14], [sflag:$0x4] =	stream.indirect.gather @!p1 [hbm4b:s4+s12], $0x80, s13, s12, $0xb8;
	[tilespmem:$0x1E800] =	vst v63  }
.Ltmp3:
0x136: {  	_ = 	snop;
	(pc) =	sbr.rel @p0 .LBB2_6-.Ltmp3, $4  }
0x137: {  	_ =	swait.ge [sflag:s26], $0x2800  }
0x138: {  	[sflag:s26] =	ssyncset.done $0x0  }
0x139: {  	[sflag:s26] =	ssyncadd.s32 $0xFFFFD800  }
0x13a: {  	[spmem:s1] =	stream.indirect.scatter.add.f32 [tilespmem:s3], [sflag:$0x5], $0x80, s29, s30, $0xb8;
	[tilespmem:$0x1E800] =	vst v63  }
0x13b: {  	_ =	swait.ge [sflag:s21], $0x50  }
0x13c: {  	[sflag:s21] =	ssyncset.done $0x0  }
0x13d: {  	[sflag:s21] =	ssyncadd.s32 $0xFFFFFFB0  }
0x13e: {  	_ =	swait.ge [sflag:s21], $0x50  }
0x13f: {  	[sflag:s21] =	ssyncset.done $0x0  }
0x140: {  	[sflag:s21] =	ssyncadd.s32 $0xFFFFFFB0  }
0x141: {  	_ =	swait.ge [sflag:s5], $0x2800  }
0x142: {  	s12 =	sld [smem:$0x7EB];
	_ =	sdelay $0x1  }
0x143: {  	[sflag:s5] =	ssyncset.done $0x0;
	s14 =	sld [smem:$0x7EA]  }
0x144: {  	[sflag:s5] =	ssyncadd.s32 $0xFFFFD800;
	s12 =	sadd.s32 s9, s12  }
0x145: {  	[tilespmem:s28], [sflag:$0xD] =	stream.linear.gather [hbm4b:s12+s3], $0x50, $0x38;
	[tilespmem:$0x1E800] =	vst v63  }
0x146: {  	s12 =	sadd.s32 s9, s14  }
0x147: {  	[tilespmem:s29], [sflag:$0xD] =	stream.linear.gather [hbm4b:s12+s3], $0x50, $0x38;
	[tilespmem:$0x1E800] =	vst v63  }
0x148: {  	s15 =	simm.s32 $0xA000  }
0x149: {  	[tilespmem:s3], [sflag:$0x1] =	stream.indirect.gather [hbm4b:s4+s30], $0x80, s15, s30, $0xb8;
	[tilespmem:$0x1E800] =	vst v63  }
0x14a: {  	_ =	swait.ge [sflag:s6], $0x2800  }
0x14b: {  	[sflag:s6] =	ssyncset.done $0x0  }
0x14c: {  	s16 =	simm.s32 $0xA680;
	[sflag:s6] =	ssyncadd.s32 $0xFFFFD800  }
0x14d: {  	[spmem:s1] =	stream.indirect.scatter.add.f32 [tilespmem:s18], [sflag:$0x6], $0x80, s16, s30, $0xb8;
	[tilespmem:$0x1E800] =	vst v63  }
0x14e: {  	_ =	swait.ge [sflag:s22], $0x50  }
0x14f: {  	[sflag:s22] =	ssyncset.done $0x0  }
0x150: {  	[sflag:s22] =	ssyncadd.s32 $0xFFFFFFB0  }
0x151: {  	_ =	swait.ge [sflag:s22], $0x50  }
0x152: {  	[sflag:s22] =	ssyncset.done $0x0  }
0x153: {  	[sflag:s22] =	ssyncadd.s32 $0xFFFFFFB0  }
0x154: {  	_ =	swait.ge [sflag:s0], $0x2800  }
0x155: {  	s12 =	sld [smem:$0x7E9]  }
0x156: {  	p0 =	seq.s32 s9, $0x460  }
0x157: {  	s13 =	simm.s32 @!p0 $0x0;
	[sflag:s0] =	ssyncset.done $0x0  }
0x158: {  	s14 =	simm.s32 @!p0 $0xA280;
	[sflag:s0] =	ssyncadd.s32 $0xFFFFD800;
	s12 =	sadd.s32 @!p0 s9, s12  }
0x159: {  	[tilespmem:s14], [sflag:$0xE] =	stream.linear.gather @!p0 [hbm4b:s12+s13], $0x50, $0x38;
	[tilespmem:$0x1E800] =	vst v63  }
0x15a: {  	s12 =	sld [smem:$0x7E8];
	_ =	sdelay $0x2  }
0x15b: {  	s14 =	simm.s32 @!p0 $0xA680;
	s12 =	sadd.s32 @!p0 s9, s12  }
0x15c: {  	[tilespmem:s14], [sflag:$0xE] =	stream.linear.gather @!p0 [hbm4b:s12+s13], $0x50, $0x38;
	[tilespmem:$0x1E800] =	vst v63  }
0x15d: {  	s17 =	simm.s32 $0xA080  }
0x15e: {  	[tilespmem:s18], [sflag:$0x2] =	stream.indirect.gather [hbm4b:s4+s30], $0x80, s17, s30, $0xb8;
	[tilespmem:$0x1E800] =	vst v63  }
0x15f: {  	_ =	swait.ge [sflag:s8], $0x2800  }
0x160: {  	[sflag:s8] =	ssyncset.done $0x0  }
0x161: {  	s14 =	simm.s32 $0xA700;
	[sflag:s8] =	ssyncadd.s32 $0xFFFFD800  }
0x162: {  	[spmem:s1] =	stream.indirect.scatter.add.f32 [tilespmem:s23], [sflag:$0x7], $0x80, s14, s30, $0xb8;
	[tilespmem:$0x1E800] =	vst v63  }
0x163: {  	_ =	swait.ge [sflag:s19], $0x50  }
0x164: {  	[sflag:s19] =	ssyncset.done $0x0  }
0x165: {  	[sflag:s19] =	ssyncadd.s32 $0xFFFFFFB0  }
0x166: {  	_ =	swait.ge [sflag:s19], $0x50  }
0x167: {  	[sflag:s19] =	ssyncset.done $0x0  }
0x168: {  	[sflag:s19] =	ssyncadd.s32 $0xFFFFFFB0  }
0x169: {  	_ =	swait.ge [sflag:s2], $0x2800  }
0x16a: {  	[sflag:s2] =	ssyncset.done $0x0;
	s12 =	rddreg [dreg:$0x1f]  }
0x16b: {  	s14 =	simm.s32 @!p0 $0xA300;
	[sflag:s2] =	ssyncadd.s32 $0xFFFFD800;
	s12 =	sadd.s32 @!p0 s9, s12  }
0x16c: {  	[tilespmem:s14], [sflag:$0xF] =	stream.linear.gather @!p0 [hbm4b:s12+s13], $0x50, $0x38;
	[tilespmem:$0x1E800] =	vst v63  }
0x16d: {  	s12 =	rddreg [dreg:$0x1e]  }
0x16e: {  	s14 =	simm.s32 @!p0 $0xA700;
	s12 =	sadd.s32 @!p0 s9, s12  }
0x16f: {  	[tilespmem:s14], [sflag:$0xF] =	stream.linear.gather @!p0 [hbm4b:s12+s13], $0x50, $0x38;
	[tilespmem:$0x1E800] =	vst v63  }
0x170: {  	s15 =	simm.s32 $0xA100  }
0x171: {  	[tilespmem:s23], [sflag:$0x3] =	stream.indirect.gather [hbm4b:s4+s30], $0x80, s15, s30, $0xb8;
	[tilespmem:$0x1E800] =	vst v63  }
0x172: {  	_ =	swait.ge [sflag:s31], $0x2800  }
0x173: {  	[sflag:s31] =	ssyncset.done $0x0  }
0x174: {  	s16 =	simm.s32 $0xA780;
	[sflag:s31] =	ssyncadd.s32 $0xFFFFD800  }
0x175: {  	[spmem:s1] =	stream.indirect.scatter.add.f32 [tilespmem:s25], [sflag:$0x8], $0x80, s16, s30, $0xb8;
	[tilespmem:$0x1E800] =	vst v63  }
0x176: {  	_ =	swait.ge [sflag:s24], $0x50  }
0x177: {  	[sflag:s24] =	ssyncset.done $0x0  }
0x178: {  	[sflag:s24] =	ssyncadd.s32 $0xFFFFFFB0  }
0x179: {  	_ =	swait.ge [sflag:s24], $0x50  }
0x17a: {  	[sflag:s24] =	ssyncset.done $0x0  }
0x17b: {  	[sflag:s24] =	ssyncadd.s32 $0xFFFFFFB0  }
0x17c: {  	_ =	swait.ge [sflag:s7], $0x2800  }
0x17d: {  	[sflag:s7] =	ssyncset.done $0x0;
	s12 =	rddreg [dreg:$0x1d]  }
0x17e: {  	s14 =	simm.s32 @!p0 $0xA380;
	[sflag:s7] =	ssyncadd.s32 $0xFFFFD800;
	s12 =	sadd.s32 @!p0 s9, s12  }
0x17f: {  	[tilespmem:s14], [sflag:$0x10] =	stream.linear.gather @!p0 [hbm4b:s12+s13], $0x50, $0x38;
	[tilespmem:$0x1E800] =	vst v63  }
.Ltmp4:
0x180: {  	s12 =	rddreg [dreg:$0x1c];
	(pc) =	sbr.rel .LBB2_4-.Ltmp4, $4  }
0x181: {  	s11 =	sadd.s32 $0x1, s11;
	s14 =	simm.s32 @!p0 $0xA780;
	s12 =	sadd.s32 @!p0 s9, s12  }
0x182: {  	[tilespmem:s14], [sflag:$0x10] =	stream.linear.gather @!p0 [hbm4b:s12+s13], $0x50, $0x38;
	[tilespmem:$0x1E800] =	vst v63  }
0x183: {  	s10 =	sadd.s32 $0x280, s10;
	s17 =	simm.s32 $0xA180;
	s9 =	sadd.s32 $0x50, s9  }
0x184: {  	[tilespmem:s25], [sflag:$0x4] =	stream.indirect.gather [hbm4b:s4+s30], $0x80, s17, s30, $0xb8;
	[tilespmem:$0x1E800] =	vst v63  }
.LBB2_7:
0x185: {  	_ =	sfence.sel $0x180000  }
0x186: {  	[bflag:$0x0] =	sbarrier.arrive $0xFFFF  }
0x187: {  	_ =	strace $0x9000004A  }
0x188: {  	s0 =	stileid.u32;
	[bflag:$0x2] =	sbarrier.arrive $0xFFFF  }
0x189: {  	p0 =	sne.s32 s0, $0x0;
	s0 =	rddreg [dreg:$0x2]  }
0x18a: {  	s0 =	sadd.s32 @!p0 $0x100000, s0  }
0x18b: {  	[sflag:s0] =	ssyncadd.tile.s32 @!p0 $0x1;
	_ =	shalt  }
.Lfunc_end2:
_tile_overlayer_lowered:
.L_overlay_start_2:
0x18c: {  	(tag) =	ssettag $0x2  }
0x18d: {  	s0 =	rddreg [dreg:$0x0];
	s2 =	stileid.u32  }
0x18e: {  	s1 =	rddreg [dreg:$0x1];
	p0 =	sne.s32 s2, $0x0  }
0x18f: {  	s3 =	rddreg [dreg:$0x2];
	[bflag:$0x3] =	sbarrier.arrive $0xFFFF;
	s2 =	simm.s32 @!p0 $0x1C11  }
0x190: {  	[timem:s3], [sflag:s2] =	dma.local @!p0 [hbm:s0], s1  }
0x191: {  	s0 =	simm.s32 @!p0 $0x11  }
0x192: {  	_ =	swait.ge @!p0 [sflag:s0], s1  }
0x193: {  	s1 =	ssub.s32 @!p0 $0x0, s1;
	[sflag:s0] =	ssyncset.done @!p0 $0x0  }
0x194: {  	[sflag:s0] =	ssyncadd.s32 @!p0 s1  }
0x195: {  	[bflag:$0x3] =	sbarrier.arrive $0xFFFF  }
0x196: {  	_ =	shalt  }

// kernel: kernel.13.cloned.1.call-start
scs
__scs_entry_jumppad:
0x0: {  	(pc) =	sbr.rel $0x88, $3  }
0x1: {  	(tag) =	ssettag $0x0;
	lr =	simm.s32 $0x1  }
0x2: {  	[smem:$0x3F99] =	sst lr;
	_ =	strace $0xD0000000  }
0x3: {  	_ = 	snop  }
0x4: {  	_ = 	snop  }
0x5: {  	_ = 	snop  }
0x6: {  	_ = 	snop  }
0x7: {  	_ = 	snop  }
__scs_overlays_trampoline_lowered:
0x8: {  	[smem:$0x3FA8] =	sst s0  }
0x9: {  	[smem:$0x3FA9] =	sst s1  }
0xa: {  	[smem:$0x3FAA] =	sst s2  }
0xb: {  	[smem:$0x3FAB] =	sst s3  }
0xc: {  	[smem:$0x3FAC] =	sst s4  }
0xd: {  	[smem:$0x3FAD] =	sst s5  }
0xe: {  	[smem:$0x3FAE] =	sst s6  }
0xf: {  	[smem:$0x3FAF] =	sst s7  }
0x10: {  	[smem:$0x3FB0] =	sst s8  }
0x11: {  	[smem:$0x3FB1] =	sst s9;
	s0 =	simm.s32 @!p0 $0x0  }
0x12: {  	s1 =	sld [smem:$0x3F97];
	s0 =	simm.s32 @p0 $0x1  }
0x13: {  	[smem:$0x3FB2] =	sst s0;
	s0 =	simm.s32 @!p1 $0x0  }
0x14: {  	s2 =	sld [smem:$0x3F96];
	s0 =	simm.s32 @p1 $0x1  }
0x15: {  	[smem:$0x3FB3] =	sst s0;
	s0 =	simm.s32 @!p2 $0x0  }
0x16: {  	s3 =	sld [smem:$0x3FDB];
	s0 =	simm.s32 @p2 $0x1  }
0x17: {  	s4 =	simm.s32 $0x1BF5;
	[smem:$0x3FB5] =	sst s0  }
0x18: {  	s0 =	sld [smem:$0x3F98];
	_ =	swait.ge [sflag:s4], $0x0  }
0x19: {  	s7 =	sld [smem:$0x3F99]  }
0x1a: {  	s8 =	sadd.s32 $0xFFFFE003, lr  }
0x1b: {  	s9 =	sadd.s32 $0xFFFFFEF7, lr;
	s5 =	simm.s32 $0xFFFFFFFF;
	p2 =	slt.u32 s8, $0xFFFFF086  }
0x1c: {  	p1 =	slt.u32 s9, $0xF7A;
	s5 =	simm.s32 @!p2 $0x0  }
0x1d: {  	s5 =	simm.s32 @p1 $0x1;
	p0 =	seq.s32 s7, s2  }
0x1e: {  	s7 =	smul.u32 @!p0 $0xF7A, s2;
	p2 =	seq.s32 @!p0 s5, $0x0  }
0x1f: {  	s9 =	smul.u32 $0xF7A, s1;
	s8 =	simm.s32 @!p0 $0x1BF5;
	p2 =	por !p2, p0  }
0x20: {  	[sflag:s8] =	ssyncset.s32 @!p0 $0xFFFFF086;
	s6 =	sadd.s32 @!p0 s3, s7;
	s7 =	simm.s32 @!p0 $0x108  }
0x21: {  	s3 =	sadd.s32 s3, s9;
	s6 =	sadd.s32 @!p0 $0x88, s6;
	s7 =	simm.s32 @p2 $0x1082  }
0x22: {  	[simem:s7], [sflag:s8] =	dma.local @!p0 [hbm:s6], $0xF7A  }
0x23: {  	s9 =	sor.u32 $0xD0000000, s2;
	s6 =	simm.s32 $0x108;
	_ =	swait.ge @!p0 [sflag:s8], $0x0  }
0x24: {  	s3 =	sadd.s32 $0x88, s3;
	s6 =	simm.s32 @!p1 $0x1082;
	[sflag:s4] =	ssyncset.s32 $0xFFFFF086  }
0x25: {  	[simem:s6], [sflag:s4] =	dma.local [hbm:s3], $0xF7A  }
0x26: {  	[smem:$0x3F99] =	sst s1;
	(tag) =	ssettag s2;
	_ =	strace s9  }
0x27: {  	s1 =	sld [smem:$0x3FA9]  }
0x28: {  	s2 =	sld [smem:$0x3FAA]  }
0x29: {  	s4 =	sld [smem:$0x3FAC]  }
0x2a: {  	p0 =	seq.s32 s5, $0x0;
	s5 =	sld [smem:$0x3FAD]  }
0x2b: {  	s6 =	sld [smem:$0x3FAE]  }
0x2c: {  	s7 =	sld [smem:$0x3FAF]  }
0x2d: {  	s3 =	simm.s32 $0x108;
	s8 =	sld [smem:$0x3FB0]  }
0x2e: {  	s3 =	simm.s32 @!p0 $0x1082;
	s9 =	sld [smem:$0x3FB1]  }
0x2f: {  	lr =	sadd.s32 s0, s3;
	s0 =	sld [smem:$0x3FA8]  }
0x30: {  	s3 =	sld [smem:$0x3FAB]  }
0x31: {  	[smem:$0x3FB4] =	sst s10  }
0x32: {  	s10 =	sld [smem:$0x3FB2];
	_ =	sdelay $0x3  }
0x33: {  	p0 =	seq.s32 s10, $0x1;
	s10 =	sld [smem:$0x3FB4];
	_ =	sdelay $0x3  }
0x34: {  	[smem:$0x3FB4] =	sst s10  }
0x35: {  	s10 =	sld [smem:$0x3FB3];
	_ =	sdelay $0x3  }
0x36: {  	p1 =	seq.s32 s10, $0x1;
	s10 =	sld [smem:$0x3FB4];
	_ =	sdelay $0x3  }
0x37: {  	[smem:$0x3FB4] =	sst s10  }
0x38: {  	s10 =	sld [smem:$0x3FB5]  }
0x39: {  	_ = 	snop;
	(pc) =	sbr.ind lr, $3  }
0x3a: {  	_ = 	snop  }
0x3b: {  	_ = 	snop  }
0x3c: {  	p2 =	seq.s32 s10, $0x1;
	s10 =	sld [smem:$0x3FB4]  }
0x3d: {  	_ =	shalt  }
0x3e: {  	_ =	shalt  }
0x3f: {  	_ =	shalt  }
0x40: {  	_ =	shalt  }
0x41: {  	_ =	shalt  }
0x42: {  	_ =	shalt  }
0x43: {  	_ =	shalt  }
0x44: {  	_ =	shalt  }
0x45: {  	_ =	shalt  }
0x46: {  	_ =	shalt  }
0x47: {  	_ =	shalt  }
0x48: {  	_ =	shalt  }
0x49: {  	_ =	shalt  }
0x4a: {  	_ =	shalt  }
0x4b: {  	_ =	shalt  }
0x4c: {  	_ =	shalt  }
0x4d: {  	_ =	shalt  }
0x4e: {  	_ =	shalt  }
0x4f: {  	_ =	shalt  }
0x50: {  	_ =	shalt  }
0x51: {  	_ =	shalt  }
0x52: {  	_ =	shalt  }
0x53: {  	_ =	shalt  }
0x54: {  	_ =	shalt  }
0x55: {  	_ =	shalt  }
0x56: {  	_ =	shalt  }
0x57: {  	_ =	shalt  }
0x58: {  	_ =	shalt  }
0x59: {  	_ =	shalt  }
0x5a: {  	_ =	shalt  }
0x5b: {  	_ =	shalt  }
0x5c: {  	_ =	shalt  }
0x5d: {  	_ =	shalt  }
0x5e: {  	_ =	shalt  }
0x5f: {  	_ =	shalt  }
0x60: {  	_ =	shalt  }
0x61: {  	_ =	shalt  }
0x62: {  	_ =	shalt  }
0x63: {  	_ =	shalt  }
0x64: {  	_ =	shalt  }
0x65: {  	_ =	shalt  }
0x66: {  	_ =	shalt  }
0x67: {  	_ =	shalt  }
0x68: {  	_ =	shalt  }
0x69: {  	_ =	shalt  }
0x6a: {  	_ =	shalt  }
0x6b: {  	_ =	shalt  }
0x6c: {  	_ =	shalt  }
0x6d: {  	_ =	shalt  }
0x6e: {  	_ =	shalt  }
0x6f: {  	_ =	shalt  }
0x70: {  	_ =	shalt  }
0x71: {  	_ =	shalt  }
0x72: {  	_ =	shalt  }
0x73: {  	_ =	shalt  }
0x74: {  	_ =	shalt  }
0x75: {  	_ =	shalt  }
0x76: {  	_ =	shalt  }
0x77: {  	_ =	shalt  }
0x78: {  	_ =	shalt  }
0x79: {  	_ =	shalt  }
0x7a: {  	_ =	shalt  }
0x7b: {  	_ =	shalt  }
0x7c: {  	_ =	shalt  }
0x7d: {  	_ =	shalt  }
0x7e: {  	_ =	shalt  }
0x7f: {  	_ =	shalt  }
0x80: {  	_ =	shalt  }
0x81: {  	_ =	shalt  }
0x82: {  	_ =	shalt  }
0x83: {  	_ =	shalt  }
0x84: {  	_ =	shalt  }
0x85: {  	_ =	shalt  }
0x86: {  	_ =	shalt  }
0x87: {  	_ =	shalt  }
.Lfunc_end0:
.L_simem_size_0:
called_computation.2_lowered:
.L_overlay_start_0:
0x88: {  	s2 =	sld [smem:$0x3FD9]  }
0x89: {  	s3 =	sld [smem:$0x3FFE];
	_ =	sdelay $0x1  }
0x8a: {  	s1 =	srdreg.scid  }
0x8b: {  	s0 =	sand.u32 $0x1, s1  }
0x8c: {  	s16 =	sshll.u32 s0, $0xA;
	s2 =	sadd.s32 s3, s2  }
0x8d: {  	s2 =	sadd.s32 s2, s16  }
0x8e: {  	[smem:$0x3FC0] =	sst s2  }
0x8f: {  	_ = 	snop  }
0x90: {  	(tm) =	ssettm $0x1  }
0x91: {  	s17 =	sld [smem:$0x3FFB];
	_ =	sdelay $0x3  }
0x92: {  	_ =	strace s17  }
0x93: {  	s2 =	sld [smem:$0x3FFC];
	_ =	sdelay $0x3  }
0x94: {  	_ =	strace s2  }
0x95: {  	s2 =	sld [smem:$0x3FFD];
	_ =	sdelay $0x3  }
0x96: {  	_ =	strace s2  }
0x97: {  	_ =	strace $0x8FFFFFFF  }
0x98: {  	s18 =	sld [smem:$0x3FDB];
	_ =	sdelay $0x1  }
0x99: {  	s19 =	simm.s32 $_scs_section_size  }
0x9a: {  	s4 =	simm.s32 $_size__tile_overlayer_lowered;
	s5 =	simm.s32 $_tile_overlayer_lowered  }
0x9b: {  	s22 =	simm.s32 $0x1BFF;
	s21 =	sshll.u32 s5, $0x1;
	s2 =	sadd.s32 s19, s18  }
0x9c: {  	s6 =	simm.s32 $0x0;
	s20 =	sshll.u32 s4, $0x1;
	s4 =	sadd.s32 s21, s2  }
0x9d: {  	[timem:s6], [sflag:s22] =	dma.local [hbm:s4], s20  }
0x9e: {  	_ =	swait.ge [sflag:s22], s20  }
0x9f: {  	s3 =	ssub.s32 $0x0, s20;
	[sflag:s22] =	ssyncset.done $0x0  }
0xa0: {  	[sflag:s22] =	ssyncadd.s32 s3;
	_ =	sdelay $0x1  }
0xa1: {  	s23 =	simm.s32 $0x1B8B  }
0xa2: {  	_ =	swait.ge [sflag:s23], $0x1  }
0xa3: {  	[sflag:s23] =	ssyncset.done $0x0  }
0xa4: {  	s25 =	simm.s32 $0x1B8E;
	s24 =	sld [smem:$0x3FFE];
	[sflag:s23] =	ssyncadd.s32 $0xFFFFFFFF  }
0xa5: {  	s26 =	simm.s32 $execute0_lowered;
	[smem:$0x3FD2] =	sst s25  }
0xa6: {  	s4 =	sshll.u32 s26, $0x1;
	_ =	strace $0x8000004C;
	[dreg:$0x1] =	wrdreg $0xFFFFFFFF  }
0xa7: {  	s28 =	simm.s32 $_size_execute0_lowered;
	s2 =	sadd.s32 s2, s4;
	[dreg:$0x0] =	wrdreg $0x0  }
0xa8: {  	s4 =	sshll.u32 s28, $0x1;
	[dreg:$0x2] =	wrdreg s2  }
0xa9: {  	[dreg:$0x3] =	wrdreg s4  }
0xaa: {  	[dreg:$0x4] =	wrdreg $0xC0  }
0xab: {  	_ =	task [dreg:s6], $0x5FFFF  }
0xac: {  	[dreg:$0x1] =	wrdreg $0xFFFFFFFF  }
0xad: {  	[dreg:$0x0] =	wrdreg $0x60  }
0xae: {  	[dreg:$0x2] =	wrdreg s24  }
0xaf: {  	[dreg:$0x3] =	wrdreg $0x57000  }
0xb0: {  	[dreg:$0x4] =	wrdreg $0x59800  }
0xb1: {  	[dreg:$0x5] =	wrdreg $0x9  }
0xb2: {  	_ =	task.clear_ibuf [dreg:s6], $0x6FFFF;
	_ =	strace $0x9000004C  }
0xb3: {  	s29 =	simm.s32 $0x9;
	_ =	strace $0x8000004E  }
0xb4: {  	_ =	swait.ge [sflag:s29], $0x1  }
0xb5: {  	[sflag:s29] =	ssyncadd.s32 $0xFFFFFFFF  }
0xb6: {  	_ =	strace $0x9000004E  }
0xb7: {  	_ =	sfence  }
0xb8: {  	s30 =	sld [smem:$0x0];
	_ =	sdelay $0x2  }
0xb9: {  	s31 =	sshll.u32 s1, $0xD;
	s1 =	sshrl.u32 s1, $0x2  }
0xba: {  	s3 =	sand.u32 $0x4000, s31;
	s1 =	sadd.s32 s1, s30  }
0xbb: {  	s0 =	sor.u32 s3, s0;
	s1 =	sshll.u32 s1, $0x11  }
0xbc: {  	s0 =	sor.u32 s1, s0  }
0xbd: {  	s0 =	sadd.s32 $0x8F2B, s0  }
0xbe: {  	[sflag:s0] =	ssyncadd.remote.s32 $0x1  }
0xbf: {  	_ =	sfence.sel $0xFFFF  }
0xc0: {  	[dreg:$0x0] =	wrdreg $0xFFFFFFFF;
	(pc) =	sbr.abs _section_cstart, $3  }
0xc1: {  	[dreg:$0x1] =	wrdreg $0xFFFFFFFF  }
0xc2: {  	_ =	task.clear_ibuf [dreg:s6], $0x2FFFF;
	_ =	strace $0x9FFFFFFF  }
0xc3: {  	(tm) =	ssettm $0x7FFFFFFF  }
tec
execute0_lowered:
.L_overlay_start_1:
0x0: {  	(tag) =	ssettag $0x1  }
0x1: {  	s0 =	rddreg [dreg:$0x0]  }
0x2: {  	s1 =	rddreg [dreg:$0x1]  }
0x3: {  	s2 =	rddreg [dreg:$0x2]  }
0x4: {  	s3 =	srdreg.scid;
	s5 =	stileid.u32  }
0x5: {  	s28 =	simm.s32 $0x1000;
	s29 =	simm.s32 $0x3000;
	s30 =	simm.s32 $0x1800  }
0x6: {  	s31 =	simm.s32 $0x3800;
	s4 =	sand.u32 $0x1, s3;
	s8 =	smul.u32 $0xA00, s5  }
0x7: {  	s3 =	simm.s32 $0x0;
	s7 =	sadd.s32 $0x15800, s0;
	s10 =	smul.u32 $0x4E20, s5  }
0x8: {  	s26 =	sadd.s32 $0xBA00, s0;
	s11 =	sadd.s32 $0x1C00, s0;
	s23 =	smul.u32 $0x9C4, s5  }
0x9: {  	p0 =	sne.s32 s5, $0x0;
	s6 =	sshll.u32 s4, $0x4;
	[smem:$0x7FF] =	sst s3  }
0xa: {  	s4 =	ssub.s32 $0x2, s4;
	s6 =	sor.u32 s5, s6;
	_ =	strace $0x8000004D  }
0xb: {  	[dreg:$0x4] =	wrdreg s7;
	s12 =	sshrl.u32 s4, $0x1;
	s8 =	sshrl.u32 s8, $0x2  }
0xc: {  	s13 =	sshrl.u32 s10, $0x3;
	s5 =	simm.s32 $0x4800;
	s7 =	simm.s32 $0x7D0  }
0xd: {  	s6 =	smul.u32 $0x140, s6;
	s4 =	ssub.s32 s4, s12;
	s8 =	sadd.s32 s8, s1  }
0xe: {  	s14 =	sadd.s32 s26, s13;
	s15 =	sadd.s32 $0xFA, s13;
	s10 =	sadd.s32 s11, s13  }
0xf: {  	s17 =	sadd.s32 $0x1F4, s13;
	s19 =	sadd.s32 $0x2EE, s13;
	[dreg:$0x5] =	wrdreg s8  }
0x10: {  	s21 =	sadd.s32 $0x5DC, s13;
	s22 =	sadd.s32 $0x6D6, s13;
	[dreg:$0x6] =	wrdreg s14  }
0x11: {  	s12 =	simm.s32 $0x6;
	[dreg:$0x7] =	wrdreg s10;
	s16 =	sadd.s32 s26, s15  }
0x12: {  	s13 =	simm.s32 $0x0;
	s8 =	sadd.s32 s11, s15;
	[dreg:$0x8] =	wrdreg s16  }
0x13: {  	s18 =	sadd.s32 s26, s17;
	s10 =	sadd.s32 s11, s17;
	[dreg:$0x9] =	wrdreg s8  }
0x14: {  	s20 =	sadd.s32 s26, s19;
	s14 =	sadd.s32 s26, s21;
	[dreg:$0xa] =	wrdreg s18  }
0x15: {  	s15 =	sadd.s32 s11, s21;
	s17 =	sadd.s32 s11, s22;
	[dreg:$0xb] =	wrdreg s10  }
0x16: {  	s21 =	sadd.s32 s23, s26;
	s9 =	sshrl.u32 s6, $0x3;
	[dreg:$0xc] =	wrdreg s20  }
0x17: {  	s8 =	sadd.s32 s11, s19;
	s16 =	sadd.s32 s26, s22;
	s6 =	sadd.s32 s6, s1  }
0x18: {  	s20 =	sadd.s32 s23, s11;
	s26 =	smax.u32 s4, $0x1;
	[dreg:$0xd] =	wrdreg s8  }
0x19: {  	s4 =	simm.s32 $0x2800;
	s10 =	simm.s32 $0x1;
	[dreg:$0xe] =	wrdreg s6  }
0x1a: {  	s11 =	simm.s32 $0x2;
	s0 =	sadd.s32 s9, s0;
	[dreg:$0x12] =	wrdreg s26  }
0x1b: {  	s26 =	simm.s32 $0x7;
	s6 =	simm.s32 $0x3;
	s24 =	sadd.s32 $0x15E00, s0  }
0x1c: {  	s8 =	simm.s32 $0x4;
	s25 =	sadd.s32 $0x8CA00, s0;
	[dreg:$0xf] =	wrdreg s24  }
0x1d: {  	s9 =	simm.s32 $0x800;
	s0 =	sadd.s32 $0x16400, s0;
	[dreg:$0x10] =	wrdreg s25  }
0x1e: {  	v0 =	vimm.f32 $0.0e+00;
	[dreg:$0x11] =	wrdreg s0;
	s24 =	simm.s32 $0x5000;
	s25 =	simm.s32 $0x4000  }
.LBB2_1:
0x1f: {  	[tilespmem:$0x5000] =	vst v0  }
0x20: {  	[tilespmem:$0x5010] =	vst v0  }
0x21: {  	[tilespmem:$0x5020] =	vst v0  }
0x22: {  	[tilespmem:$0x5030] =	vst v0  }
0x23: {  	[tilespmem:$0x5040] =	vst v0  }
0x24: {  	[tilespmem:$0x5050] =	vst v0  }
0x25: {  	[tilespmem:$0x5060] =	vst v0  }
0x26: {  	[tilespmem:$0x5070] =	vst v0  }
0x27: {  	[tilespmem:$0x5080] =	vst v0  }
0x28: {  	[tilespmem:$0x5090] =	vst v0  }
0x29: {  	[tilespmem:$0x50A0] =	vst v0  }
0x2a: {  	[tilespmem:$0x50B0] =	vst v0  }
0x2b: {  	[tilespmem:$0x50C0] =	vst v0  }
0x2c: {  	[tilespmem:$0x50D0] =	vst v0  }
0x2d: {  	[tilespmem:$0x50E0] =	vst v0  }
0x2e: {  	[tilespmem:$0x50F0] =	vst v0  }
0x2f: {  	[tilespmem:$0x5100] =	vst v0  }
0x30: {  	[tilespmem:$0x5110] =	vst v0  }
0x31: {  	[tilespmem:$0x5120] =	vst v0  }
0x32: {  	[tilespmem:$0x5130] =	vst v0  }
0x33: {  	[tilespmem:$0x5140] =	vst v0  }
0x34: {  	[tilespmem:$0x5150] =	vst v0  }
0x35: {  	[tilespmem:$0x5160] =	vst v0  }
0x36: {  	[tilespmem:$0x5170] =	vst v0  }
0x37: {  	[tilespmem:$0x5180] =	vst v0  }
0x38: {  	[tilespmem:$0x5190] =	vst v0  }
0x39: {  	[tilespmem:$0x51A0] =	vst v0  }
0x3a: {  	[tilespmem:$0x51B0] =	vst v0  }
0x3b: {  	[tilespmem:$0x51C0] =	vst v0  }
0x3c: {  	[tilespmem:$0x51D0] =	vst v0  }
0x3d: {  	[tilespmem:$0x51E0] =	vst v0  }
0x3e: {  	[tilespmem:$0x51F0] =	vst v0  }
0x3f: {  	[tilespmem:$0x5200] =	vst v0  }
0x40: {  	[tilespmem:$0x5210] =	vst v0  }
0x41: {  	[tilespmem:$0x5220] =	vst v0  }
0x42: {  	[tilespmem:$0x5230] =	vst v0  }
0x43: {  	[tilespmem:$0x5240] =	vst v0  }
0x44: {  	[tilespmem:$0x5250] =	vst v0  }
0x45: {  	[dreg:$0x13] =	wrdreg s13;
	[tilespmem:$0x5260] =	vst v0  }
0x46: {  	[tilespmem:$0x5270] =	vst v0;
	s0 =	rddreg [dreg:$0x5]  }
0x47: {  	[spmem:s0] =	stream.linear.scatter [tilespmem:s24], [sflag:$0x7], $0x280, $0x38;
	[tilespmem:$0x5BF8] =	vst v63  }
0x48: {  	_ =	swait.ge [sflag:s26], $0x280  }
0x49: {  	s13 =	sshrl.u32 @!p0 s2, $0x3;
	[sflag:s26] =	ssyncset.done $0x0  }
0x4a: {  	s18 =	simm.s32 @!p0 $0x1C07;
	s0 =	rddreg [dreg:$0x4];
	[sflag:s26] =	ssyncadd.s32 $0xFFFFFD80  }
0x4b: {  	[spmem:s13], [sflag:s18] =	dma.local @!p0 [hbm:s0], $0x4F0  }
0x4c: {  	s13 =	simm.s32 @!p0 $0x7  }
0x4d: {  	_ =	swait.ge @!p0 [sflag:s13], $0x4F0  }
0x4e: {  	[sflag:s13] =	ssyncset.done @!p0 $0x0  }
0x4f: {  	[sflag:s13] =	ssyncadd.s32 @!p0 $0xFFFFFB10  }
0x50: {  	[bflag:$0x0] =	sbarrier.arrive $0xFFFF  }
0x51: {  	s18 =	rddreg [dreg:$0x6]  }
0x52: {  	[tilespmem:s28], [sflag:$0x3] =	stream.linear.gather [hbm4b:s18+s3], $0x7D0, $0x38;
	[tilespmem:$0x5BF8] =	vst v63  }
0x53: {  	s19 =	rddreg [dreg:$0x7]  }
0x54: {  	[tilespmem:s29], [sflag:$0x3] =	stream.linear.gather [hbm4b:s19+s3], $0x7D0, $0x38;
	[tilespmem:$0x5BF8] =	vst v63  }
0x55: {  	s22 =	rddreg [dreg:$0x8]  }
0x56: {  	[tilespmem:s30], [sflag:$0x4] =	stream.linear.gather [hbm4b:s22+s3], $0x7D0, $0x38;
	[tilespmem:$0x5BF8] =	vst v63  }
0x57: {  	s23 =	rddreg [dreg:$0x9]  }
0x58: {  	[tilespmem:s31], [sflag:$0x4] =	stream.linear.gather [hbm4b:s23+s3], $0x7D0, $0x38;
	[tilespmem:$0x5BF8] =	vst v63  }
0x59: {  	s13 =	rddreg [dreg:$0xa];
	s18 =	simm.s32 $0x2000  }
0x5a: {  	[tilespmem:s18], [sflag:$0x5] =	stream.linear.gather [hbm4b:s13+s3], $0x7D0, $0x38;
	[tilespmem:$0x5BF8] =	vst v63  }
0x5b: {  	s19 =	rddreg [dreg:$0xb]  }
0x5c: {  	[tilespmem:s25], [sflag:$0x5] =	stream.linear.gather [hbm4b:s19+s3], $0x7D0, $0x38;
	[tilespmem:$0x5BF8] =	vst v63  }
0x5d: {  	s22 =	rddreg [dreg:$0xc]  }
0x5e: {  	[tilespmem:s4], [sflag:$0x6] =	stream.linear.gather [hbm4b:s22+s3], $0x7D0, $0x38;
	[tilespmem:$0x5BF8] =	vst v63  }
0x5f: {  	s23 =	rddreg [dreg:$0xd]  }
0x60: {  	[tilespmem:s5], [sflag:$0x6] =	stream.linear.gather [hbm4b:s23+s3], $0x7D0, $0x38;
	[tilespmem:$0x5BF8] =	vst v63  }
0x61: {  	_ =	swait.ge [sflag:s6], $0x7D0  }
0x62: {  	[sflag:s6] =	ssyncset.done $0x0  }
0x63: {  	[sflag:s6] =	ssyncadd.s32 $0xFFFFF830  }
0x64: {  	_ =	swait.ge [sflag:s6], $0x7D0  }
0x65: {  	[sflag:s6] =	ssyncset.done $0x0  }
0x66: {  	[sflag:s6] =	ssyncadd.s32 $0xFFFFF830  }
0x67: {  	[tilespmem:s3], [sflag:$0x1] =	stream.indirect.gather [spmem:s2], $0x1, s28, s7, $0xb8;
	[tilespmem:$0x5BF8] =	vst v63  }
0x68: {  	_ =	swait.ge [sflag:s8], $0x7D0  }
0x69: {  	[sflag:s8] =	ssyncset.done $0x0  }
.Ltmp0:
0x6a: {  	[sflag:s8] =	ssyncadd.s32 $0xFFFFF830;
	(pc) =	sbr.rel .LBB2_2-.Ltmp0, $4  }
0x6b: {  	_ =	swait.ge [sflag:s8], $0x7D0  }
0x6c: {  	[sflag:s8] =	ssyncset.done $0x0  }
0x6d: {  	s18 =	simm.s32 $0x0;
	s19 =	simm.s32 $0x0;
	[sflag:s8] =	ssyncadd.s32 $0xFFFFF830  }
0x6e: {  	[tilespmem:s9], [sflag:$0x2] =	stream.indirect.gather [spmem:s2], $0x1, s30, s7, $0xb8;
	[tilespmem:$0x5BF8] =	vst v63  }
.LBB2_4:
0x6f: {  	s18 =	sadd.s32 $0x3E8, s18  }
0x70: {  	p1 =	sne.s32 s18, $0xBB8  }
.Ltmp1:
0x71: {  	_ = 	snop;
	(pc) =	sbr.rel @!p1 .LBB2_5-.Ltmp1, $2  }
0x72: {  	_ =	sdelay $0x2  }
0x73: {  	s19 =	sadd.s32 $0x1, s19  }
.LBB2_2:
0x74: {  	_ =	swait.ge [sflag:s10], $0x7D0  }
0x75: {  	[sflag:s10] =	ssyncset.done $0x0  }
0x76: {  	[sflag:s10] =	ssyncadd.s32 $0xFFFFF830  }
0x77: {  	[spmem:s1] =	stream.indirect.scatter.add.f32 [tilespmem:s3], [sflag:$0x7], $0x1, s29, s7, $0xb8;
	[tilespmem:$0x5BF8] =	vst v63  }
0x78: {  	_ =	swait.ge [sflag:s26], $0x7D0  }
0x79: {  	p1 =	seq.s32 s18, $0x7D0;
	[sflag:s26] =	ssyncset.done $0x0  }
0x7a: {  	s13 =	simm.s32 @!p1 $0x5;
	[sflag:s26] =	ssyncadd.s32 $0xFFFFF830  }
0x7b: {  	_ =	swait.ge @!p1 [sflag:s13], $0x7D0  }
0x7c: {  	[sflag:s13] =	ssyncset.done @!p1 $0x0  }
0x7d: {  	[sflag:s13] =	ssyncadd.s32 @!p1 $0xFFFFF830  }
0x7e: {  	_ =	swait.ge @!p1 [sflag:s13], $0x7D0  }
0x7f: {  	[sflag:s13] =	ssyncset.done @!p1 $0x0  }
0x80: {  	[sflag:s13] =	ssyncadd.s32 @!p1 $0xFFFFF830;
	s13 =	sadd.s32 @!p1 s18, s21  }
0x81: {  	s22 =	simm.s32 @!p1 $0x0;
	s23 =	simm.s32 @!p1 $0x1000;
	s13 =	sadd.s32 @!p1 $0x3E8, s13  }
0x82: {  	[tilespmem:s23], [sflag:$0x3] =	stream.linear.gather @!p1 [hbm4b:s13+s22], $0x7D0, $0x38;
	[tilespmem:$0x5BF8] =	vst v63  }
0x83: {  	s13 =	sadd.s32 @!p1 s18, s20  }
0x84: {  	s23 =	simm.s32 @!p1 $0x3000;
	s13 =	sadd.s32 @!p1 $0x3E8, s13  }
0x85: {  	[tilespmem:s23], [sflag:$0x3] =	stream.linear.gather @!p1 [hbm4b:s13+s22], $0x7D0, $0x38;
	[tilespmem:$0x5BF8] =	vst v63  }
0x86: {  	s13 =	simm.s32 @!p1 $0x7D0;
	s23 =	simm.s32 @!p1 $0x2000  }
0x87: {  	[tilespmem:s22], [sflag:$0x1] =	stream.indirect.gather @!p1 [spmem:s2], $0x1, s23, s13, $0xb8;
	[tilespmem:$0x5BF8] =	vst v63  }
0x88: {  	_ =	swait.ge [sflag:s11], $0x7D0  }
0x89: {  	p1 =	sgt.u32 s19, $0x1;
	[sflag:s11] =	ssyncset.done $0x0  }
.Ltmp2:
0x8a: {  	[sflag:s11] =	ssyncadd.s32 $0xFFFFF830;
	(pc) =	sbr.rel @p1 .LBB2_4-.Ltmp2, $4  }
0x8b: {  	[spmem:s1] =	stream.indirect.scatter.add.f32 [tilespmem:s9], [sflag:$0x7], $0x1, s31, s7, $0xb8;
	[tilespmem:$0x5BF8] =	vst v63  }
0x8c: {  	_ =	swait.ge [sflag:s26], $0x7D0  }
0x8d: {  	[sflag:s26] =	ssyncset.done $0x0  }
0x8e: {  	[sflag:s26] =	ssyncadd.s32 $0xFFFFF830  }
0x8f: {  	_ =	swait.ge [sflag:s12], $0x7D0  }
0x90: {  	[sflag:s12] =	ssyncset.done $0x0  }
0x91: {  	[sflag:s12] =	ssyncadd.s32 $0xFFFFF830  }
0x92: {  	_ =	swait.ge [sflag:s12], $0x7D0  }
0x93: {  	s13 =	sadd.s32 s18, s21;
	[sflag:s12] =	ssyncset.done $0x0  }
0x94: {  	s23 =	sadd.s32 s18, s20;
	s13 =	sadd.s32 $0x4E2, s13;
	[sflag:s12] =	ssyncadd.s32 $0xFFFFF830  }
0x95: {  	[tilespmem:s30], [sflag:$0x4] =	stream.linear.gather [hbm4b:s13+s3], $0x7D0, $0x38;
	[tilespmem:$0x5BF8] =	vst v63  }
0x96: {  	s13 =	sadd.s32 $0x4E2, s23  }
0x97: {  	[tilespmem:s31], [sflag:$0x4] =	stream.linear.gather [hbm4b:s13+s3], $0x7D0, $0x38;
	[tilespmem:$0x5BF8] =	vst v63  }
0x98: {  	_ = 	snop  }
0x99: {  	[tilespmem:s9], [sflag:$0x2] =	stream.indirect.gather [spmem:s2], $0x1, s4, s7, $0xb8;
	[tilespmem:$0x5BF8] =	vst v63  }
0x9a: {  	_ =	swait.ge [sflag:s10], $0x7D0  }
0x9b: {  	[sflag:s10] =	ssyncset.done $0x0  }
0x9c: {  	[sflag:s10] =	ssyncadd.s32 $0xFFFFF830  }
0x9d: {  	[spmem:s1] =	stream.indirect.scatter.add.f32 [tilespmem:s3], [sflag:$0x7], $0x1, s25, s7, $0xb8;
	[tilespmem:$0x5BF8] =	vst v63  }
0x9e: {  	_ =	swait.ge [sflag:s26], $0x7D0  }
0x9f: {  	[sflag:s26] =	ssyncset.done $0x0  }
0xa0: {  	[sflag:s26] =	ssyncadd.s32 $0xFFFFF830  }
0xa1: {  	_ =	swait.ge [sflag:s6], $0x7D0  }
0xa2: {  	[sflag:s6] =	ssyncset.done $0x0  }
0xa3: {  	[sflag:s6] =	ssyncadd.s32 $0xFFFFF830  }
0xa4: {  	_ =	swait.ge [sflag:s6], $0x7D0  }
0xa5: {  	p1 =	sne.s32 s18, $0x0;
	[sflag:s6] =	ssyncset.done $0x0  }
0xa6: {  	s22 =	simm.s32 @!p1 $0x2000;
	s13 =	simm.s32 @!p1 $0x0;
	[sflag:s6] =	ssyncadd.s32 $0xFFFFF830  }
0xa7: {  	[tilespmem:s22], [sflag:$0x5] =	stream.linear.gather @!p1 [hbm4b:s14+s13], $0x7D0, $0x38;
	[tilespmem:$0x5BF8] =	vst v63  }
0xa8: {  	s22 =	simm.s32 @!p1 $0x4000  }
0xa9: {  	[tilespmem:s22], [sflag:$0x5] =	stream.linear.gather @!p1 [hbm4b:s15+s13], $0x7D0, $0x38;
	[tilespmem:$0x5BF8] =	vst v63  }
0xaa: {  	_ = 	snop  }
0xab: {  	[tilespmem:s3], [sflag:$0x1] =	stream.indirect.gather [spmem:s2], $0x1, s28, s7, $0xb8;
	[tilespmem:$0x5BF8] =	vst v63  }
0xac: {  	_ =	swait.ge [sflag:s11], $0x7D0  }
0xad: {  	[sflag:s11] =	ssyncset.done $0x0  }
0xae: {  	[sflag:s11] =	ssyncadd.s32 $0xFFFFF830  }
0xaf: {  	[spmem:s1] =	stream.indirect.scatter.add.f32 [tilespmem:s9], [sflag:$0x7], $0x1, s5, s7, $0xb8;
	[tilespmem:$0x5BF8] =	vst v63  }
0xb0: {  	_ =	swait.ge [sflag:s26], $0x7D0  }
0xb1: {  	[sflag:s26] =	ssyncset.done $0x0  }
0xb2: {  	[sflag:s26] =	ssyncadd.s32 $0xFFFFF830  }
0xb3: {  	_ =	swait.ge [sflag:s8], $0x7D0  }
0xb4: {  	[sflag:s8] =	ssyncset.done $0x0  }
0xb5: {  	[sflag:s8] =	ssyncadd.s32 $0xFFFFF830  }
0xb6: {  	_ =	swait.ge [sflag:s8], $0x7D0  }
0xb7: {  	[sflag:s8] =	ssyncset.done $0x0  }
0xb8: {  	s22 =	simm.s32 @!p1 $0x2800;
	[sflag:s8] =	ssyncadd.s32 $0xFFFFF830  }
0xb9: {  	[tilespmem:s22], [sflag:$0x6] =	stream.linear.gather @!p1 [hbm4b:s16+s13], $0x7D0, $0x38;
	[tilespmem:$0x5BF8] =	vst v63  }
.Ltmp3:
0xba: {  	_ = 	snop;
	(pc) =	sbr.rel .LBB2_4-.Ltmp3, $4  }
0xbb: {  	s22 =	simm.s32 @!p1 $0x4800  }
0xbc: {  	[tilespmem:s22], [sflag:$0x6] =	stream.linear.gather @!p1 [hbm4b:s17+s13], $0x7D0, $0x38;
	[tilespmem:$0x5BF8] =	vst v63  }
0xbd: {  	_ = 	snop  }
0xbe: {  	[tilespmem:s9], [sflag:$0x2] =	stream.indirect.gather [spmem:s2], $0x1, s30, s7, $0xb8;
	[tilespmem:$0x5BF8] =	vst v63  }
.LBB2_5:
0xbf: {  	[bflag:$0x0] =	sbarrier.arrive $0xFFFF  }
0xc0: {  	s0 =	rddreg [dreg:$0xe]  }
0xc1: {  	[tilespmem:s24], [sflag:$0x7] =	stream.linear.gather [spmem:s0], $0x140, $0x38;
	[tilespmem:$0x5BF8] =	vst v63  }
0xc2: {  	_ =	swait.ge [sflag:s26], $0x140  }
0xc3: {  	s13 =	simm.s32 $0x0;
	[sflag:s26] =	ssyncset.done $0x0  }
0xc4: {  	s18 =	simm.s32 $0x5280;
	s23 =	rddreg [dreg:$0xf];
	[sflag:s26] =	ssyncadd.s32 $0xFFFFFEC0  }
0xc5: {  	[tilespmem:s18], [sflag:$0x7] =	stream.linear.gather [hbm4b:s23+s13], $0x140, $0x38;
	[tilespmem:$0x5BF8] =	vst v63  }
0xc6: {  	_ =	swait.ge [sflag:s26], $0x140  }
0xc7: {  	[sflag:s26] =	ssyncset.done $0x0  }
0xc8: {  	s25 =	simm.s32 $0x5400;
	s24 =	rddreg [dreg:$0x10];
	[sflag:s26] =	ssyncadd.s32 $0xFFFFFEC0  }
0xc9: {  	[tilespmem:s25], [sflag:$0x7] =	stream.linear.gather [hbm4b:s24+s13], $0x140, $0x38;
	[tilespmem:$0x5BF8] =	vst v63  }
0xca: {  	_ =	swait.ge [sflag:s26], $0x140  }
0xcb: {  	[sflag:s26] =	ssyncset.done $0x0  }
0xcc: {  	s18 =	simm.s32 $0x0;
	[sflag:s26] =	ssyncadd.s32 $0xFFFFFEC0  }
0xcd: {  	v1 =	vld [tilespmem:s18+$0x5400]  }
0xce: {  	v2 =	vld [tilespmem:s18+$0x5000];
	_ =	sdelay $0x1  }
0xcf: {  	s19 =	simm.s32 $0x10;
	v3 =	vld [tilespmem:s18+$0x5280]  }
0xd0: {  	v4 =	vld [tilespmem:s19+$0x5400]  }
0xd1: {  	v5 =	vld [tilespmem:s19+$0x5000]  }
0xd2: {  	v1 =	vmul.f32 v2, v1  }
0xd3: {  	v6 =	vld [tilespmem:s19+$0x5280]  }
0xd4: {  	v1 =	vsub.f32 v1, v3;
	_ =	sdelay $0x1  }
0xd5: {  	s25 =	simm.s32 $0x20;
	v2 =	vmul.f32 v5, v4;
	v1 =	vadd.f32 $0.0e+00, v1  }
0xd6: {  	v4 =	vld [tilespmem:s25+$0x5000]  }
0xd7: {  	v3 =	vld [tilespmem:s25+$0x5400];
	v2 =	vsub.f32 v2, v6;
	v1 =	vmul.f32 $1.442695020e+00, v1;
	_ =	sdelay $0x1  }
0xd8: {  	s22 =	simm.s32 $0x30;
	v5 =	vld [tilespmem:s25+$0x5280];
	v2 =	vadd.f32 $0.0e+00, v2;
	(erf) = vpow2.f32 v1  }
0xd9: {  	v6 =	vld [tilespmem:s22+$0x5400]  }
0xda: {  	v1 =	vmul.f32 $1.442695020e+00, v2;
	v2 =	vld [tilespmem:s22+$0x5000]  }
0xdb: {  	v3 =	vmul.f32 v4, v3  }
0xdc: {  	(erf) = vpow2.f32 v1;
	v1 =	vld [tilespmem:s22+$0x5280]  }
0xdd: {  	v3 =	vsub.f32 v3, v5  }
0xde: {  	s23 =	simm.s32 $0x40  }
0xdf: {  	v4 =	vld [tilespmem:s23+$0x5400];
	v3 =	vadd.f32 $0.0e+00, v3;
	v2 =	vmul.f32 v2, v6  }
0xe0: {  	v5 =	vld [tilespmem:s23+$0x5000]  }
0xe1: {  	v3 =	vmul.f32 $1.442695020e+00, v3;
	v1 =	vsub.f32 v2, v1;
	v6 =	vpop (erf)  }
0xe2: {  	v6 =	vadd.f32 $1.000000000e+00, v6  }
0xe3: {  	v2 =	vld [tilespmem:s23+$0x5280];
	(erf) = vpow2.f32 v3;
	v1 =	vadd.f32 $0.0e+00, v1  }
0xe4: {  	(erf) = vrcp.f32 v6  }
0xe5: {  	v4 =	vmul.f32 v5, v4;
	v3 =	vpop (erf);
	v5 =	vmul.f32 $1.442695020e+00, v1  }
0xe6: {  	s24 =	simm.s32 $0x50;
	v6 =	vadd.f32 $1.000000000e+00, v3  }
0xe7: {  	v1 =	vld [tilespmem:s24+$0x5400];
	(erf) = vpow2.f32 v5  }
0xe8: {  	v4 =	vsub.f32 v4, v2;
	v2 =	vld [tilespmem:s24+$0x5000];
	(erf) = vrcp.f32 v6;
	_ =	sdelay $0x1  }
0xe9: {  	v3 =	vld [tilespmem:s24+$0x5280]  }
0xea: {  	s13 =	simm.s32 $0x180;
	v4 =	vadd.f32 $0.0e+00, v4  }
.LBB2_6:
0xeb: {  	s0 =	sshra.s32 s13, $0x2;
	v5 =	vpop (erf);
	p1 =	sne.s32 s13, $0x4C0  }
.Ltmp4:
0xec: {  	v6 =	vmul.f32 v2, v1;
	v1 =	vld [tilespmem:s0+$0x5400];
	v4 =	vmul.f32 $1.442695020e+00, v4;
	v7 =	vpop (erf);
	(pc) =	sbr.rel @p1 .LBB2_6-.Ltmp4, $4  }
0xed: {  	s13 =	sadd.s32 $0x40, s13;
	v5 =	vadd.f32 $1.000000000e+00, v5;
	v2 =	vld [tilespmem:s0+$0x5000];
	[tilespmem:s18+$0x5580] =	vst v7;
	s18 =	smov.u32 s19  }
0xee: {  	s19 =	smov.u32 s25;
	s25 =	smov.u32 s22;
	s22 =	smov.u32 s23;
	v6 =	vsub.f32 v6, v3;
	(erf) = vpow2.f32 v4  }
0xef: {  	s23 =	smov.u32 s24;
	s24 =	smov.u32 s0;
	v3 =	vld [tilespmem:s0+$0x5280];
	(erf) = vrcp.f32 v5  }
0xf0: {  	v4 =	vadd.f32 $0.0e+00, v6  }
0xf1: {  	_ = 	snop  }
0xf2: {  	v1 =	vmul.f32 v2, v1;
	_ =	sdelay $0x1  }
0xf3: {  	v1 =	vsub.f32 v1, v3;
	_ =	sdelay $0x1  }
0xf4: {  	v2 =	vpop (erf);
	v3 =	vmul.f32 $1.442695020e+00, v4;
	v1 =	vadd.f32 $0.0e+00, v1  }
0xf5: {  	v2 =	vadd.f32 $1.000000000e+00, v2  }
0xf6: {  	(erf) = vpow2.f32 v3;
	v1 =	vmul.f32 $1.442695020e+00, v1  }
0xf7: {  	(erf) = vrcp.f32 v2  }
0xf8: {  	(erf) = vpow2.f32 v1;
	_ =	sdelay $0x3  }
0xf9: {  	v1 =	vpop (erf)  }
0xfa: {  	v2 =	vpop (erf)  }
0xfb: {  	v3 =	vpop (erf)  }
0xfc: {  	v63 =	vpop (erf)  }
0xfd: {  	v2 =	vadd.f32 $1.000000000e+00, v2;
	v5 =	vpop (erf)  }
0xfe: {  	v4 =	vadd.f32 $1.000000000e+00, v63;
	v6 =	vpop (erf)  }
0xff: {  	(erf) = vrcp.f32 v2;
	v2 =	vadd.f32 $1.000000000e+00, v6  }
0x100: {  	(erf) = vrcp.f32 v4  }
0x101: {  	(erf) = vrcp.f32 v2;
	_ =	sdelay $0x4  }
0x102: {  	[tilespmem:s18+$0x5580] =	vst v1  }
0x103: {  	[tilespmem:s19+$0x5580] =	vst v3  }
0x104: {  	[tilespmem:s25+$0x5580] =	vst v5;
	v1 =	vpop (erf)  }
0x105: {  	[tilespmem:s22+$0x5580] =	vst v1;
	v1 =	vpop (erf)  }
0x106: {  	[tilespmem:s23+$0x5580] =	vst v1;
	v1 =	vpop (erf)  }
0x107: {  	s0 =	rddreg [dreg:$0x11];
	s13 =	simm.s32 $0x5580;
	[tilespmem:s24+$0x5580] =	vst v1  }
0x108: {  	[hbm4b:s0+s3] =	stream.linear.scatter [tilespmem:s13], [sflag:$0x7], $0x140, $0x38;
	[tilespmem:$0x5BF8] =	vst v63  }
0x109: {  	_ =	swait.ge [sflag:s26], $0x140  }
0x10a: {  	s24 =	rddreg [dreg:$0x13]  }
0x10b: {  	s25 =	rddreg [dreg:$0x12];
	s13 =	sadd.s32 $0x1, s24  }
0x10c: {  	p1 =	sne.s32 s13, s25  }
.Ltmp5:
0x10d: {  	_ = 	snop;
	(pc) =	sbr.rel @p1 .LBB2_1-.Ltmp5, $3  }
0x10e: {  	_ =	sdelay $0x1  }
0x10f: {  	[sflag:s26] =	ssyncset.done $0x0  }
0x110: {  	[sflag:s26] =	ssyncadd.s32 $0xFFFFFEC0;
	s24 =	simm.s32 $0x5000;
	s25 =	simm.s32 $0x4000  }
0x111: {  	_ =	sfence.sel $0x180000  }
0x112: {  	[bflag:$0x0] =	sbarrier.arrive $0xFFFF  }
0x113: {  	_ =	strace $0x9000004D  }
0x114: {  	[bflag:$0x2] =	sbarrier.arrive $0xFFFF  }
0x115: {  	s0 =	rddreg [dreg:$0x3]  }
0x116: {  	s0 =	sadd.s32 @!p0 $0x100000, s0  }
0x117: {  	[sflag:s0] =	ssyncadd.tile.s32 @!p0 $0x1;
	_ =	shalt  }
.Lfunc_end2:
_tile_overlayer_lowered:
.L_overlay_start_2:
0x118: {  	(tag) =	ssettag $0x2  }
0x119: {  	s0 =	rddreg [dreg:$0x0];
	s2 =	stileid.u32  }
0x11a: {  	s1 =	rddreg [dreg:$0x1];
	p0 =	sne.s32 s2, $0x0  }
0x11b: {  	s3 =	rddreg [dreg:$0x2];
	[bflag:$0x3] =	sbarrier.arrive $0xFFFF;
	s2 =	simm.s32 @!p0 $0x1C07  }
0x11c: {  	[timem:s3], [sflag:s2] =	dma.local @!p0 [hbm:s0], s1  }
0x11d: {  	s0 =	simm.s32 @!p0 $0x7  }
0x11e: {  	_ =	swait.ge @!p0 [sflag:s0], s1  }
0x11f: {  	s1 =	ssub.s32 @!p0 $0x0, s1;
	[sflag:s0] =	ssyncset.done @!p0 $0x0  }
0x120: {  	[sflag:s0] =	ssyncadd.s32 @!p0 s1  }
0x121: {  	[bflag:$0x3] =	sbarrier.arrive $0xFFFF  }
0x122: {  	_ =	shalt  }

// kernel: kernel.7.cloned.1.call-start
scs
__scs_entry_jumppad:
0x0: {  	(pc) =	sbr.rel $0x88, $3  }
0x1: {  	(tag) =	ssettag $0x0;
	lr =	simm.s32 $0x1  }
0x2: {  	[smem:$0x3F99] =	sst lr;
	_ =	strace $0xD0000000  }
0x3: {  	_ = 	snop  }
0x4: {  	_ = 	snop  }
0x5: {  	_ = 	snop  }
0x6: {  	_ = 	snop  }
0x7: {  	_ = 	snop  }
__scs_overlays_trampoline_lowered:
0x8: {  	[smem:$0x3FA8] =	sst s0  }
0x9: {  	[smem:$0x3FA9] =	sst s1  }
0xa: {  	[smem:$0x3FAA] =	sst s2  }
0xb: {  	[smem:$0x3FAB] =	sst s3  }
0xc: {  	[smem:$0x3FAC] =	sst s4  }
0xd: {  	[smem:$0x3FAD] =	sst s5  }
0xe: {  	[smem:$0x3FAE] =	sst s6  }
0xf: {  	[smem:$0x3FAF] =	sst s7  }
0x10: {  	[smem:$0x3FB0] =	sst s8  }
0x11: {  	[smem:$0x3FB1] =	sst s9;
	s0 =	simm.s32 @!p0 $0x0  }
0x12: {  	s1 =	sld [smem:$0x3F97];
	s0 =	simm.s32 @p0 $0x1  }
0x13: {  	[smem:$0x3FB2] =	sst s0;
	s0 =	simm.s32 @!p1 $0x0  }
0x14: {  	s2 =	sld [smem:$0x3F96];
	s0 =	simm.s32 @p1 $0x1  }
0x15: {  	[smem:$0x3FB3] =	sst s0;
	s0 =	simm.s32 @!p2 $0x0  }
0x16: {  	s3 =	sld [smem:$0x3FDB];
	s0 =	simm.s32 @p2 $0x1  }
0x17: {  	s4 =	simm.s32 $0x1BF5;
	[smem:$0x3FB5] =	sst s0  }
0x18: {  	s0 =	sld [smem:$0x3F98];
	_ =	swait.ge [sflag:s4], $0x0  }
0x19: {  	s7 =	sld [smem:$0x3F99]  }
0x1a: {  	s8 =	sadd.s32 $0xFFFFE003, lr  }
0x1b: {  	s9 =	sadd.s32 $0xFFFFFEF7, lr;
	s5 =	simm.s32 $0xFFFFFFFF;
	p2 =	slt.u32 s8, $0xFFFFF086  }
0x1c: {  	p1 =	slt.u32 s9, $0xF7A;
	s5 =	simm.s32 @!p2 $0x0  }
0x1d: {  	s5 =	simm.s32 @p1 $0x1;
	p0 =	seq.s32 s7, s2  }
0x1e: {  	s7 =	smul.u32 @!p0 $0xF7A, s2;
	p2 =	seq.s32 @!p0 s5, $0x0  }
0x1f: {  	s9 =	smul.u32 $0xF7A, s1;
	s8 =	simm.s32 @!p0 $0x1BF5;
	p2 =	por !p2, p0  }
0x20: {  	[sflag:s8] =	ssyncset.s32 @!p0 $0xFFFFF086;
	s6 =	sadd.s32 @!p0 s3, s7;
	s7 =	simm.s32 @!p0 $0x108  }
0x21: {  	s3 =	sadd.s32 s3, s9;
	s6 =	sadd.s32 @!p0 $0x88, s6;
	s7 =	simm.s32 @p2 $0x1082  }
0x22: {  	[simem:s7], [sflag:s8] =	dma.local @!p0 [hbm:s6], $0xF7A  }
0x23: {  	s9 =	sor.u32 $0xD0000000, s2;
	s6 =	simm.s32 $0x108;
	_ =	swait.ge @!p0 [sflag:s8], $0x0  }
0x24: {  	s3 =	sadd.s32 $0x88, s3;
	s6 =	simm.s32 @!p1 $0x1082;
	[sflag:s4] =	ssyncset.s32 $0xFFFFF086  }
0x25: {  	[simem:s6], [sflag:s4] =	dma.local [hbm:s3], $0xF7A  }
0x26: {  	[smem:$0x3F99] =	sst s1;
	(tag) =	ssettag s2;
	_ =	strace s9  }
0x27: {  	s1 =	sld [smem:$0x3FA9]  }
0x28: {  	s2 =	sld [smem:$0x3FAA]  }
0x29: {  	s4 =	sld [smem:$0x3FAC]  }
0x2a: {  	p0 =	seq.s32 s5, $0x0;
	s5 =	sld [smem:$0x3FAD]  }
0x2b: {  	s6 =	sld [smem:$0x3FAE]  }
0x2c: {  	s7 =	sld [smem:$0x3FAF]  }
0x2d: {  	s3 =	simm.s32 $0x108;
	s8 =	sld [smem:$0x3FB0]  }
0x2e: {  	s3 =	simm.s32 @!p0 $0x1082;
	s9 =	sld [smem:$0x3FB1]  }
0x2f: {  	lr =	sadd.s32 s0, s3;
	s0 =	sld [smem:$0x3FA8]  }
0x30: {  	s3 =	sld [smem:$0x3FAB]  }
0x31: {  	[smem:$0x3FB4] =	sst s10  }
0x32: {  	s10 =	sld [smem:$0x3FB2];
	_ =	sdelay $0x3  }
0x33: {  	p0 =	seq.s32 s10, $0x1;
	s10 =	sld [smem:$0x3FB4];
	_ =	sdelay $0x3  }
0x34: {  	[smem:$0x3FB4] =	sst s10  }
0x35: {  	s10 =	sld [smem:$0x3FB3];
	_ =	sdelay $0x3  }
0x36: {  	p1 =	seq.s32 s10, $0x1;
	s10 =	sld [smem:$0x3FB4];
	_ =	sdelay $0x3  }
0x37: {  	[smem:$0x3FB4] =	sst s10  }
0x38: {  	s10 =	sld [smem:$0x3FB5]  }
0x39: {  	_ = 	snop;
	(pc) =	sbr.ind lr, $3  }
0x3a: {  	_ = 	snop  }
0x3b: {  	_ = 	snop  }
0x3c: {  	p2 =	seq.s32 s10, $0x1;
	s10 =	sld [smem:$0x3FB4]  }
0x3d: {  	_ =	shalt  }
0x3e: {  	_ =	shalt  }
0x3f: {  	_ =	shalt  }
0x40: {  	_ =	shalt  }
0x41: {  	_ =	shalt  }
0x42: {  	_ =	shalt  }
0x43: {  	_ =	shalt  }
0x44: {  	_ =	shalt  }
0x45: {  	_ =	shalt  }
0x46: {  	_ =	shalt  }
0x47: {  	_ =	shalt  }
0x48: {  	_ =	shalt  }
0x49: {  	_ =	shalt  }
0x4a: {  	_ =	shalt  }
0x4b: {  	_ =	shalt  }
0x4c: {  	_ =	shalt  }
0x4d: {  	_ =	shalt  }
0x4e: {  	_ =	shalt  }
0x4f: {  	_ =	shalt  }
0x50: {  	_ =	shalt  }
0x51: {  	_ =	shalt  }
0x52: {  	_ =	shalt  }
0x53: {  	_ =	shalt  }
0x54: {  	_ =	shalt  }
0x55: {  	_ =	shalt  }
0x56: {  	_ =	shalt  }
0x57: {  	_ =	shalt  }
0x58: {  	_ =	shalt  }
0x59: {  	_ =	shalt  }
0x5a: {  	_ =	shalt  }
0x5b: {  	_ =	shalt  }
0x5c: {  	_ =	shalt  }
0x5d: {  	_ =	shalt  }
0x5e: {  	_ =	shalt  }
0x5f: {  	_ =	shalt  }
0x60: {  	_ =	shalt  }
0x61: {  	_ =	shalt  }
0x62: {  	_ =	shalt  }
0x63: {  	_ =	shalt  }
0x64: {  	_ =	shalt  }
0x65: {  	_ =	shalt  }
0x66: {  	_ =	shalt  }
0x67: {  	_ =	shalt  }
0x68: {  	_ =	shalt  }
0x69: {  	_ =	shalt  }
0x6a: {  	_ =	shalt  }
0x6b: {  	_ =	shalt  }
0x6c: {  	_ =	shalt  }
0x6d: {  	_ =	shalt  }
0x6e: {  	_ =	shalt  }
0x6f: {  	_ =	shalt  }
0x70: {  	_ =	shalt  }
0x71: {  	_ =	shalt  }
0x72: {  	_ =	shalt  }
0x73: {  	_ =	shalt  }
0x74: {  	_ =	shalt  }
0x75: {  	_ =	shalt  }
0x76: {  	_ =	shalt  }
0x77: {  	_ =	shalt  }
0x78: {  	_ =	shalt  }
0x79: {  	_ =	shalt  }
0x7a: {  	_ =	shalt  }
0x7b: {  	_ =	shalt  }
0x7c: {  	_ =	shalt  }
0x7d: {  	_ =	shalt  }
0x7e: {  	_ =	shalt  }
0x7f: {  	_ =	shalt  }
0x80: {  	_ =	shalt  }
0x81: {  	_ =	shalt  }
0x82: {  	_ =	shalt  }
0x83: {  	_ =	shalt  }
0x84: {  	_ =	shalt  }
0x85: {  	_ =	shalt  }
0x86: {  	_ =	shalt  }
0x87: {  	_ =	shalt  }
.Lfunc_end0:
.L_simem_size_0:
called_computation_lowered:
.L_overlay_start_0:
0x88: {  	s2 =	sld [smem:$0x3FD9]  }
0x89: {  	s3 =	sld [smem:$0x3FFE];
	_ =	sdelay $0x1  }
0x8a: {  	s1 =	srdreg.scid  }
0x8b: {  	s0 =	sand.u32 $0x1, s1  }
0x8c: {  	s16 =	sshll.u32 s0, $0xA;
	s2 =	sadd.s32 s3, s2  }
0x8d: {  	s2 =	sadd.s32 s2, s16  }
0x8e: {  	[smem:$0x3FC0] =	sst s2  }
0x8f: {  	_ = 	snop  }
0x90: {  	(tm) =	ssettm $0x1  }
0x91: {  	s17 =	sld [smem:$0x3FFB];
	_ =	sdelay $0x3  }
0x92: {  	_ =	strace s17  }
0x93: {  	s2 =	sld [smem:$0x3FFC];
	_ =	sdelay $0x3  }
0x94: {  	_ =	strace s2  }
0x95: {  	s2 =	sld [smem:$0x3FFD];
	_ =	sdelay $0x3  }
0x96: {  	_ =	strace s2  }
0x97: {  	_ =	strace $0x8FFFFFFF  }
0x98: {  	s18 =	sld [smem:$0x3FDB];
	_ =	sdelay $0x1  }
0x99: {  	s19 =	simm.s32 $_scs_section_size  }
0x9a: {  	s4 =	simm.s32 $_size__tile_overlayer_lowered;
	s5 =	simm.s32 $_tile_overlayer_lowered  }
0x9b: {  	s22 =	simm.s32 $0x1BFF;
	s21 =	sshll.u32 s5, $0x1;
	s2 =	sadd.s32 s19, s18  }
0x9c: {  	s6 =	simm.s32 $0x0;
	s20 =	sshll.u32 s4, $0x1;
	s4 =	sadd.s32 s21, s2  }
0x9d: {  	[timem:s6], [sflag:s22] =	dma.local [hbm:s4], s20  }
0x9e: {  	_ =	swait.ge [sflag:s22], s20  }
0x9f: {  	s3 =	ssub.s32 $0x0, s20;
	[sflag:s22] =	ssyncset.done $0x0  }
0xa0: {  	[sflag:s22] =	ssyncadd.s32 s3;
	_ =	sdelay $0x1  }
0xa1: {  	s23 =	simm.s32 $0x1B8B  }
0xa2: {  	_ =	swait.ge [sflag:s23], $0x1  }
0xa3: {  	[sflag:s23] =	ssyncset.done $0x0  }
0xa4: {  	s25 =	simm.s32 $0x1B8E;
	s24 =	sld [smem:$0x3FFE];
	[sflag:s23] =	ssyncadd.s32 $0xFFFFFFFF  }
0xa5: {  	s26 =	simm.s32 $execute0_lowered;
	[smem:$0x3FD2] =	sst s25  }
0xa6: {  	s4 =	sshll.u32 s26, $0x1;
	_ =	strace $0x80000046;
	[dreg:$0x1] =	wrdreg $0xFFFFFFFF  }
0xa7: {  	s28 =	simm.s32 $_size_execute0_lowered;
	s2 =	sadd.s32 s2, s4;
	[dreg:$0x0] =	wrdreg $0x0  }
0xa8: {  	s4 =	sshll.u32 s28, $0x1;
	[dreg:$0x2] =	wrdreg s2  }
0xa9: {  	[dreg:$0x3] =	wrdreg s4  }
0xaa: {  	[dreg:$0x4] =	wrdreg $0xC0  }
0xab: {  	_ =	task [dreg:s6], $0x5FFFF  }
0xac: {  	[dreg:$0x1] =	wrdreg $0xFFFFFFFF  }
0xad: {  	[dreg:$0x0] =	wrdreg $0x60  }
0xae: {  	[dreg:$0x2] =	wrdreg s24  }
0xaf: {  	[dreg:$0x3] =	wrdreg $0x1A800  }
0xb0: {  	[dreg:$0x4] =	wrdreg $0x9  }
0xb1: {  	_ =	task.clear_ibuf [dreg:s6], $0x5FFFF;
	_ =	strace $0x90000046  }
0xb2: {  	s29 =	simm.s32 $0x9;
	_ =	strace $0x80000048  }
0xb3: {  	_ =	swait.ge [sflag:s29], $0x1  }
0xb4: {  	[sflag:s29] =	ssyncadd.s32 $0xFFFFFFFF  }
0xb5: {  	_ =	strace $0x90000048  }
0xb6: {  	_ =	sfence  }
0xb7: {  	s30 =	sld [smem:$0x0];
	_ =	sdelay $0x2  }
0xb8: {  	s31 =	sshll.u32 s1, $0xD;
	s1 =	sshrl.u32 s1, $0x2  }
0xb9: {  	s3 =	sand.u32 $0x4000, s31;
	s1 =	sadd.s32 s1, s30  }
0xba: {  	s0 =	sor.u32 s3, s0;
	s1 =	sshll.u32 s1, $0x11  }
0xbb: {  	s0 =	sor.u32 s1, s0  }
0xbc: {  	s0 =	sadd.s32 $0x8F2B, s0  }
0xbd: {  	[sflag:s0] =	ssyncadd.remote.s32 $0x1  }
0xbe: {  	_ =	sfence.sel $0xFFFF  }
0xbf: {  	[dreg:$0x0] =	wrdreg $0xFFFFFFFF;
	(pc) =	sbr.abs _section_cstart, $3  }
0xc0: {  	[dreg:$0x1] =	wrdreg $0xFFFFFFFF  }
0xc1: {  	_ =	task.clear_ibuf [dreg:s6], $0x2FFFF;
	_ =	strace $0x9FFFFFFF  }
0xc2: {  	(tm) =	ssettm $0x7FFFFFFF  }
0xc3: {  	_ =	shalt  }
tec
execute0_lowered:
.L_overlay_start_1:
0x0: {  	(tag) =	ssettag $0x1  }
0x1: {  	s5 =	rddreg [dreg:$0x0]  }
0x2: {  	s0 =	srdreg.scid;
	s2 =	rddreg [dreg:$0x1]  }
0x3: {  	s3 =	simm.s32 $0x0;
	s12 =	simm.s32 $0x800;
	s13 =	simm.s32 $0x1000  }
0x4: {  	s14 =	simm.s32 $0x1800;
	s15 =	simm.s32 $0x3;
	s16 =	simm.s32 $0x1  }
0x5: {  	s17 =	simm.s32 $0x7D0;
	s18 =	simm.s32 $0x2;
	s21 =	simm.s32 $0x20  }
0x6: {  	s22 =	simm.s32 $0x10;
	s23 =	simm.s32 $0x0;
	s4 =	sand.u32 $0x1, s0  }
0x7: {  	s0 =	stileid.u32;
	[smem:$0x7FF] =	sst s3;
	s1 =	sshll.u32 s4, $0x4  }
0x8: {  	s7 =	smul.u32 $0x500, s0;
	s8 =	sshll.u32 s4, $0x7;
	s4 =	ssub.s32 $0x2, s4  }
0x9: {  	s28 =	smul.u32 $0xA00, s0;
	s19 =	sshll.u32 s0, $0x6;
	s6 =	sor.u32 s0, s1  }
0xa: {  	s1 =	rddreg [dreg:$0x2];
	_ =	strace $0x80000047;
	s6 =	smul.u32 $0x2710, s6  }
0xb: {  	s30 =	sshrl.u32 s4, $0x1;
	s19 =	sor.u32 $0x1C03, s19;
	s7 =	sor.u32 s8, s7  }
0xc: {  	s10 =	ssub.s32 s4, s30;
	s29 =	sshrl.u32 s7, $0x3;
	s6 =	sshrl.u32 s6, $0x3  }
0xd: {  	s31 =	sshrl.u32 s28, $0x2;
	s9 =	sadd.s32 s29, s5;
	s11 =	sadd.s32 s6, s5  }
0xe: {  	s6 =	sadd.s32 s31, s2;
	s8 =	sadd.s32 $0x15800, s9;
	s9 =	smax.u32 s10, $0x1  }
0xf: {  	s4 =	sadd.s32 $0xBA00, s11;
	s5 =	sadd.s32 $0xBAFA, s11;
	s7 =	sadd.s32 $0xBCEE, s11  }
0x10: {  	v0 =	vimm.f32 $1.000000000e+00;
	v1 =	vimm.f32 $0.0e+00;
	s10 =	sadd.s32 $0xBBF4, s11;
	s11 =	sadd.s32 $0xBDE8, s11;
	s20 =	sshrl.u32 s6, $0x3  }
.LBB2_1:
0x11: {  	s24 =	simm.s32 $0x40;
	s25 =	simm.s32 $0x0  }
.LBB2_2:
0x12: {  	p0 =	sne.s32 s24, $0x1F00;
	[tilespmem:s25+$0x0] =	vst v0;
	s25 =	smov.u32 s24;
	s24 =	sadd.s32 $0x40, s24  }
.Ltmp0:
0x13: {  	(pc) =	sbr.rel @p0 .LBB2_2-.Ltmp0, $2  }
0x14: {  	_ =	sdelay $0x2  }
0x15: {  	s25 =	sshra.s32 s25, $0x2  }
0x16: {  	[tilespmem:s25+$0x0] =	vst v0  }
0x17: {  	[tilespmem:$0x1800] =	vst v1  }
0x18: {  	[tilespmem:$0x1810] =	vst v1  }
0x19: {  	[tilespmem:$0x1820] =	vst v1  }
0x1a: {  	[tilespmem:$0x1830] =	vst v1  }
0x1b: {  	[tilespmem:$0x1840] =	vst v1  }
0x1c: {  	[tilespmem:$0x1850] =	vst v1  }
0x1d: {  	[tilespmem:$0x1860] =	vst v1  }
0x1e: {  	[tilespmem:$0x1870] =	vst v1  }
0x1f: {  	[tilespmem:$0x1880] =	vst v1  }
0x20: {  	[tilespmem:$0x1890] =	vst v1  }
0x21: {  	[tilespmem:$0x18A0] =	vst v1  }
0x22: {  	[tilespmem:$0x18B0] =	vst v1  }
0x23: {  	[tilespmem:$0x18C0] =	vst v1  }
0x24: {  	[tilespmem:$0x18D0] =	vst v1  }
0x25: {  	[tilespmem:$0x18E0] =	vst v1  }
0x26: {  	[tilespmem:$0x18F0] =	vst v1  }
0x27: {  	[tilespmem:$0x1900] =	vst v1  }
0x28: {  	[tilespmem:$0x1910] =	vst v1  }
0x29: {  	[tilespmem:$0x1920] =	vst v1  }
0x2a: {  	[tilespmem:$0x1930] =	vst v1  }
0x2b: {  	[tilespmem:$0x1940] =	vst v1  }
0x2c: {  	[tilespmem:$0x1950] =	vst v1  }
0x2d: {  	[tilespmem:$0x1960] =	vst v1  }
0x2e: {  	[tilespmem:$0x1970] =	vst v1  }
0x2f: {  	[tilespmem:$0x1980] =	vst v1  }
0x30: {  	[tilespmem:$0x1990] =	vst v1  }
0x31: {  	[tilespmem:$0x19A0] =	vst v1  }
0x32: {  	[tilespmem:$0x19B0] =	vst v1  }
0x33: {  	[tilespmem:$0x19C0] =	vst v1  }
0x34: {  	[tilespmem:$0x19D0] =	vst v1  }
0x35: {  	[tilespmem:$0x19E0] =	vst v1  }
0x36: {  	[tilespmem:$0x19F0] =	vst v1  }
0x37: {  	[tilespmem:$0x1A00] =	vst v1  }
0x38: {  	[tilespmem:$0x1A10] =	vst v1  }
0x39: {  	[tilespmem:$0x1A20] =	vst v1  }
0x3a: {  	[tilespmem:$0x1A30] =	vst v1  }
0x3b: {  	[tilespmem:$0x1A40] =	vst v1  }
0x3c: {  	[tilespmem:$0x1A50] =	vst v1  }
0x3d: {  	[tilespmem:$0x1A60] =	vst v1  }
0x3e: {  	[tilespmem:$0x1A70] =	vst v1  }
0x3f: {  	[tilespmem:s12], [sflag:$0x1] =	stream.linear.gather [hbm4b:s4+s3], $0x7D0, $0x38;
	[tilespmem:$0x1D00] =	vst v63  }
0x40: {  	_ = 	snop  }
0x41: {  	[tilespmem:s13], [sflag:$0x2] =	stream.linear.gather [hbm4b:s5+s3], $0x7D0, $0x38;
	[tilespmem:$0x1D00] =	vst v63  }
0x42: {  	_ = 	snop  }
0x43: {  	[spmem:s6] =	stream.linear.scatter [tilespmem:s14], [sflag:$0x3], $0x280, $0x38;
	[tilespmem:$0x1D00] =	vst v63  }
0x44: {  	_ =	swait.ge [sflag:s15], $0x280  }
0x45: {  	[sflag:s15] =	ssyncset.done $0x0  }
0x46: {  	[sflag:s15] =	ssyncadd.s32 $0xFFFFFD80  }
0x47: {  	[bflag:$0x0] =	sbarrier.arrive $0xFFFF  }
0x48: {  	_ =	swait.ge [sflag:s16], $0x7D0  }
0x49: {  	[sflag:s16] =	ssyncset.done $0x0  }
0x4a: {  	[sflag:s16] =	ssyncadd.s32 $0xFFFFF830  }
0x4b: {  	[spmem:s2] =	stream.indirect.scatter.add.f32 [tilespmem:s3], [sflag:$0x3], $0x1, s12, s17, $0xb8;
	[tilespmem:$0x1D00] =	vst v63  }
0x4c: {  	_ =	swait.ge [sflag:s15], $0x7D0  }
0x4d: {  	[sflag:s15] =	ssyncset.done $0x0  }
0x4e: {  	[sflag:s15] =	ssyncadd.s32 $0xFFFFF830  }
0x4f: {  	[tilespmem:s12], [sflag:$0x1] =	stream.linear.gather [hbm4b:s10+s3], $0x7D0, $0x38;
	[tilespmem:$0x1D00] =	vst v63  }
0x50: {  	_ =	swait.ge [sflag:s18], $0x7D0  }
0x51: {  	[sflag:s18] =	ssyncset.done $0x0  }
0x52: {  	[sflag:s18] =	ssyncadd.s32 $0xFFFFF830  }
0x53: {  	[spmem:s2] =	stream.indirect.scatter.add.f32 [tilespmem:s3], [sflag:$0x3], $0x1, s13, s17, $0xb8;
	[tilespmem:$0x1D00] =	vst v63  }
0x54: {  	_ =	swait.ge [sflag:s15], $0x7D0  }
0x55: {  	[sflag:s15] =	ssyncset.done $0x0  }
0x56: {  	[sflag:s15] =	ssyncadd.s32 $0xFFFFF830  }
0x57: {  	[tilespmem:s13], [sflag:$0x2] =	stream.linear.gather [hbm4b:s7+s3], $0x7D0, $0x38;
	[tilespmem:$0x1D00] =	vst v63  }
0x58: {  	_ =	swait.ge [sflag:s16], $0x7D0  }
0x59: {  	[sflag:s16] =	ssyncset.done $0x0  }
0x5a: {  	[sflag:s16] =	ssyncadd.s32 $0xFFFFF830  }
0x5b: {  	[spmem:s2] =	stream.indirect.scatter.add.f32 [tilespmem:s3], [sflag:$0x3], $0x1, s12, s17, $0xb8;
	[tilespmem:$0x1D00] =	vst v63  }
0x5c: {  	_ =	swait.ge [sflag:s15], $0x7D0  }
0x5d: {  	[sflag:s15] =	ssyncset.done $0x0  }
0x5e: {  	[sflag:s15] =	ssyncadd.s32 $0xFFFFF830  }
0x5f: {  	[tilespmem:s12], [sflag:$0x1] =	stream.linear.gather [hbm4b:s11+s3], $0x7D0, $0x38;
	[tilespmem:$0x1D00] =	vst v63  }
0x60: {  	_ =	swait.ge [sflag:s18], $0x7D0  }
0x61: {  	[sflag:s18] =	ssyncset.done $0x0  }
0x62: {  	[sflag:s18] =	ssyncadd.s32 $0xFFFFF830  }
0x63: {  	[spmem:s2] =	stream.indirect.scatter.add.f32 [tilespmem:s3], [sflag:$0x3], $0x1, s13, s17, $0xb8;
	[tilespmem:$0x1D00] =	vst v63  }
0x64: {  	_ =	swait.ge [sflag:s15], $0x7D0  }
0x65: {  	[sflag:s15] =	ssyncset.done $0x0  }
0x66: {  	[sflag:s15] =	ssyncadd.s32 $0xFFFFF830  }
0x67: {  	_ =	swait.ge [sflag:s16], $0x7D0  }
0x68: {  	[sflag:s16] =	ssyncset.done $0x0  }
0x69: {  	[sflag:s16] =	ssyncadd.s32 $0xFFFFF830  }
0x6a: {  	[spmem:s2] =	stream.indirect.scatter.add.f32 [tilespmem:s3], [sflag:$0x3], $0x1, s12, s17, $0xb8;
	[tilespmem:$0x1D00] =	vst v63  }
0x6b: {  	_ =	swait.ge [sflag:s15], $0x7D0  }
0x6c: {  	s23 =	sadd.s32 $0x1, s23;
	[sflag:s15] =	ssyncset.done $0x0  }
0x6d: {  	p0 =	sne.s32 s23, s9;
	[sflag:s15] =	ssyncadd.s32 $0xFFFFF830  }
.Ltmp1:
0x6e: {  	[bflag:$0x0] =	sbarrier.arrive $0xFFFF;
	(pc) =	sbr.rel @p0 .LBB2_1-.Ltmp1, $4  }
0x6f: {  	[hbm:s8@s21], [sflag:s19] =	dma.strided [spmem:s20@s22], $0x50, s16, $0x10   }
0x70: {  	_ =	swait.ge [sflag:s15], $0x50  }
0x71: {  	[sflag:s15] =	ssyncset.done $0x0  }
0x72: {  	[sflag:s15] =	ssyncadd.s32 $0xFFFFFFB0  }
0x73: {  	_ =	sfence.sel $0x180000  }
0x74: {  	[bflag:$0x0] =	sbarrier.arrive $0xFFFF  }
0x75: {  	p0 =	sne.s32 s0, $0x0;
	_ =	strace $0x90000047  }
0x76: {  	s0 =	sadd.s32 @!p0 $0x100000, s1;
	[bflag:$0x2] =	sbarrier.arrive $0xFFFF  }
0x77: {  	[sflag:s0] =	ssyncadd.tile.s32 @!p0 $0x1;
	_ =	shalt  }
.Lfunc_end2:
_tile_overlayer_lowered:
.L_overlay_start_2:
0x78: {  	(tag) =	ssettag $0x2  }
0x79: {  	s0 =	rddreg [dreg:$0x0];
	s2 =	stileid.u32  }
0x7a: {  	s1 =	rddreg [dreg:$0x1];
	p0 =	sne.s32 s2, $0x0  }
0x7b: {  	s3 =	rddreg [dreg:$0x2];
	[bflag:$0x3] =	sbarrier.arrive $0xFFFF;
	s2 =	simm.s32 @!p0 $0x1C03  }
0x7c: {  	[timem:s3], [sflag:s2] =	dma.local @!p0 [hbm:s0], s1  }
0x7d: {  	s0 =	simm.s32 @!p0 $0x3  }
0x7e: {  	_ =	swait.ge @!p0 [sflag:s0], s1  }
0x7f: {  	s1 =	ssub.s32 @!p0 $0x0, s1;
	[sflag:s0] =	ssyncset.done @!p0 $0x0  }
0x80: {  	[sflag:s0] =	ssyncadd.s32 @!p0 s1  }
0x81: {  	[bflag:$0x3] =	sbarrier.arrive $0xFFFF  }
0x82: {  	_ =	shalt  }

</sc_bundles>
